<compile_context>
chip_gen: v7x
topology: tpu7x:2x2x1
jax: 0.10.2.dev20260603
libtpu: 0.0.44.dev20260713+nightly
codegen_flags: <defaults>
</compile_context>

<pallas_src>
import functools

import jax
import jax.numpy as jnp
from jax import lax
from jax.experimental import pallas as pl
from jax.experimental.pallas import tpu as pltpu
from jax.experimental.pallas import tpu_sc as plsc

N = 10000
E = 320000
D = 128
H1 = 1550
H1P = 1664
H2 = 512
C = 50
G = 64

NS = 16
CHUNK = 128
ECP = 2560
CPT = ECP // NS
NP_ = 10112
STRIPE = NP_ // NS
IBLK = 16
RB = 400
NB = N // RB

_f32 = jnp.float32
_HIGH = lax.Precision.HIGHEST


def _sc_mesh():
  return plsc.VectorSubcoreMesh(core_axis_name="c", subcore_axis_name="s")


def _sc_layer1(x, srcf, dstf, z128, ones128):

  @functools.partial(
      pl.kernel,
      out_type=(jax.ShapeDtypeStruct((NP_, D), _f32),
                jax.ShapeDtypeStruct((NP_, D), _f32)),
      mesh=_sc_mesh(),
      scratch_types=[
          [pltpu.VMEM((CHUNK,), jnp.int32)] * 2,
          [pltpu.VMEM((CHUNK,), jnp.int32)] * 2,
          [pltpu.VMEM((CHUNK, D), _f32)] * 2,
          pltpu.VMEM_SHARED((NP_, D), _f32),
          [pltpu.SemaphoreType.DMA] * 2,
          [pltpu.SemaphoreType.DMA] * 2,
          [pltpu.SemaphoreType.DMA] * 2,
      ],
  )
  def k(x_hbm, src_hbm, dst_hbm, z128_hbm, ones_hbm,
        agg_hbm, cnt_hbm,
        src_v, dst_v, rows_v, acc_sh, gsem, ssem, isem):
    cid = lax.axis_index("c")
    sid = lax.axis_index("s")
    base = sid * CPT
    row0 = sid * STRIPE

    def load_idx(p, c, with_src):
      off = pl.multiple_of((base + c) * CHUNK, CHUNK)
      dd = pltpu.async_copy(dst_hbm.at[pl.ds(off, CHUNK)], dst_v[p], isem[p])
      if with_src:
        ds_ = pltpu.async_copy(src_hbm.at[pl.ds(off, CHUNK)], src_v[p],
                               isem[p])
        ds_.wait()
      dd.wait()

    def start_gather(p):
      pltpu.async_copy(x_hbm.at[src_v[p]], rows_v[p], gsem[p])

    def wait_gather(p):
      pltpu.make_async_copy(x_hbm.at[src_v[p]], rows_v[p], gsem[p]).wait()

    def start_scatter(p):
      pltpu.async_copy(rows_v[p], acc_sh.at[dst_v[p]], ssem[p], add=True)

    def wait_scatter(p):
      pltpu.make_async_copy(rows_v[p], acc_sh.at[dst_v[p]], ssem[p]).wait()

    pltpu.sync_copy(z128_hbm.at[pl.ds(row0, STRIPE)],
                    acc_sh.at[pl.ds(row0, STRIPE)])

    @pl.when(cid == 0)
    def _():
      plsc.subcore_barrier()
      for p in (0, 1):
        load_idx(p, p, True)
        start_gather(p)

      @pl.loop(0, CPT - 2, step=2)
      def _(j):
        for p in (0, 1):
          wait_gather(p)
          start_scatter(p)
          wait_scatter(p)
          load_idx(p, j + p + 2, True)
          start_gather(p)

      for p in (0, 1):
        wait_gather(p)
        start_scatter(p)
        wait_scatter(p)
      plsc.subcore_barrier()
      pltpu.sync_copy(acc_sh.at[pl.ds(row0, STRIPE)],
                      agg_hbm.at[pl.ds(row0, STRIPE)])

    @pl.when(cid == 1)
    def _():
      pltpu.sync_copy(ones_hbm, rows_v[0])
      pltpu.sync_copy(ones_hbm, rows_v[1])
      plsc.subcore_barrier()
      for p in (0, 1):
        load_idx(p, p, False)
        start_scatter(p)

      @pl.loop(0, CPT - 2, step=2)
      def _(j):
        for p in (0, 1):
          wait_scatter(p)
          load_idx(p, j + p + 2, False)
          start_scatter(p)

      for p in (0, 1):
        wait_scatter(p)
      plsc.subcore_barrier()
      pltpu.sync_copy(acc_sh.at[pl.ds(row0, STRIPE)],
                      cnt_hbm.at[pl.ds(row0, STRIPE)])

  return k(x, srcf, dstf, z128, ones128)


def _sc_layer2(pa, pb, pc, pd, srcf, dstf, z128):

  @functools.partial(
      pl.kernel,
      out_type=tuple(jax.ShapeDtypeStruct((NP_, D), _f32) for _ in range(4)),
      mesh=_sc_mesh(),
      scratch_types=[
          [pltpu.VMEM((CHUNK,), jnp.int32)] * 2,
          [pltpu.VMEM((CHUNK,), jnp.int32)] * 2,
          [pltpu.VMEM((CHUNK, D), _f32)] * 2,
          pltpu.VMEM_SHARED((NP_, D), _f32),
          [pltpu.SemaphoreType.DMA] * 2,
          [pltpu.SemaphoreType.DMA] * 2,
          [pltpu.SemaphoreType.DMA] * 2,
      ],
  )
  def k(pa_hbm, pb_hbm, pc_hbm, pd_hbm, src_hbm, dst_hbm, z_hbm,
        oa_hbm, ob_hbm, oc_hbm, od_hbm,
        src_v, dst_v, rows_v, acc_sh, gsem, ssem, isem):
    cid = lax.axis_index("c")
    sid = lax.axis_index("s")
    base = sid * CPT
    row0 = sid * STRIPE

    def load_idx(p, c):
      off = pl.multiple_of((base + c) * CHUNK, CHUNK)
      dd = pltpu.async_copy(dst_hbm.at[pl.ds(off, CHUNK)], dst_v[p], isem[p])
      ds_ = pltpu.async_copy(src_hbm.at[pl.ds(off, CHUNK)], src_v[p], isem[p])
      ds_.wait()
      dd.wait()

    def run(table_hbm, out_hbm):
      def start_gather(p):
        pltpu.async_copy(table_hbm.at[src_v[p]], rows_v[p], gsem[p])

      def wait_gather(p):
        pltpu.make_async_copy(table_hbm.at[src_v[p]], rows_v[p],
                              gsem[p]).wait()

      def start_scatter(p):
        pltpu.async_copy(rows_v[p], acc_sh.at[dst_v[p]], ssem[p], add=True)

      def wait_scatter(p):
        pltpu.make_async_copy(rows_v[p], acc_sh.at[dst_v[p]], ssem[p]).wait()

      pltpu.sync_copy(z_hbm.at[pl.ds(row0, STRIPE)],
                      acc_sh.at[pl.ds(row0, STRIPE)])
      plsc.subcore_barrier()
      for p in (0, 1):
        load_idx(p, p)
        start_gather(p)

      @pl.loop(0, CPT - 2, step=2)
      def _(j):
        for p in (0, 1):
          wait_gather(p)
          start_scatter(p)
          wait_scatter(p)
          load_idx(p, j + p + 2)
          start_gather(p)

      for p in (0, 1):
        wait_gather(p)
        start_scatter(p)
        wait_scatter(p)
      plsc.subcore_barrier()
      pltpu.sync_copy(acc_sh.at[pl.ds(row0, STRIPE)],
                      out_hbm.at[pl.ds(row0, STRIPE)])
      plsc.subcore_barrier()

    @pl.when(cid == 0)
    def _():
      run(pa_hbm, oa_hbm)
      run(pb_hbm, ob_hbm)

    @pl.when(cid == 1)
    def _():
      run(pc_hbm, oc_hbm)
      run(pd_hbm, od_hbm)

  return k(pa, pb, pc, pd, srcf, dstf, z128)


def _split_bf16(w):
  hi = w.astype(jnp.bfloat16)
  lo = (w - hi.astype(_f32)).astype(jnp.bfloat16)
  return hi, lo


def _dot3(a, w_hi, w_lo):
  a_hi = a.astype(jnp.bfloat16)
  a_lo = (a - a_hi.astype(_f32)).astype(jnp.bfloat16)
  out = jnp.dot(a_hi, w_hi, preferred_element_type=_f32)
  out += jnp.dot(a_hi, w_lo, preferred_element_type=_f32)
  out += jnp.dot(a_lo, w_hi, preferred_element_type=_f32)
  return out


def _tc_dense1(x, agg1, cnt, w1l_hi, w1l_lo, w1r_hi, w1r_lo, c1,
               w2l_hi, w2l_lo, w2r_hi, w2r_lo):

  def body(x_ref, a_ref, c_ref, w1lh_ref, w1ll_ref, w1rh_ref, w1rl_ref,
           c1_ref, w2lh_ref, w2ll_ref, w2rh_ref, w2rl_ref,
           pa_ref, pb_ref, pc_ref, pd_ref, r2_ref):
    deg = jnp.clip(c_ref[:, 0:1], 1.0, None)
    mean = a_ref[...] / deg
    h = _dot3(mean, w1lh_ref[...], w1ll_ref[...])
    h = h + _dot3(x_ref[...], w1rh_ref[...], w1rl_ref[...])
    h = jnp.maximum(h + c1_ref[...], 0.0)
    p2 = _dot3(h, w2lh_ref[...], w2ll_ref[...])
    r2 = _dot3(h, w2rh_ref[...], w2rl_ref[...])
    pa_ref[...] = p2[:, 0:128]
    pb_ref[...] = p2[:, 128:256]
    pc_ref[...] = p2[:, 256:384]
    pd_ref[...] = p2[:, 384:512]
    r2_ref[...] = r2

  n128 = jax.ShapeDtypeStruct((N, 128), _f32)
  wspec1 = pl.BlockSpec((D, H1P), lambda i: (0, 0))
  wspec2 = pl.BlockSpec((H1P, H2), lambda i: (0, 0))
  return pl.pallas_call(
      body,
      grid=(NB,),
      in_specs=[
          pl.BlockSpec((RB, D), lambda i: (i, 0)),
          pl.BlockSpec((RB, D), lambda i: (i, 0)),
          pl.BlockSpec((RB, 128), lambda i: (i, 0)),
          wspec1,
          wspec1,
          wspec1,
          wspec1,
          pl.BlockSpec((1, H1P), lambda i: (0, 0)),
          wspec2,
          wspec2,
          wspec2,
          wspec2,
      ],
      out_specs=[
          pl.BlockSpec((RB, 128), lambda i: (i, 0)),
          pl.BlockSpec((RB, 128), lambda i: (i, 0)),
          pl.BlockSpec((RB, 128), lambda i: (i, 0)),
          pl.BlockSpec((RB, 128), lambda i: (i, 0)),
          pl.BlockSpec((RB, H2), lambda i: (i, 0)),
      ],
      out_shape=(n128, n128, n128, n128, jax.ShapeDtypeStruct((N, H2), _f32)),
  )(x, agg1, cnt, w1l_hi, w1l_lo, w1r_hi, w1r_lo, c1,
    w2l_hi, w2l_lo, w2r_hi, w2r_lo)


def _tc_dense2(aa, ab, ac, ad, cnt, r2, c2, batch3, wf, bf):

  def body(aa_ref, ab_ref, ac_ref, ad_ref, c_ref, r2_ref, c2_ref, b3_ref,
           wf_ref, bf_ref, out_ref, pooled, gcnt):
    i = pl.program_id(0)

    @pl.when(i == 0)
    def _():
      pooled[...] = jnp.zeros_like(pooled)
      gcnt[...] = jnp.zeros_like(gcnt)

    inv = 1.0 / jnp.clip(c_ref[:, 0:1], 1.0, None)
    parts = []
    for c, aref in enumerate((aa_ref, ab_ref, ac_ref, ad_ref)):
      m = aref[...] * inv
      parts.append(m + r2_ref[:, c * 128:(c + 1) * 128]
                   + c2_ref[:, c * 128:(c + 1) * 128])
    h2 = jnp.maximum(jnp.concatenate(parts, axis=1), 0.0)

    b = b3_ref[0, 0, :]
    onehot_t = (b[None, :] == lax.broadcasted_iota(jnp.int32, (G, RB), 0)
                ).astype(_f32)
    gcnt[...] = gcnt[...] + jnp.sum(onehot_t, axis=1, keepdims=True)
    pooled[...] = pooled[...] + lax.dot_general(
        onehot_t, h2, (((1,), (0,)), ((), ())),
        preferred_element_type=_f32, precision=_HIGH)

    @pl.when(i == NB - 1)
    def _():
      cc = jnp.clip(gcnt[:, 0:1], 1.0, None)
      pm = pooled[...] / cc
      logits = jnp.dot(pm, wf_ref[...], preferred_element_type=_f32,
                       precision=_HIGH) + bf_ref[...]
      col = lax.broadcasted_iota(jnp.int32, (G, 128), 1)
      lm = jnp.where(col < C, logits, jnp.float32(-1e30))
      mx = jnp.max(lm, axis=1, keepdims=True)
      ex = jnp.where(col < C, jnp.exp(lm - mx), 0.0)
      lse = jnp.log(jnp.sum(ex, axis=1, keepdims=True)) + mx
      out_ref[...] = (lm - lse)[:, :C]

  return pl.pallas_call(
      body,
      grid=(NB,),
      in_specs=[
          pl.BlockSpec((RB, 128), lambda i: (i, 0)),
          pl.BlockSpec((RB, 128), lambda i: (i, 0)),
          pl.BlockSpec((RB, 128), lambda i: (i, 0)),
          pl.BlockSpec((RB, 128), lambda i: (i, 0)),
          pl.BlockSpec((RB, 128), lambda i: (i, 0)),
          pl.BlockSpec((RB, H2), lambda i: (i, 0)),
          pl.BlockSpec((1, H2), lambda i: (0, 0)),
          pl.BlockSpec((1, 1, RB), lambda i: (i, 0, 0)),
          pl.BlockSpec((H2, 128), lambda i: (0, 0)),
          pl.BlockSpec((1, 128), lambda i: (0, 0)),
      ],
      out_specs=pl.BlockSpec((G, C), lambda i: (0, 0)),
      out_shape=jax.ShapeDtypeStruct((G, C), _f32),
      scratch_shapes=[
          pltpu.VMEM((G, H2), _f32),
          pltpu.VMEM((G, 128), _f32),
      ],
  )(aa, ab, ac, ad, cnt, r2, c2, batch3, wf, bf)


def kernel(x, edge_index, batch, W1l, b1l, W1r, bn1_g, bn1_b, bn1_m, bn1_v,
           W2l, b2l, W2r, bn2_g, bn2_b, bn2_m, bn2_v, Wf, bf):
  eps = 1e-5
  s1 = bn1_g / jnp.sqrt(bn1_v + eps)
  t1 = bn1_b - bn1_m * s1
  w1l = jnp.pad(W1l * s1[None, :], ((0, 0), (0, H1P - H1)))
  w1r = jnp.pad(W1r * s1[None, :], ((0, 0), (0, H1P - H1)))
  c1 = jnp.pad(b1l * s1 + t1, (0, H1P - H1))[None, :]
  s2 = bn2_g / jnp.sqrt(bn2_v + eps)
  t2 = bn2_b - bn2_m * s2
  w2l = jnp.pad(W2l * s2[None, :], ((0, H1P - H1), (0, 0)))
  w2r = jnp.pad(W2r * s2[None, :], ((0, H1P - H1), (0, 0)))
  c2 = (b2l * s2 + t2)[None, :]
  wf = jnp.pad(Wf, ((0, 0), (0, 128 - C)))
  bfp = jnp.pad(bf, (0, 128 - C))[None, :]

  src = edge_index[0].astype(jnp.int32)
  dst = edge_index[1].astype(jnp.int32)
  srcf = jnp.pad(src, (0, ECP * CHUNK - E))
  dstf = jnp.pad(dst, (0, ECP * CHUNK - E), constant_values=N)
  z128 = jnp.zeros((NP_, D), _f32)
  ones128 = jnp.ones((CHUNK, D), _f32)
  batch3 = batch.astype(jnp.int32).reshape(NB, 1, RB)
  xf = x.astype(_f32)

  agg1p, cntp = _sc_layer1(xf, srcf, dstf, z128, ones128)
  agg1 = agg1p[:N]
  cnt = cntp[:N]
  w1l_hi, w1l_lo = _split_bf16(w1l)
  w1r_hi, w1r_lo = _split_bf16(w1r)
  w2l_hi, w2l_lo = _split_bf16(w2l)
  w2r_hi, w2r_lo = _split_bf16(w2r)
  pa, pb, pc, pd, r2 = _tc_dense1(xf, agg1, cnt, w1l_hi, w1l_lo,
                                  w1r_hi, w1r_lo, c1,
                                  w2l_hi, w2l_lo, w2r_hi, w2r_lo)
  oa, ob, oc, od = _sc_layer2(pa, pb, pc, pd, srcf, dstf, z128)
  return _tc_dense2(oa[:N], ob[:N], oc[:N], od[:N], cnt, r2, c2, batch3,
                    wf, bfp)

# --- scband reference (transcript-rebuilt; emitter-appended) ---
"""Pipeline reference for scband-classify-net-39307540693294 (READ-ONLY COPY).

The authoritative reference and input builder live on the scoring server;
editing this copy changes nothing except your own understanding.
"""

import jax, jax.numpy as jnp
import numpy as np

N = 10000
E = 320000
D = 128
H1 = 1550
H2 = 512
C = 50
G = 64


def setup_inputs(seed: int = 0) -> dict:
    key = jax.random.key(seed)
    ks = jax.random.split(key, 16)
    inp = {}
    inp['x'] = jax.random.normal(ks[0], (N, D), dtype=jnp.float32)
    inp['edge_index'] = jax.random.randint(ks[1], (2, E), 0, N)
    inp['batch'] = jnp.sort(jax.random.randint(ks[2], (N,), 0, G))
    # SAGEConv 1: lin_l (applied to aggregated neighbors, with bias), lin_r (root, no bias)
    inp['W1l'] = jax.random.normal(ks[3], (D, H1), dtype=jnp.float32) * 0.05
    inp['b1l'] = jnp.zeros((H1,), dtype=jnp.float32)
    inp['W1r'] = jax.random.normal(ks[4], (D, H1), dtype=jnp.float32) * 0.05
    # BatchNorm1d(1550) eval-mode params / running stats
    inp['bn1_g'] = jnp.ones((H1,), dtype=jnp.float32)
    inp['bn1_b'] = jnp.zeros((H1,), dtype=jnp.float32)
    inp['bn1_m'] = jnp.zeros((H1,), dtype=jnp.float32)
    inp['bn1_v'] = jnp.ones((H1,), dtype=jnp.float32)
    # SAGEConv 2
    inp['W2l'] = jax.random.normal(ks[5], (H1, H2), dtype=jnp.float32) * 0.02
    inp['b2l'] = jnp.zeros((H2,), dtype=jnp.float32)
    inp['W2r'] = jax.random.normal(ks[6], (H1, H2), dtype=jnp.float32) * 0.02
    # BatchNorm1d(512)
    inp['bn2_g'] = jnp.ones((H2,), dtype=jnp.float32)
    inp['bn2_b'] = jnp.zeros((H2,), dtype=jnp.float32)
    inp['bn2_m'] = jnp.zeros((H2,), dtype=jnp.float32)
    inp['bn2_v'] = jnp.ones((H2,), dtype=jnp.float32)
    # fc
    inp['Wf'] = jax.random.normal(ks[7], (H2, C), dtype=jnp.float32) * 0.04
    inp['bf'] = jnp.zeros((C,), dtype=jnp.float32)
    return inp


def _sage_conv(x, edge_index, Wl, bl, Wr):
    src = edge_index[0]
    dst = edge_index[1]
    msg = jnp.take(x, src, axis=0)
    agg = jax.ops.segment_sum(msg, dst, num_segments=x.shape[0])
    deg = jax.ops.segment_sum(jnp.ones((edge_index.shape[1],), dtype=x.dtype), dst,
                              num_segments=x.shape[0])
    mean = agg / jnp.clip(deg, 1.0, None)[:, None]
    return mean @ Wl + bl + x @ Wr


def _bn_eval(x, g, b, m, v, eps=1e-5):
    return (x - m) / jnp.sqrt(v + eps) * g + b


def reference(x, edge_index, batch, W1l, b1l, W1r, bn1_g, bn1_b, bn1_m, bn1_v,
              W2l, b2l, W2r, bn2_g, bn2_b, bn2_m, bn2_v, Wf, bf):
    h = _sage_conv(x, edge_index, W1l, b1l, W1r)
    h = _bn_eval(h, bn1_g, bn1_b, bn1_m, bn1_v)
    h = jax.nn.relu(h)
    # dropout p=0.8 is identity in eval mode
    h = _sage_conv(h, edge_index, W2l, b2l, W2r)
    h = _bn_eval(h, bn2_g, bn2_b, bn2_m, bn2_v)
    h = jax.nn.relu(h)
    # global_mean_pool over batch assignment
    pooled_sum = jax.ops.segment_sum(h, batch, num_segments=G)
    counts = jax.ops.segment_sum(jnp.ones((h.shape[0],), dtype=h.dtype), batch,
                                 num_segments=G)
    pooled = pooled_sum / jnp.clip(counts, 1.0, None)[:, None]
    logits = pooled @ Wf + bf
    return jax.nn.log_softmax(logits, axis=1)

if __name__ == "__main__":
    import jax
    _d = setup_inputs()
    print(jax.jit(kernel)(*tuple(_d.values())))

</pallas_src>

<mosaic_0001>
#map = affine_map<(d0, d1) -> (0, 0)>
#map1 = affine_map<(d0, d1) -> (0)>
module attributes {stable_mosaic.version = 14 : i64} {
  func.func @k(%arg0: i32, %arg1: i32, %arg2: memref<10000x128xf32, #tpu.memory_space<hbm>>, %arg3: memref<10000x128xf32, #tpu.memory_space<hbm>>, %arg4: memref<10000x128xf32, #tpu.memory_space<hbm>>, %arg5: memref<10000x128xf32, #tpu.memory_space<hbm>>, %arg6: memref<327680xi32, #tpu.memory_space<hbm>>, %arg7: memref<327680xi32, #tpu.memory_space<hbm>>, %arg8: memref<10112x128xf32, #tpu.memory_space<hbm>>, %arg9: memref<10112x128xf32, #tpu.memory_space<hbm>>, %arg10: memref<10112x128xf32, #tpu.memory_space<hbm>>, %arg11: memref<10112x128xf32, #tpu.memory_space<hbm>>, %arg12: memref<10112x128xf32, #tpu.memory_space<hbm>>, %arg13: memref<128xi32, #tpu.memory_space<vmem>>, %arg14: memref<128xi32, #tpu.memory_space<vmem>>, %arg15: memref<128xi32, #tpu.memory_space<vmem>>, %arg16: memref<128xi32, #tpu.memory_space<vmem>>, %arg17: memref<128x128xf32, #tpu.memory_space<vmem>>, %arg18: memref<128x128xf32, #tpu.memory_space<vmem>>, %arg19: memref<10112x128xf32, #tpu.memory_space<vmem_shared>>, %arg20: memref<!tpu.dma_semaphore, #tpu.memory_space<semaphore_mem>>, %arg21: memref<!tpu.dma_semaphore, #tpu.memory_space<semaphore_mem>>, %arg22: memref<!tpu.dma_semaphore, #tpu.memory_space<semaphore_mem>>, %arg23: memref<!tpu.dma_semaphore, #tpu.memory_space<semaphore_mem>>, %arg24: memref<!tpu.dma_semaphore, #tpu.memory_space<semaphore_mem>>, %arg25: memref<!tpu.dma_semaphore, #tpu.memory_space<semaphore_mem>>) attributes {dimension_semantics = [#tpu.dimension_semantics<core_parallel>, #tpu.dimension_semantics<subcore_parallel>], iteration_bounds = array<i64: 2, 16>, scalar_prefetch = 0 : i64, scratch_operands = 13 : i64, tpu.core_type = #tpu.core_type<sc_vector_subcore>, window_params = [{transform_indices = #map}, {transform_indices = #map}, {transform_indices = #map}, {transform_indices = #map}, {transform_indices = #map1}, {transform_indices = #map1}, {transform_indices = #map}, {transform_indices = #map}, {transform_indices = #map}, {transform_indices = #map}, {transform_indices = #map}]} {
    %mul3A = arith.constant 160 : i32
    %mul3A_0 = arith.muli %arg1, %mul3A : i32
    %mul3A_1 = arith.constant 632 : i32
    %mul3A_2 = arith.muli %arg1, %mul3A_1 : i32
    %eq3A = arith.constant 0 : i32
    %eq3A_3 = arith.cmpi eq, %arg0, %eq3A : i32
    %convert_element_type3A = arith.extui %eq3A_3 : i1 to i32
    %cond3A = arith.constant 0 : i32
    %cond3A_4 = arith.cmpi ne, %convert_element_type3A, %cond3A : i32
    scf.if %cond3A_4 {
      "tpu.region"() ({
        %run_scoped3A = tpu.sem_alloc : memref<!tpu.dma_semaphore, #tpu.memory_space<semaphore_mem>>
        %dma_start3A_120 = arith.constant 0 : i32
        %dma_start3A_121 = tpu.memref_slice %arg19[%mul3A_2, %dma_start3A_120] : memref<10112x128xf32, #tpu.memory_space<vmem_shared>> -> memref<632x128xf32, #tpu.memory_space<vmem_shared>>
        %dma_start3A_122 = arith.constant 0 : i32
        %dma_start3A_123 = tpu.memref_slice %arg8[%mul3A_2, %dma_start3A_122] : memref<10112x128xf32, #tpu.memory_space<hbm>> -> memref<632x128xf32, #tpu.memory_space<hbm>>
        tpu.enqueue_dma source(%dma_start3A_123 : memref<632x128xf32, #tpu.memory_space<hbm>>) target(%dma_start3A_121 : memref<632x128xf32, #tpu.memory_space<vmem_shared>>) target_semaphore(%run_scoped3A : memref<!tpu.dma_semaphore, #tpu.memory_space<semaphore_mem>>)
        %dma_wait3A_124 = arith.constant 0 : i32
        %dma_wait3A_125 = tpu.memref_slice %arg19[%mul3A_2, %dma_wait3A_124] : memref<10112x128xf32, #tpu.memory_space<vmem_shared>> -> memref<632x128xf32, #tpu.memory_space<vmem_shared>>
        %dma_wait3A_126 = arith.constant 0 : i32
        %dma_wait3A_127 = tpu.memref_slice %arg8[%mul3A_2, %dma_wait3A_126] : memref<10112x128xf32, #tpu.memory_space<hbm>> -> memref<632x128xf32, #tpu.memory_space<hbm>>
        tpu.wait_dma2 semaphore(%run_scoped3A : memref<!tpu.dma_semaphore, #tpu.memory_space<semaphore_mem>>) src(%dma_wait3A_127 : memref<632x128xf32, #tpu.memory_space<hbm>>) dst(%dma_wait3A_125 : memref<632x128xf32, #tpu.memory_space<vmem_shared>>)
        tpu.yield
      }) : () -> ()
      %barrier3A = arith.constant 0 : index
      tpu.barrier barrier_id(%barrier3A)
      %add3A = arith.constant 0 : i32
      %add3A_10 = arith.addi %mul3A_0, %add3A : i32
      %mul3A_11 = arith.constant 128 : i32
      %mul3A_12 = arith.muli %add3A_10, %mul3A_11 : i32
      %multiple_of3A = tpu.assume_multiple %mul3A_12, 128 : i32
      %dma_start3A = tpu.memref_slice %arg7[%multiple_of3A] : memref<327680xi32, #tpu.memory_space<hbm>> -> memref<128xi32, #tpu.memory_space<hbm>>
      %dma_start3A_13 = tpu.memref_slice %arg7[%multiple_of3A] : memref<327680xi32, #tpu.memory_space<hbm>> -> memref<128xi32, #tpu.memory_space<hbm>>
      tpu.enqueue_dma source(%dma_start3A_13 : memref<128xi32, #tpu.memory_space<hbm>>) target(%arg15 : memref<128xi32, #tpu.memory_space<vmem>>) target_semaphore(%arg24 : memref<!tpu.dma_semaphore, #tpu.memory_space<semaphore_mem>>)
      %dma_start3A_14 = tpu.memref_slice %arg6[%multiple_of3A] : memref<327680xi32, #tpu.memory_space<hbm>> -> memref<128xi32, #tpu.memory_space<hbm>>
      %dma_start3A_15 = tpu.memref_slice %arg6[%multiple_of3A] : memref<327680xi32, #tpu.memory_space<hbm>> -> memref<128xi32, #tpu.memory_space<hbm>>
      tpu.enqueue_dma source(%dma_start3A_15 : memref<128xi32, #tpu.memory_space<hbm>>) target(%arg13 : memref<128xi32, #tpu.memory_space<vmem>>) target_semaphore(%arg24 : memref<!tpu.dma_semaphore, #tpu.memory_space<semaphore_mem>>)
      %dma_wait3A = tpu.memref_slice %arg6[%multiple_of3A] : memref<327680xi32, #tpu.memory_space<hbm>> -> memref<128xi32, #tpu.memory_space<hbm>>
      %dma_wait3A_16 = tpu.memref_slice %arg6[%multiple_of3A] : memref<327680xi32, #tpu.memory_space<hbm>> -> memref<128xi32, #tpu.memory_space<hbm>>
      tpu.wait_dma2 semaphore(%arg24 : memref<!tpu.dma_semaphore, #tpu.memory_space<semaphore_mem>>) src(%dma_wait3A_16 : memref<128xi32, #tpu.memory_space<hbm>>) dst(%arg13 : memref<128xi32, #tpu.memory_space<vmem>>)
      %dma_wait3A_17 = tpu.memref_slice %arg7[%multiple_of3A] : memref<327680xi32, #tpu.memory_space<hbm>> -> memref<128xi32, #tpu.memory_space<hbm>>
      %dma_wait3A_18 = tpu.memref_slice %arg7[%multiple_of3A] : memref<327680xi32, #tpu.memory_space<hbm>> -> memref<128xi32, #tpu.memory_space<hbm>>
      tpu.wait_dma2 semaphore(%arg24 : memref<!tpu.dma_semaphore, #tpu.memory_space<semaphore_mem>>) src(%dma_wait3A_18 : memref<128xi32, #tpu.memory_space<hbm>>) dst(%arg15 : memref<128xi32, #tpu.memory_space<vmem>>)
      %dma_start3A_19 = arith.constant 0 : i32
      %dma_start3A_20 = arith.constant 0 : i32
      %dma_start3A_21 = tpu.memref_slice %arg2[%dma_start3A_19, %dma_start3A_20] : memref<10000x128xf32, #tpu.memory_space<hbm>> -> memref<10000x128xf32, #tpu.memory_space<hbm>>
      tpu.enqueue_indirect_dma source(%dma_start3A_21 : memref<10000x128xf32, #tpu.memory_space<hbm>>) target(%arg17 : memref<128x128xf32, #tpu.memory_space<vmem>>) offsets(%arg13 : memref<128xi32, #tpu.memory_space<vmem>>) semaphore(%arg20 : memref<!tpu.dma_semaphore, #tpu.memory_space<semaphore_mem>>)
      %add3A_22 = arith.constant 1 : i32
      %add3A_23 = arith.addi %mul3A_0, %add3A_22 : i32
      %mul3A_24 = arith.constant 128 : i32
      %mul3A_25 = arith.muli %add3A_23, %mul3A_24 : i32
      %multiple_of3A_26 = tpu.assume_multiple %mul3A_25, 128 : i32
      %dma_start3A_27 = tpu.memref_slice %arg7[%multiple_of3A_26] : memref<327680xi32, #tpu.memory_space<hbm>> -> memref<128xi32, #tpu.memory_space<hbm>>
      %dma_start3A_28 = tpu.memref_slice %arg7[%multiple_of3A_26] : memref<327680xi32, #tpu.memory_space<hbm>> -> memref<128xi32, #tpu.memory_space<hbm>>
      tpu.enqueue_dma source(%dma_start3A_28 : memref<128xi32, #tpu.memory_space<hbm>>) target(%arg16 : memref<128xi32, #tpu.memory_space<vmem>>) target_semaphore(%arg25 : memref<!tpu.dma_semaphore, #tpu.memory_space<semaphore_mem>>)
      %dma_start3A_29 = tpu.memref_slice %arg6[%multiple_of3A_26] : memref<327680xi32, #tpu.memory_space<hbm>> -> memref<128xi32, #tpu.memory_space<hbm>>
      %dma_start3A_30 = tpu.memref_slice %arg6[%multiple_of3A_26] : memref<327680xi32, #tpu.memory_space<hbm>> -> memref<128xi32, #tpu.memory_space<hbm>>
      tpu.enqueue_dma source(%dma_start3A_30 : memref<128xi32, #tpu.memory_space<hbm>>) target(%arg14 : memref<128xi32, #tpu.memory_space<vmem>>) target_semaphore(%arg25 : memref<!tpu.dma_semaphore, #tpu.memory_space<semaphore_mem>>)
      %dma_wait3A_31 = tpu.memref_slice %arg6[%multiple_of3A_26] : memref<327680xi32, #tpu.memory_space<hbm>> -> memref<128xi32, #tpu.memory_space<hbm>>
      %dma_wait3A_32 = tpu.memref_slice %arg6[%multiple_of3A_26] : memref<327680xi32, #tpu.memory_space<hbm>> -> memref<128xi32, #tpu.memory_space<hbm>>
      tpu.wait_dma2 semaphore(%arg25 : memref<!tpu.dma_semaphore, #tpu.memory_space<semaphore_mem>>) src(%dma_wait3A_32 : memref<128xi32, #tpu.memory_space<hbm>>) dst(%arg14 : memref<128xi32, #tpu.memory_space<vmem>>)
      %dma_wait3A_33 = tpu.memref_slice %arg7[%multiple_of3A_26] : memref<327680xi32, #tpu.memory_space<hbm>> -> memref<128xi32, #tpu.memory_space<hbm>>
      %dma_wait3A_34 = tpu.memref_slice %arg7[%multiple_of3A_26] : memref<327680xi32, #tpu.memory_space<hbm>> -> memref<128xi32, #tpu.memory_space<hbm>>
      tpu.wait_dma2 semaphore(%arg25 : memref<!tpu.dma_semaphore, #tpu.memory_space<semaphore_mem>>) src(%dma_wait3A_34 : memref<128xi32, #tpu.memory_space<hbm>>) dst(%arg16 : memref<128xi32, #tpu.memory_space<vmem>>)
      %dma_start3A_35 = arith.constant 0 : i32
      %dma_start3A_36 = arith.constant 0 : i32
      %dma_start3A_37 = tpu.memref_slice %arg2[%dma_start3A_35, %dma_start3A_36] : memref<10000x128xf32, #tpu.memory_space<hbm>> -> memref<10000x128xf32, #tpu.memory_space<hbm>>
      tpu.enqueue_indirect_dma source(%dma_start3A_37 : memref<10000x128xf32, #tpu.memory_space<hbm>>) target(%arg18 : memref<128x128xf32, #tpu.memory_space<vmem>>) offsets(%arg14 : memref<128xi32, #tpu.memory_space<vmem>>) semaphore(%arg21 : memref<!tpu.dma_semaphore, #tpu.memory_space<semaphore_mem>>)
      %scan3A = arith.constant 0 : i32
      %scan3A_38 = arith.constant 79 : i32
      %scan3A_39 = arith.addi %scan3A, %scan3A_38 : i32
      %scan3A_40 = arith.constant 1 : i32
      scf.for %scan3A_120 = %scan3A to %scan3A_39 step %scan3A_40  : i32 {
        %mul3A_121 = arith.constant 2 : i32
        %mul3A_122 = arith.muli %scan3A_120, %mul3A_121 : i32
        %add3A_123 = arith.constant 0 : i32
        %add3A_124 = arith.addi %add3A_123, %mul3A_122 : i32
        %dma_wait3A_125 = arith.constant 0 : i32
        %dma_wait3A_126 = arith.constant 0 : i32
        %dma_wait3A_127 = tpu.memref_slice %arg2[%dma_wait3A_125, %dma_wait3A_126] : memref<10000x128xf32, #tpu.memory_space<hbm>> -> memref<10000x128xf32, #tpu.memory_space<hbm>>
        tpu.wait_indirect_dma semaphore(%arg20 : memref<!tpu.dma_semaphore, #tpu.memory_space<semaphore_mem>>) src(%dma_wait3A_127 : memref<10000x128xf32, #tpu.memory_space<hbm>>) dst(%arg17 : memref<128x128xf32, #tpu.memory_space<vmem>>)
        %dma_start3A_128 = arith.constant 0 : i32
        %dma_start3A_129 = arith.constant 0 : i32
        %dma_start3A_130 = tpu.memref_slice %arg19[%dma_start3A_128, %dma_start3A_129] : memref<10112x128xf32, #tpu.memory_space<vmem_shared>> -> memref<10112x128xf32, #tpu.memory_space<vmem_shared>>
        tpu.enqueue_indirect_dma source(%arg17 : memref<128x128xf32, #tpu.memory_space<vmem>>) target(%dma_start3A_130 : memref<10112x128xf32, #tpu.memory_space<vmem_shared>>) offsets(%arg15 : memref<128xi32, #tpu.memory_space<vmem>>) semaphore(%arg22 : memref<!tpu.dma_semaphore, #tpu.memory_space<semaphore_mem>>) {add = true}
        %dma_wait3A_131 = arith.constant 0 : i32
        %dma_wait3A_132 = arith.constant 0 : i32
        %dma_wait3A_133 = tpu.memref_slice %arg19[%dma_wait3A_131, %dma_wait3A_132] : memref<10112x128xf32, #tpu.memory_space<vmem_shared>> -> memref<10112x128xf32, #tpu.memory_space<vmem_shared>>
        tpu.wait_indirect_dma semaphore(%arg22 : memref<!tpu.dma_semaphore, #tpu.memory_space<semaphore_mem>>) src(%arg17 : memref<128x128xf32, #tpu.memory_space<vmem>>) dst(%dma_wait3A_133 : memref<10112x128xf32, #tpu.memory_space<vmem_shared>>)
        %add3A_134 = arith.constant 0 : i32
        %add3A_135 = arith.addi %add3A_124, %add3A_134 : i32
        %add3A_136 = arith.constant 2 : i32
        %add3A_137 = arith.addi %add3A_135, %add3A_136 : i32
        %add3A_138 = arith.addi %mul3A_0, %add3A_137 : i32
        %mul3A_139 = arith.constant 128 : i32
        %mul3A_140 = arith.muli %add3A_138, %mul3A_139 : i32
        %multiple_of3A_141 = tpu.assume_multiple %mul3A_140, 128 : i32
        %dma_start3A_142 = tpu.memref_slice %arg7[%multiple_of3A_141] : memref<327680xi32, #tpu.memory_space<hbm>> -> memref<128xi32, #tpu.memory_space<hbm>>
        %dma_start3A_143 = tpu.memref_slice %arg7[%multiple_of3A_141] : memref<327680xi32, #tpu.memory_space<hbm>> -> memref<128xi32, #tpu.memory_space<hbm>>
        tpu.enqueue_dma source(%dma_start3A_143 : memref<128xi32, #tpu.memory_space<hbm>>) target(%arg15 : memref<128xi32, #tpu.memory_space<vmem>>) target_semaphore(%arg24 : memref<!tpu.dma_semaphore, #tpu.memory_space<semaphore_mem>>)
        %dma_start3A_144 = tpu.memref_slice %arg6[%multiple_of3A_141] : memref<327680xi32, #tpu.memory_space<hbm>> -> memref<128xi32, #tpu.memory_space<hbm>>
        %dma_start3A_145 = tpu.memref_slice %arg6[%multiple_of3A_141] : memref<327680xi32, #tpu.memory_space<hbm>> -> memref<128xi32, #tpu.memory_space<hbm>>
        tpu.enqueue_dma source(%dma_start3A_145 : memref<128xi32, #tpu.memory_space<hbm>>) target(%arg13 : memref<128xi32, #tpu.memory_space<vmem>>) target_semaphore(%arg24 : memref<!tpu.dma_semaphore, #tpu.memory_space<semaphore_mem>>)
        %dma_wait3A_146 = tpu.memref_slice %arg6[%multiple_of3A_141] : memref<327680xi32, #tpu.memory_space<hbm>> -> memref<128xi32, #tpu.memory_space<hbm>>
        %dma_wait3A_147 = tpu.memref_slice %arg6[%multiple_of3A_141] : memref<327680xi32, #tpu.memory_space<hbm>> -> memref<128xi32, #tpu.memory_space<hbm>>
        tpu.wait_dma2 semaphore(%arg24 : memref<!tpu.dma_semaphore, #tpu.memory_space<semaphore_mem>>) src(%dma_wait3A_147 : memref<128xi32, #tpu.memory_space<hbm>>) dst(%arg13 : memref<128xi32, #tpu.memory_space<vmem>>)
        %dma_wait3A_148 = tpu.memref_slice %arg7[%multiple_of3A_141] : memref<327680xi32, #tpu.memory_space<hbm>> -> memref<128xi32, #tpu.memory_space<hbm>>
        %dma_wait3A_149 = tpu.memref_slice %arg7[%multiple_of3A_141] : memref<327680xi32, #tpu.memory_space<hbm>> -> memref<128xi32, #tpu.memory_space<hbm>>
        tpu.wait_dma2 semaphore(%arg24 : memref<!tpu.dma_semaphore, #tpu.memory_space<semaphore_mem>>) src(%dma_wait3A_149 : memref<128xi32, #tpu.memory_space<hbm>>) dst(%arg15 : memref<128xi32, #tpu.memory_space<vmem>>)
        %dma_start3A_150 = arith.constant 0 : i32
        %dma_start3A_151 = arith.constant 0 : i32
        %dma_start3A_152 = tpu.memref_slice %arg2[%dma_start3A_150, %dma_start3A_151] : memref<10000x128xf32, #tpu.memory_space<hbm>> -> memref<10000x128xf32, #tpu.memory_space<hbm>>
        tpu.enqueue_indirect_dma source(%dma_start3A_152 : memref<10000x128xf32, #tpu.memory_space<hbm>>) target(%arg17 : memref<128x128xf32, #tpu.memory_space<vmem>>) offsets(%arg13 : memref<128xi32, #tpu.memory_space<vmem>>) semaphore(%arg20 : memref<!tpu.dma_semaphore, #tpu.memory_space<semaphore_mem>>)
        %dma_wait3A_153 = arith.constant 0 : i32
        %dma_wait3A_154 = arith.constant 0 : i32
        %dma_wait3A_155 = tpu.memref_slice %arg2[%dma_wait3A_153, %dma_wait3A_154] : memref<10000x128xf32, #tpu.memory_space<hbm>> -> memref<10000x128xf32, #tpu.memory_space<hbm>>
        tpu.wait_indirect_dma semaphore(%arg21 : memref<!tpu.dma_semaphore, #tpu.memory_space<semaphore_mem>>) src(%dma_wait3A_155 : memref<10000x128xf32, #tpu.memory_space<hbm>>) dst(%arg18 : memref<128x128xf32, #tpu.memory_space<vmem>>)
        %dma_start3A_156 = arith.constant 0 : i32
        %dma_start3A_157 = arith.constant 0 : i32
        %dma_start3A_158 = tpu.memref_slice %arg19[%dma_start3A_156, %dma_start3A_157] : memref<10112x128xf32, #tpu.memory_space<vmem_shared>> -> memref<10112x128xf32, #tpu.memory_space<vmem_shared>>
        tpu.enqueue_indirect_dma source(%arg18 : memref<128x128xf32, #tpu.memory_space<vmem>>) target(%dma_start3A_158 : memref<10112x128xf32, #tpu.memory_space<vmem_shared>>) offsets(%arg16 : memref<128xi32, #tpu.memory_space<vmem>>) semaphore(%arg23 : memref<!tpu.dma_semaphore, #tpu.memory_space<semaphore_mem>>) {add = true}
        %dma_wait3A_159 = arith.constant 0 : i32
        %dma_wait3A_160 = arith.constant 0 : i32
        %dma_wait3A_161 = tpu.memref_slice %arg19[%dma_wait3A_159, %dma_wait3A_160] : memref<10112x128xf32, #tpu.memory_space<vmem_shared>> -> memref<10112x128xf32, #tpu.memory_space<vmem_shared>>
        tpu.wait_indirect_dma semaphore(%arg23 : memref<!tpu.dma_semaphore, #tpu.memory_space<semaphore_mem>>) src(%arg18 : memref<128x128xf32, #tpu.memory_space<vmem>>) dst(%dma_wait3A_161 : memref<10112x128xf32, #tpu.memory_space<vmem_shared>>)
        %add3A_162 = arith.constant 1 : i32
        %add3A_163 = arith.addi %add3A_124, %add3A_162 : i32
        %add3A_164 = arith.constant 2 : i32
        %add3A_165 = arith.addi %add3A_163, %add3A_164 : i32
        %add3A_166 = arith.addi %mul3A_0, %add3A_165 : i32
        %mul3A_167 = arith.constant 128 : i32
        %mul3A_168 = arith.muli %add3A_166, %mul3A_167 : i32
        %multiple_of3A_169 = tpu.assume_multiple %mul3A_168, 128 : i32
        %dma_start3A_170 = tpu.memref_slice %arg7[%multiple_of3A_169] : memref<327680xi32, #tpu.memory_space<hbm>> -> memref<128xi32, #tpu.memory_space<hbm>>
        %dma_start3A_171 = tpu.memref_slice %arg7[%multiple_of3A_169] : memref<327680xi32, #tpu.memory_space<hbm>> -> memref<128xi32, #tpu.memory_space<hbm>>
        tpu.enqueue_dma source(%dma_start3A_171 : memref<128xi32, #tpu.memory_space<hbm>>) target(%arg16 : memref<128xi32, #tpu.memory_space<vmem>>) target_semaphore(%arg25 : memref<!tpu.dma_semaphore, #tpu.memory_space<semaphore_mem>>)
        %dma_start3A_172 = tpu.memref_slice %arg6[%multiple_of3A_169] : memref<327680xi32, #tpu.memory_space<hbm>> -> memref<128xi32, #tpu.memory_space<hbm>>
        %dma_start3A_173 = tpu.memref_slice %arg6[%multiple_of3A_169] : memref<327680xi32, #tpu.memory_space<hbm>> -> memref<128xi32, #tpu.memory_space<hbm>>
        tpu.enqueue_dma source(%dma_start3A_173 : memref<128xi32, #tpu.memory_space<hbm>>) target(%arg14 : memref<128xi32, #tpu.memory_space<vmem>>) target_semaphore(%arg25 : memref<!tpu.dma_semaphore, #tpu.memory_space<semaphore_mem>>)
        %dma_wait3A_174 = tpu.memref_slice %arg6[%multiple_of3A_169] : memref<327680xi32, #tpu.memory_space<hbm>> -> memref<128xi32, #tpu.memory_space<hbm>>
        %dma_wait3A_175 = tpu.memref_slice %arg6[%multiple_of3A_169] : memref<327680xi32, #tpu.memory_space<hbm>> -> memref<128xi32, #tpu.memory_space<hbm>>
        tpu.wait_dma2 semaphore(%arg25 : memref<!tpu.dma_semaphore, #tpu.memory_space<semaphore_mem>>) src(%dma_wait3A_175 : memref<128xi32, #tpu.memory_space<hbm>>) dst(%arg14 : memref<128xi32, #tpu.memory_space<vmem>>)
        %dma_wait3A_176 = tpu.memref_slice %arg7[%multiple_of3A_169] : memref<327680xi32, #tpu.memory_space<hbm>> -> memref<128xi32, #tpu.memory_space<hbm>>
        %dma_wait3A_177 = tpu.memref_slice %arg7[%multiple_of3A_169] : memref<327680xi32, #tpu.memory_space<hbm>> -> memref<128xi32, #tpu.memory_space<hbm>>
        tpu.wait_dma2 semaphore(%arg25 : memref<!tpu.dma_semaphore, #tpu.memory_space<semaphore_mem>>) src(%dma_wait3A_177 : memref<128xi32, #tpu.memory_space<hbm>>) dst(%arg16 : memref<128xi32, #tpu.memory_space<vmem>>)
        %dma_start3A_178 = arith.constant 0 : i32
        %dma_start3A_179 = arith.constant 0 : i32
        %dma_start3A_180 = tpu.memref_slice %arg2[%dma_start3A_178, %dma_start3A_179] : memref<10000x128xf32, #tpu.memory_space<hbm>> -> memref<10000x128xf32, #tpu.memory_space<hbm>>
        tpu.enqueue_indirect_dma source(%dma_start3A_180 : memref<10000x128xf32, #tpu.memory_space<hbm>>) target(%arg18 : memref<128x128xf32, #tpu.memory_space<vmem>>) offsets(%arg14 : memref<128xi32, #tpu.memory_space<vmem>>) semaphore(%arg21 : memref<!tpu.dma_semaphore, #tpu.memory_space<semaphore_mem>>)
      }
      %scan3A_41 = arith.constant 79 : i32
      %dma_wait3A_42 = arith.constant 0 : i32
      %dma_wait3A_43 = arith.constant 0 : i32
      %dma_wait3A_44 = tpu.memref_slice %arg2[%dma_wait3A_42, %dma_wait3A_43] : memref<10000x128xf32, #tpu.memory_space<hbm>> -> memref<10000x128xf32, #tpu.memory_space<hbm>>
      tpu.wait_indirect_dma semaphore(%arg20 : memref<!tpu.dma_semaphore, #tpu.memory_space<semaphore_mem>>) src(%dma_wait3A_44 : memref<10000x128xf32, #tpu.memory_space<hbm>>) dst(%arg17 : memref<128x128xf32, #tpu.memory_space<vmem>>)
      %dma_start3A_45 = arith.constant 0 : i32
      %dma_start3A_46 = arith.constant 0 : i32
      %dma_start3A_47 = tpu.memref_slice %arg19[%dma_start3A_45, %dma_start3A_46] : memref<10112x128xf32, #tpu.memory_space<vmem_shared>> -> memref<10112x128xf32, #tpu.memory_space<vmem_shared>>
      tpu.enqueue_indirect_dma source(%arg17 : memref<128x128xf32, #tpu.memory_space<vmem>>) target(%dma_start3A_47 : memref<10112x128xf32, #tpu.memory_space<vmem_shared>>) offsets(%arg15 : memref<128xi32, #tpu.memory_space<vmem>>) semaphore(%arg22 : memref<!tpu.dma_semaphore, #tpu.memory_space<semaphore_mem>>) {add = true}
      %dma_wait3A_48 = arith.constant 0 : i32
      %dma_wait3A_49 = arith.constant 0 : i32
      %dma_wait3A_50 = tpu.memref_slice %arg19[%dma_wait3A_48, %dma_wait3A_49] : memref<10112x128xf32, #tpu.memory_space<vmem_shared>> -> memref<10112x128xf32, #tpu.memory_space<vmem_shared>>
      tpu.wait_indirect_dma semaphore(%arg22 : memref<!tpu.dma_semaphore, #tpu.memory_space<semaphore_mem>>) src(%arg17 : memref<128x128xf32, #tpu.memory_space<vmem>>) dst(%dma_wait3A_50 : memref<10112x128xf32, #tpu.memory_space<vmem_shared>>)
      %dma_wait3A_51 = arith.constant 0 : i32
      %dma_wait3A_52 = arith.constant 0 : i32
      %dma_wait3A_53 = tpu.memref_slice %arg2[%dma_wait3A_51, %dma_wait3A_52] : memref<10000x128xf32, #tpu.memory_space<hbm>> -> memref<10000x128xf32, #tpu.memory_space<hbm>>
      tpu.wait_indirect_dma semaphore(%arg21 : memref<!tpu.dma_semaphore, #tpu.memory_space<semaphore_mem>>) src(%dma_wait3A_53 : memref<10000x128xf32, #tpu.memory_space<hbm>>) dst(%arg18 : memref<128x128xf32, #tpu.memory_space<vmem>>)
      %dma_start3A_54 = arith.constant 0 : i32
      %dma_start3A_55 = arith.constant 0 : i32
      %dma_start3A_56 = tpu.memref_slice %arg19[%dma_start3A_54, %dma_start3A_55] : memref<10112x128xf32, #tpu.memory_space<vmem_shared>> -> memref<10112x128xf32, #tpu.memory_space<vmem_shared>>
      tpu.enqueue_indirect_dma source(%arg18 : memref<128x128xf32, #tpu.memory_space<vmem>>) target(%dma_start3A_56 : memref<10112x128xf32, #tpu.memory_space<vmem_shared>>) offsets(%arg16 : memref<128xi32, #tpu.memory_space<vmem>>) semaphore(%arg23 : memref<!tpu.dma_semaphore, #tpu.memory_space<semaphore_mem>>) {add = true}
      %dma_wait3A_57 = arith.constant 0 : i32
      %dma_wait3A_58 = arith.constant 0 : i32
      %dma_wait3A_59 = tpu.memref_slice %arg19[%dma_wait3A_57, %dma_wait3A_58] : memref<10112x128xf32, #tpu.memory_space<vmem_shared>> -> memref<10112x128xf32, #tpu.memory_space<vmem_shared>>
      tpu.wait_indirect_dma semaphore(%arg23 : memref<!tpu.dma_semaphore, #tpu.memory_space<semaphore_mem>>) src(%arg18 : memref<128x128xf32, #tpu.memory_space<vmem>>) dst(%dma_wait3A_59 : memref<10112x128xf32, #tpu.memory_space<vmem_shared>>)
      %barrier3A_60 = arith.constant 0 : index
      tpu.barrier barrier_id(%barrier3A_60)
      "tpu.region"() ({
        %run_scoped3A = tpu.sem_alloc : memref<!tpu.dma_semaphore, #tpu.memory_space<semaphore_mem>>
        %dma_start3A_120 = arith.constant 0 : i32
        %dma_start3A_121 = tpu.memref_slice %arg9[%mul3A_2, %dma_start3A_120] : memref<10112x128xf32, #tpu.memory_space<hbm>> -> memref<632x128xf32, #tpu.memory_space<hbm>>
        %dma_start3A_122 = arith.constant 0 : i32
        %dma_start3A_123 = tpu.memref_slice %arg19[%mul3A_2, %dma_start3A_122] : memref<10112x128xf32, #tpu.memory_space<vmem_shared>> -> memref<632x128xf32, #tpu.memory_space<vmem_shared>>
        tpu.enqueue_dma source(%dma_start3A_123 : memref<632x128xf32, #tpu.memory_space<vmem_shared>>) target(%dma_start3A_121 : memref<632x128xf32, #tpu.memory_space<hbm>>) target_semaphore(%run_scoped3A : memref<!tpu.dma_semaphore, #tpu.memory_space<semaphore_mem>>)
        %dma_wait3A_124 = arith.constant 0 : i32
        %dma_wait3A_125 = tpu.memref_slice %arg9[%mul3A_2, %dma_wait3A_124] : memref<10112x128xf32, #tpu.memory_space<hbm>> -> memref<632x128xf32, #tpu.memory_space<hbm>>
        %dma_wait3A_126 = arith.constant 0 : i32
        %dma_wait3A_127 = tpu.memref_slice %arg19[%mul3A_2, %dma_wait3A_126] : memref<10112x128xf32, #tpu.memory_space<vmem_shared>> -> memref<632x128xf32, #tpu.memory_space<vmem_shared>>
        tpu.wait_dma2 semaphore(%run_scoped3A : memref<!tpu.dma_semaphore, #tpu.memory_space<semaphore_mem>>) src(%dma_wait3A_127 : memref<632x128xf32, #tpu.memory_space<vmem_shared>>) dst(%dma_wait3A_125 : memref<632x128xf32, #tpu.memory_space<hbm>>)
        tpu.yield
      }) : () -> ()
      %barrier3A_61 = arith.constant 0 : index
      tpu.barrier barrier_id(%barrier3A_61)
      "tpu.region"() ({
        %run_scoped3A = tpu.sem_alloc : memref<!tpu.dma_semaphore, #tpu.memory_space<semaphore_mem>>
        %dma_start3A_120 = arith.constant 0 : i32
        %dma_start3A_121 = tpu.memref_slice %arg19[%mul3A_2, %dma_start3A_120] : memref<10112x128xf32, #tpu.memory_space<vmem_shared>> -> memref<632x128xf32, #tpu.memory_space<vmem_shared>>
        %dma_start3A_122 = arith.constant 0 : i32
        %dma_start3A_123 = tpu.memref_slice %arg8[%mul3A_2, %dma_start3A_122] : memref<10112x128xf32, #tpu.memory_space<hbm>> -> memref<632x128xf32, #tpu.memory_space<hbm>>
        tpu.enqueue_dma source(%dma_start3A_123 : memref<632x128xf32, #tpu.memory_space<hbm>>) target(%dma_start3A_121 : memref<632x128xf32, #tpu.memory_space<vmem_shared>>) target_semaphore(%run_scoped3A : memref<!tpu.dma_semaphore, #tpu.memory_space<semaphore_mem>>)
        %dma_wait3A_124 = arith.constant 0 : i32
        %dma_wait3A_125 = tpu.memref_slice %arg19[%mul3A_2, %dma_wait3A_124] : memref<10112x128xf32, #tpu.memory_space<vmem_shared>> -> memref<632x128xf32, #tpu.memory_space<vmem_shared>>
        %dma_wait3A_126 = arith.constant 0 : i32
        %dma_wait3A_127 = tpu.memref_slice %arg8[%mul3A_2, %dma_wait3A_126] : memref<10112x128xf32, #tpu.memory_space<hbm>> -> memref<632x128xf32, #tpu.memory_space<hbm>>
        tpu.wait_dma2 semaphore(%run_scoped3A : memref<!tpu.dma_semaphore, #tpu.memory_space<semaphore_mem>>) src(%dma_wait3A_127 : memref<632x128xf32, #tpu.memory_space<hbm>>) dst(%dma_wait3A_125 : memref<632x128xf32, #tpu.memory_space<vmem_shared>>)
        tpu.yield
      }) : () -> ()
      %barrier3A_62 = arith.constant 0 : index
      tpu.barrier barrier_id(%barrier3A_62)
      %add3A_63 = arith.constant 0 : i32
      %add3A_64 = arith.addi %mul3A_0, %add3A_63 : i32
      %mul3A_65 = arith.constant 128 : i32
      %mul3A_66 = arith.muli %add3A_64, %mul3A_65 : i32
      %multiple_of3A_67 = tpu.assume_multiple %mul3A_66, 128 : i32
      %dma_start3A_68 = tpu.memref_slice %arg7[%multiple_of3A_67] : memref<327680xi32, #tpu.memory_space<hbm>> -> memref<128xi32, #tpu.memory_space<hbm>>
      %dma_start3A_69 = tpu.memref_slice %arg7[%multiple_of3A_67] : memref<327680xi32, #tpu.memory_space<hbm>> -> memref<128xi32, #tpu.memory_space<hbm>>
      tpu.enqueue_dma source(%dma_start3A_69 : memref<128xi32, #tpu.memory_space<hbm>>) target(%arg15 : memref<128xi32, #tpu.memory_space<vmem>>) target_semaphore(%arg24 : memref<!tpu.dma_semaphore, #tpu.memory_space<semaphore_mem>>)
      %dma_start3A_70 = tpu.memref_slice %arg6[%multiple_of3A_67] : memref<327680xi32, #tpu.memory_space<hbm>> -> memref<128xi32, #tpu.memory_space<hbm>>
      %dma_start3A_71 = tpu.memref_slice %arg6[%multiple_of3A_67] : memref<327680xi32, #tpu.memory_space<hbm>> -> memref<128xi32, #tpu.memory_space<hbm>>
      tpu.enqueue_dma source(%dma_start3A_71 : memref<128xi32, #tpu.memory_space<hbm>>) target(%arg13 : memref<128xi32, #tpu.memory_space<vmem>>) target_semaphore(%arg24 : memref<!tpu.dma_semaphore, #tpu.memory_space<semaphore_mem>>)
      %dma_wait3A_72 = tpu.memref_slice %arg6[%multiple_of3A_67] : memref<327680xi32, #tpu.memory_space<hbm>> -> memref<128xi32, #tpu.memory_space<hbm>>
      %dma_wait3A_73 = tpu.memref_slice %arg6[%multiple_of3A_67] : memref<327680xi32, #tpu.memory_space<hbm>> -> memref<128xi32, #tpu.memory_space<hbm>>
      tpu.wait_dma2 semaphore(%arg24 : memref<!tpu.dma_semaphore, #tpu.memory_space<semaphore_mem>>) src(%dma_wait3A_73 : memref<128xi32, #tpu.memory_space<hbm>>) dst(%arg13 : memref<128xi32, #tpu.memory_space<vmem>>)
      %dma_wait3A_74 = tpu.memref_slice %arg7[%multiple_of3A_67] : memref<327680xi32, #tpu.memory_space<hbm>> -> memref<128xi32, #tpu.memory_space<hbm>>
      %dma_wait3A_75 = tpu.memref_slice %arg7[%multiple_of3A_67] : memref<327680xi32, #tpu.memory_space<hbm>> -> memref<128xi32, #tpu.memory_space<hbm>>
      tpu.wait_dma2 semaphore(%arg24 : memref<!tpu.dma_semaphore, #tpu.memory_space<semaphore_mem>>) src(%dma_wait3A_75 : memref<128xi32, #tpu.memory_space<hbm>>) dst(%arg15 : memref<128xi32, #tpu.memory_space<vmem>>)
      %dma_start3A_76 = arith.constant 0 : i32
      %dma_start3A_77 = arith.constant 0 : i32
      %dma_start3A_78 = tpu.memref_slice %arg3[%dma_start3A_76, %dma_start3A_77] : memref<10000x128xf32, #tpu.memory_space<hbm>> -> memref<10000x128xf32, #tpu.memory_space<hbm>>
      tpu.enqueue_indirect_dma source(%dma_start3A_78 : memref<10000x128xf32, #tpu.memory_space<hbm>>) target(%arg17 : memref<128x128xf32, #tpu.memory_space<vmem>>) offsets(%arg13 : memref<128xi32, #tpu.memory_space<vmem>>) semaphore(%arg20 : memref<!tpu.dma_semaphore, #tpu.memory_space<semaphore_mem>>)
      %add3A_79 = arith.constant 1 : i32
      %add3A_80 = arith.addi %mul3A_0, %add3A_79 : i32
      %mul3A_81 = arith.constant 128 : i32
      %mul3A_82 = arith.muli %add3A_80, %mul3A_81 : i32
      %multiple_of3A_83 = tpu.assume_multiple %mul3A_82, 128 : i32
      %dma_start3A_84 = tpu.memref_slice %arg7[%multiple_of3A_83] : memref<327680xi32, #tpu.memory_space<hbm>> -> memref<128xi32, #tpu.memory_space<hbm>>
      %dma_start3A_85 = tpu.memref_slice %arg7[%multiple_of3A_83] : memref<327680xi32, #tpu.memory_space<hbm>> -> memref<128xi32, #tpu.memory_space<hbm>>
      tpu.enqueue_dma source(%dma_start3A_85 : memref<128xi32, #tpu.memory_space<hbm>>) target(%arg16 : memref<128xi32, #tpu.memory_space<vmem>>) target_semaphore(%arg25 : memref<!tpu.dma_semaphore, #tpu.memory_space<semaphore_mem>>)
      %dma_start3A_86 = tpu.memref_slice %arg6[%multiple_of3A_83] : memref<327680xi32, #tpu.memory_space<hbm>> -> memref<128xi32, #tpu.memory_space<hbm>>
      %dma_start3A_87 = tpu.memref_slice %arg6[%multiple_of3A_83] : memref<327680xi32, #tpu.memory_space<hbm>> -> memref<128xi32, #tpu.memory_space<hbm>>
      tpu.enqueue_dma source(%dma_start3A_87 : memref<128xi32, #tpu.memory_space<hbm>>) target(%arg14 : memref<128xi32, #tpu.memory_space<vmem>>) target_semaphore(%arg25 : memref<!tpu.dma_semaphore, #tpu.memory_space<semaphore_mem>>)
      %dma_wait3A_88 = tpu.memref_slice %arg6[%multiple_of3A_83] : memref<327680xi32, #tpu.memory_space<hbm>> -> memref<128xi32, #tpu.memory_space<hbm>>
      %dma_wait3A_89 = tpu.memref_slice %arg6[%multiple_of3A_83] : memref<327680xi32, #tpu.memory_space<hbm>> -> memref<128xi32, #tpu.memory_space<hbm>>
      tpu.wait_dma2 semaphore(%arg25 : memref<!tpu.dma_semaphore, #tpu.memory_space<semaphore_mem>>) src(%dma_wait3A_89 : memref<128xi32, #tpu.memory_space<hbm>>) dst(%arg14 : memref<128xi32, #tpu.memory_space<vmem>>)
      %dma_wait3A_90 = tpu.memref_slice %arg7[%multiple_of3A_83] : memref<327680xi32, #tpu.memory_space<hbm>> -> memref<128xi32, #tpu.memory_space<hbm>>
      %dma_wait3A_91 = tpu.memref_slice %arg7[%multiple_of3A_83] : memref<327680xi32, #tpu.memory_space<hbm>> -> memref<128xi32, #tpu.memory_space<hbm>>
      tpu.wait_dma2 semaphore(%arg25 : memref<!tpu.dma_semaphore, #tpu.memory_space<semaphore_mem>>) src(%dma_wait3A_91 : memref<128xi32, #tpu.memory_space<hbm>>) dst(%arg16 : memref<128xi32, #tpu.memory_space<vmem>>)
      %dma_start3A_92 = arith.constant 0 : i32
      %dma_start3A_93 = arith.constant 0 : i32
      %dma_start3A_94 = tpu.memref_slice %arg3[%dma_start3A_92, %dma_start3A_93] : memref<10000x128xf32, #tpu.memory_space<hbm>> -> memref<10000x128xf32, #tpu.memory_space<hbm>>
      tpu.enqueue_indirect_dma source(%dma_start3A_94 : memref<10000x128xf32, #tpu.memory_space<hbm>>) target(%arg18 : memref<128x128xf32, #tpu.memory_space<vmem>>) offsets(%arg14 : memref<128xi32, #tpu.memory_space<vmem>>) semaphore(%arg21 : memref<!tpu.dma_semaphore, #tpu.memory_space<semaphore_mem>>)
      %scan3A_95 = arith.constant 0 : i32
      %scan3A_96 = arith.constant 79 : i32
      %scan3A_97 = arith.addi %scan3A_95, %scan3A_96 : i32
      %scan3A_98 = arith.constant 1 : i32
      scf.for %scan3A_120 = %scan3A_95 to %scan3A_97 step %scan3A_98  : i32 {
        %mul3A_121 = arith.constant 2 : i32
        %mul3A_122 = arith.muli %scan3A_120, %mul3A_121 : i32
        %add3A_123 = arith.constant 0 : i32
        %add3A_124 = arith.addi %add3A_123, %mul3A_122 : i32
        %dma_wait3A_125 = arith.constant 0 : i32
        %dma_wait3A_126 = arith.constant 0 : i32
        %dma_wait3A_127 = tpu.memref_slice %arg3[%dma_wait3A_125, %dma_wait3A_126] : memref<10000x128xf32, #tpu.memory_space<hbm>> -> memref<10000x128xf32, #tpu.memory_space<hbm>>
        tpu.wait_indirect_dma semaphore(%arg20 : memref<!tpu.dma_semaphore, #tpu.memory_space<semaphore_mem>>) src(%dma_wait3A_127 : memref<10000x128xf32, #tpu.memory_space<hbm>>) dst(%arg17 : memref<128x128xf32, #tpu.memory_space<vmem>>)
        %dma_start3A_128 = arith.constant 0 : i32
        %dma_start3A_129 = arith.constant 0 : i32
        %dma_start3A_130 = tpu.memref_slice %arg19[%dma_start3A_128, %dma_start3A_129] : memref<10112x128xf32, #tpu.memory_space<vmem_shared>> -> memref<10112x128xf32, #tpu.memory_space<vmem_shared>>
        tpu.enqueue_indirect_dma source(%arg17 : memref<128x128xf32, #tpu.memory_space<vmem>>) target(%dma_start3A_130 : memref<10112x128xf32, #tpu.memory_space<vmem_shared>>) offsets(%arg15 : memref<128xi32, #tpu.memory_space<vmem>>) semaphore(%arg22 : memref<!tpu.dma_semaphore, #tpu.memory_space<semaphore_mem>>) {add = true}
        %dma_wait3A_131 = arith.constant 0 : i32
        %dma_wait3A_132 = arith.constant 0 : i32
        %dma_wait3A_133 = tpu.memref_slice %arg19[%dma_wait3A_131, %dma_wait3A_132] : memref<10112x128xf32, #tpu.memory_space<vmem_shared>> -> memref<10112x128xf32, #tpu.memory_space<vmem_shared>>
        tpu.wait_indirect_dma semaphore(%arg22 : memref<!tpu.dma_semaphore, #tpu.memory_space<semaphore_mem>>) src(%arg17 : memref<128x128xf32, #tpu.memory_space<vmem>>) dst(%dma_wait3A_133 : memref<10112x128xf32, #tpu.memory_space<vmem_shared>>)
        %add3A_134 = arith.constant 0 : i32
        %add3A_135 = arith.addi %add3A_124, %add3A_134 : i32
        %add3A_136 = arith.constant 2 : i32
        %add3A_137 = arith.addi %add3A_135, %add3A_136 : i32
        %add3A_138 = arith.addi %mul3A_0, %add3A_137 : i32
        %mul3A_139 = arith.constant 128 : i32
        %mul3A_140 = arith.muli %add3A_138, %mul3A_139 : i32
        %multiple_of3A_141 = tpu.assume_multiple %mul3A_140, 128 : i32
        %dma_start3A_142 = tpu.memref_slice %arg7[%multiple_of3A_141] : memref<327680xi32, #tpu.memory_space<hbm>> -> memref<128xi32, #tpu.memory_space<hbm>>
        %dma_start3A_143 = tpu.memref_slice %arg7[%multiple_of3A_141] : memref<327680xi32, #tpu.memory_space<hbm>> -> memref<128xi32, #tpu.memory_space<hbm>>
        tpu.enqueue_dma source(%dma_start3A_143 : memref<128xi32, #tpu.memory_space<hbm>>) target(%arg15 : memref<128xi32, #tpu.memory_space<vmem>>) target_semaphore(%arg24 : memref<!tpu.dma_semaphore, #tpu.memory_space<semaphore_mem>>)
        %dma_start3A_144 = tpu.memref_slice %arg6[%multiple_of3A_141] : memref<327680xi32, #tpu.memory_space<hbm>> -> memref<128xi32, #tpu.memory_space<hbm>>
        %dma_start3A_145 = tpu.memref_slice %arg6[%multiple_of3A_141] : memref<327680xi32, #tpu.memory_space<hbm>> -> memref<128xi32, #tpu.memory_space<hbm>>
        tpu.enqueue_dma source(%dma_start3A_145 : memref<128xi32, #tpu.memory_space<hbm>>) target(%arg13 : memref<128xi32, #tpu.memory_space<vmem>>) target_semaphore(%arg24 : memref<!tpu.dma_semaphore, #tpu.memory_space<semaphore_mem>>)
        %dma_wait3A_146 = tpu.memref_slice %arg6[%multiple_of3A_141] : memref<327680xi32, #tpu.memory_space<hbm>> -> memref<128xi32, #tpu.memory_space<hbm>>
        %dma_wait3A_147 = tpu.memref_slice %arg6[%multiple_of3A_141] : memref<327680xi32, #tpu.memory_space<hbm>> -> memref<128xi32, #tpu.memory_space<hbm>>
        tpu.wait_dma2 semaphore(%arg24 : memref<!tpu.dma_semaphore, #tpu.memory_space<semaphore_mem>>) src(%dma_wait3A_147 : memref<128xi32, #tpu.memory_space<hbm>>) dst(%arg13 : memref<128xi32, #tpu.memory_space<vmem>>)
        %dma_wait3A_148 = tpu.memref_slice %arg7[%multiple_of3A_141] : memref<327680xi32, #tpu.memory_space<hbm>> -> memref<128xi32, #tpu.memory_space<hbm>>
        %dma_wait3A_149 = tpu.memref_slice %arg7[%multiple_of3A_141] : memref<327680xi32, #tpu.memory_space<hbm>> -> memref<128xi32, #tpu.memory_space<hbm>>
        tpu.wait_dma2 semaphore(%arg24 : memref<!tpu.dma_semaphore, #tpu.memory_space<semaphore_mem>>) src(%dma_wait3A_149 : memref<128xi32, #tpu.memory_space<hbm>>) dst(%arg15 : memref<128xi32, #tpu.memory_space<vmem>>)
        %dma_start3A_150 = arith.constant 0 : i32
        %dma_start3A_151 = arith.constant 0 : i32
        %dma_start3A_152 = tpu.memref_slice %arg3[%dma_start3A_150, %dma_start3A_151] : memref<10000x128xf32, #tpu.memory_space<hbm>> -> memref<10000x128xf32, #tpu.memory_space<hbm>>
        tpu.enqueue_indirect_dma source(%dma_start3A_152 : memref<10000x128xf32, #tpu.memory_space<hbm>>) target(%arg17 : memref<128x128xf32, #tpu.memory_space<vmem>>) offsets(%arg13 : memref<128xi32, #tpu.memory_space<vmem>>) semaphore(%arg20 : memref<!tpu.dma_semaphore, #tpu.memory_space<semaphore_mem>>)
        %dma_wait3A_153 = arith.constant 0 : i32
        %dma_wait3A_154 = arith.constant 0 : i32
        %dma_wait3A_155 = tpu.memref_slice %arg3[%dma_wait3A_153, %dma_wait3A_154] : memref<10000x128xf32, #tpu.memory_space<hbm>> -> memref<10000x128xf32, #tpu.memory_space<hbm>>
        tpu.wait_indirect_dma semaphore(%arg21 : memref<!tpu.dma_semaphore, #tpu.memory_space<semaphore_mem>>) src(%dma_wait3A_155 : memref<10000x128xf32, #tpu.memory_space<hbm>>) dst(%arg18 : memref<128x128xf32, #tpu.memory_space<vmem>>)
        %dma_start3A_156 = arith.constant 0 : i32
        %dma_start3A_157 = arith.constant 0 : i32
        %dma_start3A_158 = tpu.memref_slice %arg19[%dma_start3A_156, %dma_start3A_157] : memref<10112x128xf32, #tpu.memory_space<vmem_shared>> -> memref<10112x128xf32, #tpu.memory_space<vmem_shared>>
        tpu.enqueue_indirect_dma source(%arg18 : memref<128x128xf32, #tpu.memory_space<vmem>>) target(%dma_start3A_158 : memref<10112x128xf32, #tpu.memory_space<vmem_shared>>) offsets(%arg16 : memref<128xi32, #tpu.memory_space<vmem>>) semaphore(%arg23 : memref<!tpu.dma_semaphore, #tpu.memory_space<semaphore_mem>>) {add = true}
        %dma_wait3A_159 = arith.constant 0 : i32
        %dma_wait3A_160 = arith.constant 0 : i32
        %dma_wait3A_161 = tpu.memref_slice %arg19[%dma_wait3A_159, %dma_wait3A_160] : memref<10112x128xf32, #tpu.memory_space<vmem_shared>> -> memref<10112x128xf32, #tpu.memory_space<vmem_shared>>
        tpu.wait_indirect_dma semaphore(%arg23 : memref<!tpu.dma_semaphore, #tpu.memory_space<semaphore_mem>>) src(%arg18 : memref<128x128xf32, #tpu.memory_space<vmem>>) dst(%dma_wait3A_161 : memref<10112x128xf32, #tpu.memory_space<vmem_shared>>)
        %add3A_162 = arith.constant 1 : i32
        %add3A_163 = arith.addi %add3A_124, %add3A_162 : i32
        %add3A_164 = arith.constant 2 : i32
        %add3A_165 = arith.addi %add3A_163, %add3A_164 : i32
        %add3A_166 = arith.addi %mul3A_0, %add3A_165 : i32
        %mul3A_167 = arith.constant 128 : i32
        %mul3A_168 = arith.muli %add3A_166, %mul3A_167 : i32
        %multiple_of3A_169 = tpu.assume_multiple %mul3A_168, 128 : i32
        %dma_start3A_170 = tpu.memref_slice %arg7[%multiple_of3A_169] : memref<327680xi32, #tpu.memory_space<hbm>> -> memref<128xi32, #tpu.memory_space<hbm>>
        %dma_start3A_171 = tpu.memref_slice %arg7[%multiple_of3A_169] : memref<327680xi32, #tpu.memory_space<hbm>> -> memref<128xi32, #tpu.memory_space<hbm>>
        tpu.enqueue_dma source(%dma_start3A_171 : memref<128xi32, #tpu.memory_space<hbm>>) target(%arg16 : memref<128xi32, #tpu.memory_space<vmem>>) target_semaphore(%arg25 : memref<!tpu.dma_semaphore, #tpu.memory_space<semaphore_mem>>)
        %dma_start3A_172 = tpu.memref_slice %arg6[%multiple_of3A_169] : memref<327680xi32, #tpu.memory_space<hbm>> -> memref<128xi32, #tpu.memory_space<hbm>>
        %dma_start3A_173 = tpu.memref_slice %arg6[%multiple_of3A_169] : memref<327680xi32, #tpu.memory_space<hbm>> -> memref<128xi32, #tpu.memory_space<hbm>>
        tpu.enqueue_dma source(%dma_start3A_173 : memref<128xi32, #tpu.memory_space<hbm>>) target(%arg14 : memref<128xi32, #tpu.memory_space<vmem>>) target_semaphore(%arg25 : memref<!tpu.dma_semaphore, #tpu.memory_space<semaphore_mem>>)
        %dma_wait3A_174 = tpu.memref_slice %arg6[%multiple_of3A_169] : memref<327680xi32, #tpu.memory_space<hbm>> -> memref<128xi32, #tpu.memory_space<hbm>>
        %dma_wait3A_175 = tpu.memref_slice %arg6[%multiple_of3A_169] : memref<327680xi32, #tpu.memory_space<hbm>> -> memref<128xi32, #tpu.memory_space<hbm>>
        tpu.wait_dma2 semaphore(%arg25 : memref<!tpu.dma_semaphore, #tpu.memory_space<semaphore_mem>>) src(%dma_wait3A_175 : memref<128xi32, #tpu.memory_space<hbm>>) dst(%arg14 : memref<128xi32, #tpu.memory_space<vmem>>)
        %dma_wait3A_176 = tpu.memref_slice %arg7[%multiple_of3A_169] : memref<327680xi32, #tpu.memory_space<hbm>> -> memref<128xi32, #tpu.memory_space<hbm>>
        %dma_wait3A_177 = tpu.memref_slice %arg7[%multiple_of3A_169] : memref<327680xi32, #tpu.memory_space<hbm>> -> memref<128xi32, #tpu.memory_space<hbm>>
        tpu.wait_dma2 semaphore(%arg25 : memref<!tpu.dma_semaphore, #tpu.memory_space<semaphore_mem>>) src(%dma_wait3A_177 : memref<128xi32, #tpu.memory_space<hbm>>) dst(%arg16 : memref<128xi32, #tpu.memory_space<vmem>>)
        %dma_start3A_178 = arith.constant 0 : i32
        %dma_start3A_179 = arith.constant 0 : i32
        %dma_start3A_180 = tpu.memref_slice %arg3[%dma_start3A_178, %dma_start3A_179] : memref<10000x128xf32, #tpu.memory_space<hbm>> -> memref<10000x128xf32, #tpu.memory_space<hbm>>
        tpu.enqueue_indirect_dma source(%dma_start3A_180 : memref<10000x128xf32, #tpu.memory_space<hbm>>) target(%arg18 : memref<128x128xf32, #tpu.memory_space<vmem>>) offsets(%arg14 : memref<128xi32, #tpu.memory_space<vmem>>) semaphore(%arg21 : memref<!tpu.dma_semaphore, #tpu.memory_space<semaphore_mem>>)
      }
      %scan3A_99 = arith.constant 79 : i32
      %dma_wait3A_100 = arith.constant 0 : i32
      %dma_wait3A_101 = arith.constant 0 : i32
      %dma_wait3A_102 = tpu.memref_slice %arg3[%dma_wait3A_100, %dma_wait3A_101] : memref<10000x128xf32, #tpu.memory_space<hbm>> -> memref<10000x128xf32, #tpu.memory_space<hbm>>
      tpu.wait_indirect_dma semaphore(%arg20 : memref<!tpu.dma_semaphore, #tpu.memory_space<semaphore_mem>>) src(%dma_wait3A_102 : memref<10000x128xf32, #tpu.memory_space<hbm>>) dst(%arg17 : memref<128x128xf32, #tpu.memory_space<vmem>>)
      %dma_start3A_103 = arith.constant 0 : i32
      %dma_start3A_104 = arith.constant 0 : i32
      %dma_start3A_105 = tpu.memref_slice %arg19[%dma_start3A_103, %dma_start3A_104] : memref<10112x128xf32, #tpu.memory_space<vmem_shared>> -> memref<10112x128xf32, #tpu.memory_space<vmem_shared>>
      tpu.enqueue_indirect_dma source(%arg17 : memref<128x128xf32, #tpu.memory_space<vmem>>) target(%dma_start3A_105 : memref<10112x128xf32, #tpu.memory_space<vmem_shared>>) offsets(%arg15 : memref<128xi32, #tpu.memory_space<vmem>>) semaphore(%arg22 : memref<!tpu.dma_semaphore, #tpu.memory_space<semaphore_mem>>) {add = true}
      %dma_wait3A_106 = arith.constant 0 : i32
      %dma_wait3A_107 = arith.constant 0 : i32
      %dma_wait3A_108 = tpu.memref_slice %arg19[%dma_wait3A_106, %dma_wait3A_107] : memref<10112x128xf32, #tpu.memory_space<vmem_shared>> -> memref<10112x128xf32, #tpu.memory_space<vmem_shared>>
      tpu.wait_indirect_dma semaphore(%arg22 : memref<!tpu.dma_semaphore, #tpu.memory_space<semaphore_mem>>) src(%arg17 : memref<128x128xf32, #tpu.memory_space<vmem>>) dst(%dma_wait3A_108 : memref<10112x128xf32, #tpu.memory_space<vmem_shared>>)
      %dma_wait3A_109 = arith.constant 0 : i32
      %dma_wait3A_110 = arith.constant 0 : i32
      %dma_wait3A_111 = tpu.memref_slice %arg3[%dma_wait3A_109, %dma_wait3A_110] : memref<10000x128xf32, #tpu.memory_space<hbm>> -> memref<10000x128xf32, #tpu.memory_space<hbm>>
      tpu.wait_indirect_dma semaphore(%arg21 : memref<!tpu.dma_semaphore, #tpu.memory_space<semaphore_mem>>) src(%dma_wait3A_111 : memref<10000x128xf32, #tpu.memory_space<hbm>>) dst(%arg18 : memref<128x128xf32, #tpu.memory_space<vmem>>)
      %dma_start3A_112 = arith.constant 0 : i32
      %dma_start3A_113 = arith.constant 0 : i32
      %dma_start3A_114 = tpu.memref_slice %arg19[%dma_start3A_112, %dma_start3A_113] : memref<10112x128xf32, #tpu.memory_space<vmem_shared>> -> memref<10112x128xf32, #tpu.memory_space<vmem_shared>>
      tpu.enqueue_indirect_dma source(%arg18 : memref<128x128xf32, #tpu.memory_space<vmem>>) target(%dma_start3A_114 : memref<10112x128xf32, #tpu.memory_space<vmem_shared>>) offsets(%arg16 : memref<128xi32, #tpu.memory_space<vmem>>) semaphore(%arg23 : memref<!tpu.dma_semaphore, #tpu.memory_space<semaphore_mem>>) {add = true}
      %dma_wait3A_115 = arith.constant 0 : i32
      %dma_wait3A_116 = arith.constant 0 : i32
      %dma_wait3A_117 = tpu.memref_slice %arg19[%dma_wait3A_115, %dma_wait3A_116] : memref<10112x128xf32, #tpu.memory_space<vmem_shared>> -> memref<10112x128xf32, #tpu.memory_space<vmem_shared>>
      tpu.wait_indirect_dma semaphore(%arg23 : memref<!tpu.dma_semaphore, #tpu.memory_space<semaphore_mem>>) src(%arg18 : memref<128x128xf32, #tpu.memory_space<vmem>>) dst(%dma_wait3A_117 : memref<10112x128xf32, #tpu.memory_space<vmem_shared>>)
      %barrier3A_118 = arith.constant 0 : index
      tpu.barrier barrier_id(%barrier3A_118)
      "tpu.region"() ({
        %run_scoped3A = tpu.sem_alloc : memref<!tpu.dma_semaphore, #tpu.memory_space<semaphore_mem>>
        %dma_start3A_120 = arith.constant 0 : i32
        %dma_start3A_121 = tpu.memref_slice %arg10[%mul3A_2, %dma_start3A_120] : memref<10112x128xf32, #tpu.memory_space<hbm>> -> memref<632x128xf32, #tpu.memory_space<hbm>>
        %dma_start3A_122 = arith.constant 0 : i32
        %dma_start3A_123 = tpu.memref_slice %arg19[%mul3A_2, %dma_start3A_122] : memref<10112x128xf32, #tpu.memory_space<vmem_shared>> -> memref<632x128xf32, #tpu.memory_space<vmem_shared>>
        tpu.enqueue_dma source(%dma_start3A_123 : memref<632x128xf32, #tpu.memory_space<vmem_shared>>) target(%dma_start3A_121 : memref<632x128xf32, #tpu.memory_space<hbm>>) target_semaphore(%run_scoped3A : memref<!tpu.dma_semaphore, #tpu.memory_space<semaphore_mem>>)
        %dma_wait3A_124 = arith.constant 0 : i32
        %dma_wait3A_125 = tpu.memref_slice %arg10[%mul3A_2, %dma_wait3A_124] : memref<10112x128xf32, #tpu.memory_space<hbm>> -> memref<632x128xf32, #tpu.memory_space<hbm>>
        %dma_wait3A_126 = arith.constant 0 : i32
        %dma_wait3A_127 = tpu.memref_slice %arg19[%mul3A_2, %dma_wait3A_126] : memref<10112x128xf32, #tpu.memory_space<vmem_shared>> -> memref<632x128xf32, #tpu.memory_space<vmem_shared>>
        tpu.wait_dma2 semaphore(%run_scoped3A : memref<!tpu.dma_semaphore, #tpu.memory_space<semaphore_mem>>) src(%dma_wait3A_127 : memref<632x128xf32, #tpu.memory_space<vmem_shared>>) dst(%dma_wait3A_125 : memref<632x128xf32, #tpu.memory_space<hbm>>)
        tpu.yield
      }) : () -> ()
      %barrier3A_119 = arith.constant 0 : index
      tpu.barrier barrier_id(%barrier3A_119)
    } else {
    }
    %eq3A_5 = arith.constant 1 : i32
    %eq3A_6 = arith.cmpi eq, %arg0, %eq3A_5 : i32
    %convert_element_type3A_7 = arith.extui %eq3A_6 : i1 to i32
    %cond3A_8 = arith.constant 0 : i32
    %cond3A_9 = arith.cmpi ne, %convert_element_type3A_7, %cond3A_8 : i32
    scf.if %cond3A_9 {
      "tpu.region"() ({
        %run_scoped3A = tpu.sem_alloc : memref<!tpu.dma_semaphore, #tpu.memory_space<semaphore_mem>>
        %dma_start3A_120 = arith.constant 0 : i32
        %dma_start3A_121 = tpu.memref_slice %arg19[%mul3A_2, %dma_start3A_120] : memref<10112x128xf32, #tpu.memory_space<vmem_shared>> -> memref<632x128xf32, #tpu.memory_space<vmem_shared>>
        %dma_start3A_122 = arith.constant 0 : i32
        %dma_start3A_123 = tpu.memref_slice %arg8[%mul3A_2, %dma_start3A_122] : memref<10112x128xf32, #tpu.memory_space<hbm>> -> memref<632x128xf32, #tpu.memory_space<hbm>>
        tpu.enqueue_dma source(%dma_start3A_123 : memref<632x128xf32, #tpu.memory_space<hbm>>) target(%dma_start3A_121 : memref<632x128xf32, #tpu.memory_space<vmem_shared>>) target_semaphore(%run_scoped3A : memref<!tpu.dma_semaphore, #tpu.memory_space<semaphore_mem>>)
        %dma_wait3A_124 = arith.constant 0 : i32
        %dma_wait3A_125 = tpu.memref_slice %arg19[%mul3A_2, %dma_wait3A_124] : memref<10112x128xf32, #tpu.memory_space<vmem_shared>> -> memref<632x128xf32, #tpu.memory_space<vmem_shared>>
        %dma_wait3A_126 = arith.constant 0 : i32
        %dma_wait3A_127 = tpu.memref_slice %arg8[%mul3A_2, %dma_wait3A_126] : memref<10112x128xf32, #tpu.memory_space<hbm>> -> memref<632x128xf32, #tpu.memory_space<hbm>>
        tpu.wait_dma2 semaphore(%run_scoped3A : memref<!tpu.dma_semaphore, #tpu.memory_space<semaphore_mem>>) src(%dma_wait3A_127 : memref<632x128xf32, #tpu.memory_space<hbm>>) dst(%dma_wait3A_125 : memref<632x128xf32, #tpu.memory_space<vmem_shared>>)
        tpu.yield
      }) : () -> ()
      %barrier3A = arith.constant 0 : index
      tpu.barrier barrier_id(%barrier3A)
      %add3A = arith.constant 0 : i32
      %add3A_10 = arith.addi %mul3A_0, %add3A : i32
      %mul3A_11 = arith.constant 128 : i32
      %mul3A_12 = arith.muli %add3A_10, %mul3A_11 : i32
      %multiple_of3A = tpu.assume_multiple %mul3A_12, 128 : i32
      %dma_start3A = tpu.memref_slice %arg7[%multiple_of3A] : memref<327680xi32, #tpu.memory_space<hbm>> -> memref<128xi32, #tpu.memory_space<hbm>>
      %dma_start3A_13 = tpu.memref_slice %arg7[%multiple_of3A] : memref<327680xi32, #tpu.memory_space<hbm>> -> memref<128xi32, #tpu.memory_space<hbm>>
      tpu.enqueue_dma source(%dma_start3A_13 : memref<128xi32, #tpu.memory_space<hbm>>) target(%arg15 : memref<128xi32, #tpu.memory_space<vmem>>) target_semaphore(%arg24 : memref<!tpu.dma_semaphore, #tpu.memory_space<semaphore_mem>>)
      %dma_start3A_14 = tpu.memref_slice %arg6[%multiple_of3A] : memref<327680xi32, #tpu.memory_space<hbm>> -> memref<128xi32, #tpu.memory_space<hbm>>
      %dma_start3A_15 = tpu.memref_slice %arg6[%multiple_of3A] : memref<327680xi32, #tpu.memory_space<hbm>> -> memref<128xi32, #tpu.memory_space<hbm>>
      tpu.enqueue_dma source(%dma_start3A_15 : memref<128xi32, #tpu.memory_space<hbm>>) target(%arg13 : memref<128xi32, #tpu.memory_space<vmem>>) target_semaphore(%arg24 : memref<!tpu.dma_semaphore, #tpu.memory_space<semaphore_mem>>)
      %dma_wait3A = tpu.memref_slice %arg6[%multiple_of3A] : memref<327680xi32, #tpu.memory_space<hbm>> -> memref<128xi32, #tpu.memory_space<hbm>>
      %dma_wait3A_16 = tpu.memref_slice %arg6[%multiple_of3A] : memref<327680xi32, #tpu.memory_space<hbm>> -> memref<128xi32, #tpu.memory_space<hbm>>
      tpu.wait_dma2 semaphore(%arg24 : memref<!tpu.dma_semaphore, #tpu.memory_space<semaphore_mem>>) src(%dma_wait3A_16 : memref<128xi32, #tpu.memory_space<hbm>>) dst(%arg13 : memref<128xi32, #tpu.memory_space<vmem>>)
      %dma_wait3A_17 = tpu.memref_slice %arg7[%multiple_of3A] : memref<327680xi32, #tpu.memory_space<hbm>> -> memref<128xi32, #tpu.memory_space<hbm>>
      %dma_wait3A_18 = tpu.memref_slice %arg7[%multiple_of3A] : memref<327680xi32, #tpu.memory_space<hbm>> -> memref<128xi32, #tpu.memory_space<hbm>>
      tpu.wait_dma2 semaphore(%arg24 : memref<!tpu.dma_semaphore, #tpu.memory_space<semaphore_mem>>) src(%dma_wait3A_18 : memref<128xi32, #tpu.memory_space<hbm>>) dst(%arg15 : memref<128xi32, #tpu.memory_space<vmem>>)
      %dma_start3A_19 = arith.constant 0 : i32
      %dma_start3A_20 = arith.constant 0 : i32
      %dma_start3A_21 = tpu.memref_slice %arg4[%dma_start3A_19, %dma_start3A_20] : memref<10000x128xf32, #tpu.memory_space<hbm>> -> memref<10000x128xf32, #tpu.memory_space<hbm>>
      tpu.enqueue_indirect_dma source(%dma_start3A_21 : memref<10000x128xf32, #tpu.memory_space<hbm>>) target(%arg17 : memref<128x128xf32, #tpu.memory_space<vmem>>) offsets(%arg13 : memref<128xi32, #tpu.memory_space<vmem>>) semaphore(%arg20 : memref<!tpu.dma_semaphore, #tpu.memory_space<semaphore_mem>>)
      %add3A_22 = arith.constant 1 : i32
      %add3A_23 = arith.addi %mul3A_0, %add3A_22 : i32
      %mul3A_24 = arith.constant 128 : i32
      %mul3A_25 = arith.muli %add3A_23, %mul3A_24 : i32
      %multiple_of3A_26 = tpu.assume_multiple %mul3A_25, 128 : i32
      %dma_start3A_27 = tpu.memref_slice %arg7[%multiple_of3A_26] : memref<327680xi32, #tpu.memory_space<hbm>> -> memref<128xi32, #tpu.memory_space<hbm>>
      %dma_start3A_28 = tpu.memref_slice %arg7[%multiple_of3A_26] : memref<327680xi32, #tpu.memory_space<hbm>> -> memref<128xi32, #tpu.memory_space<hbm>>
      tpu.enqueue_dma source(%dma_start3A_28 : memref<128xi32, #tpu.memory_space<hbm>>) target(%arg16 : memref<128xi32, #tpu.memory_space<vmem>>) target_semaphore(%arg25 : memref<!tpu.dma_semaphore, #tpu.memory_space<semaphore_mem>>)
      %dma_start3A_29 = tpu.memref_slice %arg6[%multiple_of3A_26] : memref<327680xi32, #tpu.memory_space<hbm>> -> memref<128xi32, #tpu.memory_space<hbm>>
      %dma_start3A_30 = tpu.memref_slice %arg6[%multiple_of3A_26] : memref<327680xi32, #tpu.memory_space<hbm>> -> memref<128xi32, #tpu.memory_space<hbm>>
      tpu.enqueue_dma source(%dma_start3A_30 : memref<128xi32, #tpu.memory_space<hbm>>) target(%arg14 : memref<128xi32, #tpu.memory_space<vmem>>) target_semaphore(%arg25 : memref<!tpu.dma_semaphore, #tpu.memory_space<semaphore_mem>>)
      %dma_wait3A_31 = tpu.memref_slice %arg6[%multiple_of3A_26] : memref<327680xi32, #tpu.memory_space<hbm>> -> memref<128xi32, #tpu.memory_space<hbm>>
      %dma_wait3A_32 = tpu.memref_slice %arg6[%multiple_of3A_26] : memref<327680xi32, #tpu.memory_space<hbm>> -> memref<128xi32, #tpu.memory_space<hbm>>
      tpu.wait_dma2 semaphore(%arg25 : memref<!tpu.dma_semaphore, #tpu.memory_space<semaphore_mem>>) src(%dma_wait3A_32 : memref<128xi32, #tpu.memory_space<hbm>>) dst(%arg14 : memref<128xi32, #tpu.memory_space<vmem>>)
      %dma_wait3A_33 = tpu.memref_slice %arg7[%multiple_of3A_26] : memref<327680xi32, #tpu.memory_space<hbm>> -> memref<128xi32, #tpu.memory_space<hbm>>
      %dma_wait3A_34 = tpu.memref_slice %arg7[%multiple_of3A_26] : memref<327680xi32, #tpu.memory_space<hbm>> -> memref<128xi32, #tpu.memory_space<hbm>>
      tpu.wait_dma2 semaphore(%arg25 : memref<!tpu.dma_semaphore, #tpu.memory_space<semaphore_mem>>) src(%dma_wait3A_34 : memref<128xi32, #tpu.memory_space<hbm>>) dst(%arg16 : memref<128xi32, #tpu.memory_space<vmem>>)
      %dma_start3A_35 = arith.constant 0 : i32
      %dma_start3A_36 = arith.constant 0 : i32
      %dma_start3A_37 = tpu.memref_slice %arg4[%dma_start3A_35, %dma_start3A_36] : memref<10000x128xf32, #tpu.memory_space<hbm>> -> memref<10000x128xf32, #tpu.memory_space<hbm>>
      tpu.enqueue_indirect_dma source(%dma_start3A_37 : memref<10000x128xf32, #tpu.memory_space<hbm>>) target(%arg18 : memref<128x128xf32, #tpu.memory_space<vmem>>) offsets(%arg14 : memref<128xi32, #tpu.memory_space<vmem>>) semaphore(%arg21 : memref<!tpu.dma_semaphore, #tpu.memory_space<semaphore_mem>>)
      %scan3A = arith.constant 0 : i32
      %scan3A_38 = arith.constant 79 : i32
      %scan3A_39 = arith.addi %scan3A, %scan3A_38 : i32
      %scan3A_40 = arith.constant 1 : i32
      scf.for %scan3A_120 = %scan3A to %scan3A_39 step %scan3A_40  : i32 {
        %mul3A_121 = arith.constant 2 : i32
        %mul3A_122 = arith.muli %scan3A_120, %mul3A_121 : i32
        %add3A_123 = arith.constant 0 : i32
        %add3A_124 = arith.addi %add3A_123, %mul3A_122 : i32
        %dma_wait3A_125 = arith.constant 0 : i32
        %dma_wait3A_126 = arith.constant 0 : i32
        %dma_wait3A_127 = tpu.memref_slice %arg4[%dma_wait3A_125, %dma_wait3A_126] : memref<10000x128xf32, #tpu.memory_space<hbm>> -> memref<10000x128xf32, #tpu.memory_space<hbm>>
        tpu.wait_indirect_dma semaphore(%arg20 : memref<!tpu.dma_semaphore, #tpu.memory_space<semaphore_mem>>) src(%dma_wait3A_127 : memref<10000x128xf32, #tpu.memory_space<hbm>>) dst(%arg17 : memref<128x128xf32, #tpu.memory_space<vmem>>)
        %dma_start3A_128 = arith.constant 0 : i32
        %dma_start3A_129 = arith.constant 0 : i32
        %dma_start3A_130 = tpu.memref_slice %arg19[%dma_start3A_128, %dma_start3A_129] : memref<10112x128xf32, #tpu.memory_space<vmem_shared>> -> memref<10112x128xf32, #tpu.memory_space<vmem_shared>>
        tpu.enqueue_indirect_dma source(%arg17 : memref<128x128xf32, #tpu.memory_space<vmem>>) target(%dma_start3A_130 : memref<10112x128xf32, #tpu.memory_space<vmem_shared>>) offsets(%arg15 : memref<128xi32, #tpu.memory_space<vmem>>) semaphore(%arg22 : memref<!tpu.dma_semaphore, #tpu.memory_space<semaphore_mem>>) {add = true}
        %dma_wait3A_131 = arith.constant 0 : i32
        %dma_wait3A_132 = arith.constant 0 : i32
        %dma_wait3A_133 = tpu.memref_slice %arg19[%dma_wait3A_131, %dma_wait3A_132] : memref<10112x128xf32, #tpu.memory_space<vmem_shared>> -> memref<10112x128xf32, #tpu.memory_space<vmem_shared>>
        tpu.wait_indirect_dma semaphore(%arg22 : memref<!tpu.dma_semaphore, #tpu.memory_space<semaphore_mem>>) src(%arg17 : memref<128x128xf32, #tpu.memory_space<vmem>>) dst(%dma_wait3A_133 : memref<10112x128xf32, #tpu.memory_space<vmem_shared>>)
        %add3A_134 = arith.constant 0 : i32
        %add3A_135 = arith.addi %add3A_124, %add3A_134 : i32
        %add3A_136 = arith.constant 2 : i32
        %add3A_137 = arith.addi %add3A_135, %add3A_136 : i32
        %add3A_138 = arith.addi %mul3A_0, %add3A_137 : i32
        %mul3A_139 = arith.constant 128 : i32
        %mul3A_140 = arith.muli %add3A_138, %mul3A_139 : i32
        %multiple_of3A_141 = tpu.assume_multiple %mul3A_140, 128 : i32
        %dma_start3A_142 = tpu.memref_slice %arg7[%multiple_of3A_141] : memref<327680xi32, #tpu.memory_space<hbm>> -> memref<128xi32, #tpu.memory_space<hbm>>
        %dma_start3A_143 = tpu.memref_slice %arg7[%multiple_of3A_141] : memref<327680xi32, #tpu.memory_space<hbm>> -> memref<128xi32, #tpu.memory_space<hbm>>
        tpu.enqueue_dma source(%dma_start3A_143 : memref<128xi32, #tpu.memory_space<hbm>>) target(%arg15 : memref<128xi32, #tpu.memory_space<vmem>>) target_semaphore(%arg24 : memref<!tpu.dma_semaphore, #tpu.memory_space<semaphore_mem>>)
        %dma_start3A_144 = tpu.memref_slice %arg6[%multiple_of3A_141] : memref<327680xi32, #tpu.memory_space<hbm>> -> memref<128xi32, #tpu.memory_space<hbm>>
        %dma_start3A_145 = tpu.memref_slice %arg6[%multiple_of3A_141] : memref<327680xi32, #tpu.memory_space<hbm>> -> memref<128xi32, #tpu.memory_space<hbm>>
        tpu.enqueue_dma source(%dma_start3A_145 : memref<128xi32, #tpu.memory_space<hbm>>) target(%arg13 : memref<128xi32, #tpu.memory_space<vmem>>) target_semaphore(%arg24 : memref<!tpu.dma_semaphore, #tpu.memory_space<semaphore_mem>>)
        %dma_wait3A_146 = tpu.memref_slice %arg6[%multiple_of3A_141] : memref<327680xi32, #tpu.memory_space<hbm>> -> memref<128xi32, #tpu.memory_space<hbm>>
        %dma_wait3A_147 = tpu.memref_slice %arg6[%multiple_of3A_141] : memref<327680xi32, #tpu.memory_space<hbm>> -> memref<128xi32, #tpu.memory_space<hbm>>
        tpu.wait_dma2 semaphore(%arg24 : memref<!tpu.dma_semaphore, #tpu.memory_space<semaphore_mem>>) src(%dma_wait3A_147 : memref<128xi32, #tpu.memory_space<hbm>>) dst(%arg13 : memref<128xi32, #tpu.memory_space<vmem>>)
        %dma_wait3A_148 = tpu.memref_slice %arg7[%multiple_of3A_141] : memref<327680xi32, #tpu.memory_space<hbm>> -> memref<128xi32, #tpu.memory_space<hbm>>
        %dma_wait3A_149 = tpu.memref_slice %arg7[%multiple_of3A_141] : memref<327680xi32, #tpu.memory_space<hbm>> -> memref<128xi32, #tpu.memory_space<hbm>>
        tpu.wait_dma2 semaphore(%arg24 : memref<!tpu.dma_semaphore, #tpu.memory_space<semaphore_mem>>) src(%dma_wait3A_149 : memref<128xi32, #tpu.memory_space<hbm>>) dst(%arg15 : memref<128xi32, #tpu.memory_space<vmem>>)
        %dma_start3A_150 = arith.constant 0 : i32
        %dma_start3A_151 = arith.constant 0 : i32
        %dma_start3A_152 = tpu.memref_slice %arg4[%dma_start3A_150, %dma_start3A_151] : memref<10000x128xf32, #tpu.memory_space<hbm>> -> memref<10000x128xf32, #tpu.memory_space<hbm>>
        tpu.enqueue_indirect_dma source(%dma_start3A_152 : memref<10000x128xf32, #tpu.memory_space<hbm>>) target(%arg17 : memref<128x128xf32, #tpu.memory_space<vmem>>) offsets(%arg13 : memref<128xi32, #tpu.memory_space<vmem>>) semaphore(%arg20 : memref<!tpu.dma_semaphore, #tpu.memory_space<semaphore_mem>>)
        %dma_wait3A_153 = arith.constant 0 : i32
        %dma_wait3A_154 = arith.constant 0 : i32
        %dma_wait3A_155 = tpu.memref_slice %arg4[%dma_wait3A_153, %dma_wait3A_154] : memref<10000x128xf32, #tpu.memory_space<hbm>> -> memref<10000x128xf32, #tpu.memory_space<hbm>>
        tpu.wait_indirect_dma semaphore(%arg21 : memref<!tpu.dma_semaphore, #tpu.memory_space<semaphore_mem>>) src(%dma_wait3A_155 : memref<10000x128xf32, #tpu.memory_space<hbm>>) dst(%arg18 : memref<128x128xf32, #tpu.memory_space<vmem>>)
        %dma_start3A_156 = arith.constant 0 : i32
        %dma_start3A_157 = arith.constant 0 : i32
        %dma_start3A_158 = tpu.memref_slice %arg19[%dma_start3A_156, %dma_start3A_157] : memref<10112x128xf32, #tpu.memory_space<vmem_shared>> -> memref<10112x128xf32, #tpu.memory_space<vmem_shared>>
        tpu.enqueue_indirect_dma source(%arg18 : memref<128x128xf32, #tpu.memory_space<vmem>>) target(%dma_start3A_158 : memref<10112x128xf32, #tpu.memory_space<vmem_shared>>) offsets(%arg16 : memref<128xi32, #tpu.memory_space<vmem>>) semaphore(%arg23 : memref<!tpu.dma_semaphore, #tpu.memory_space<semaphore_mem>>) {add = true}
        %dma_wait3A_159 = arith.constant 0 : i32
        %dma_wait3A_160 = arith.constant 0 : i32
        %dma_wait3A_161 = tpu.memref_slice %arg19[%dma_wait3A_159, %dma_wait3A_160] : memref<10112x128xf32, #tpu.memory_space<vmem_shared>> -> memref<10112x128xf32, #tpu.memory_space<vmem_shared>>
        tpu.wait_indirect_dma semaphore(%arg23 : memref<!tpu.dma_semaphore, #tpu.memory_space<semaphore_mem>>) src(%arg18 : memref<128x128xf32, #tpu.memory_space<vmem>>) dst(%dma_wait3A_161 : memref<10112x128xf32, #tpu.memory_space<vmem_shared>>)
        %add3A_162 = arith.constant 1 : i32
        %add3A_163 = arith.addi %add3A_124, %add3A_162 : i32
        %add3A_164 = arith.constant 2 : i32
        %add3A_165 = arith.addi %add3A_163, %add3A_164 : i32
        %add3A_166 = arith.addi %mul3A_0, %add3A_165 : i32
        %mul3A_167 = arith.constant 128 : i32
        %mul3A_168 = arith.muli %add3A_166, %mul3A_167 : i32
        %multiple_of3A_169 = tpu.assume_multiple %mul3A_168, 128 : i32
        %dma_start3A_170 = tpu.memref_slice %arg7[%multiple_of3A_169] : memref<327680xi32, #tpu.memory_space<hbm>> -> memref<128xi32, #tpu.memory_space<hbm>>
        %dma_start3A_171 = tpu.memref_slice %arg7[%multiple_of3A_169] : memref<327680xi32, #tpu.memory_space<hbm>> -> memref<128xi32, #tpu.memory_space<hbm>>
        tpu.enqueue_dma source(%dma_start3A_171 : memref<128xi32, #tpu.memory_space<hbm>>) target(%arg16 : memref<128xi32, #tpu.memory_space<vmem>>) target_semaphore(%arg25 : memref<!tpu.dma_semaphore, #tpu.memory_space<semaphore_mem>>)
        %dma_start3A_172 = tpu.memref_slice %arg6[%multiple_of3A_169] : memref<327680xi32, #tpu.memory_space<hbm>> -> memref<128xi32, #tpu.memory_space<hbm>>
        %dma_start3A_173 = tpu.memref_slice %arg6[%multiple_of3A_169] : memref<327680xi32, #tpu.memory_space<hbm>> -> memref<128xi32, #tpu.memory_space<hbm>>
        tpu.enqueue_dma source(%dma_start3A_173 : memref<128xi32, #tpu.memory_space<hbm>>) target(%arg14 : memref<128xi32, #tpu.memory_space<vmem>>) target_semaphore(%arg25 : memref<!tpu.dma_semaphore, #tpu.memory_space<semaphore_mem>>)
        %dma_wait3A_174 = tpu.memref_slice %arg6[%multiple_of3A_169] : memref<327680xi32, #tpu.memory_space<hbm>> -> memref<128xi32, #tpu.memory_space<hbm>>
        %dma_wait3A_175 = tpu.memref_slice %arg6[%multiple_of3A_169] : memref<327680xi32, #tpu.memory_space<hbm>> -> memref<128xi32, #tpu.memory_space<hbm>>
        tpu.wait_dma2 semaphore(%arg25 : memref<!tpu.dma_semaphore, #tpu.memory_space<semaphore_mem>>) src(%dma_wait3A_175 : memref<128xi32, #tpu.memory_space<hbm>>) dst(%arg14 : memref<128xi32, #tpu.memory_space<vmem>>)
        %dma_wait3A_176 = tpu.memref_slice %arg7[%multiple_of3A_169] : memref<327680xi32, #tpu.memory_space<hbm>> -> memref<128xi32, #tpu.memory_space<hbm>>
        %dma_wait3A_177 = tpu.memref_slice %arg7[%multiple_of3A_169] : memref<327680xi32, #tpu.memory_space<hbm>> -> memref<128xi32, #tpu.memory_space<hbm>>
        tpu.wait_dma2 semaphore(%arg25 : memref<!tpu.dma_semaphore, #tpu.memory_space<semaphore_mem>>) src(%dma_wait3A_177 : memref<128xi32, #tpu.memory_space<hbm>>) dst(%arg16 : memref<128xi32, #tpu.memory_space<vmem>>)
        %dma_start3A_178 = arith.constant 0 : i32
        %dma_start3A_179 = arith.constant 0 : i32
        %dma_start3A_180 = tpu.memref_slice %arg4[%dma_start3A_178, %dma_start3A_179] : memref<10000x128xf32, #tpu.memory_space<hbm>> -> memref<10000x128xf32, #tpu.memory_space<hbm>>
        tpu.enqueue_indirect_dma source(%dma_start3A_180 : memref<10000x128xf32, #tpu.memory_space<hbm>>) target(%arg18 : memref<128x128xf32, #tpu.memory_space<vmem>>) offsets(%arg14 : memref<128xi32, #tpu.memory_space<vmem>>) semaphore(%arg21 : memref<!tpu.dma_semaphore, #tpu.memory_space<semaphore_mem>>)
      }
      %scan3A_41 = arith.constant 79 : i32
      %dma_wait3A_42 = arith.constant 0 : i32
      %dma_wait3A_43 = arith.constant 0 : i32
      %dma_wait3A_44 = tpu.memref_slice %arg4[%dma_wait3A_42, %dma_wait3A_43] : memref<10000x128xf32, #tpu.memory_space<hbm>> -> memref<10000x128xf32, #tpu.memory_space<hbm>>
      tpu.wait_indirect_dma semaphore(%arg20 : memref<!tpu.dma_semaphore, #tpu.memory_space<semaphore_mem>>) src(%dma_wait3A_44 : memref<10000x128xf32, #tpu.memory_space<hbm>>) dst(%arg17 : memref<128x128xf32, #tpu.memory_space<vmem>>)
      %dma_start3A_45 = arith.constant 0 : i32
      %dma_start3A_46 = arith.constant 0 : i32
      %dma_start3A_47 = tpu.memref_slice %arg19[%dma_start3A_45, %dma_start3A_46] : memref<10112x128xf32, #tpu.memory_space<vmem_shared>> -> memref<10112x128xf32, #tpu.memory_space<vmem_shared>>
      tpu.enqueue_indirect_dma source(%arg17 : memref<128x128xf32, #tpu.memory_space<vmem>>) target(%dma_start3A_47 : memref<10112x128xf32, #tpu.memory_space<vmem_shared>>) offsets(%arg15 : memref<128xi32, #tpu.memory_space<vmem>>) semaphore(%arg22 : memref<!tpu.dma_semaphore, #tpu.memory_space<semaphore_mem>>) {add = true}
      %dma_wait3A_48 = arith.constant 0 : i32
      %dma_wait3A_49 = arith.constant 0 : i32
      %dma_wait3A_50 = tpu.memref_slice %arg19[%dma_wait3A_48, %dma_wait3A_49] : memref<10112x128xf32, #tpu.memory_space<vmem_shared>> -> memref<10112x128xf32, #tpu.memory_space<vmem_shared>>
      tpu.wait_indirect_dma semaphore(%arg22 : memref<!tpu.dma_semaphore, #tpu.memory_space<semaphore_mem>>) src(%arg17 : memref<128x128xf32, #tpu.memory_space<vmem>>) dst(%dma_wait3A_50 : memref<10112x128xf32, #tpu.memory_space<vmem_shared>>)
      %dma_wait3A_51 = arith.constant 0 : i32
      %dma_wait3A_52 = arith.constant 0 : i32
      %dma_wait3A_53 = tpu.memref_slice %arg4[%dma_wait3A_51, %dma_wait3A_52] : memref<10000x128xf32, #tpu.memory_space<hbm>> -> memref<10000x128xf32, #tpu.memory_space<hbm>>
      tpu.wait_indirect_dma semaphore(%arg21 : memref<!tpu.dma_semaphore, #tpu.memory_space<semaphore_mem>>) src(%dma_wait3A_53 : memref<10000x128xf32, #tpu.memory_space<hbm>>) dst(%arg18 : memref<128x128xf32, #tpu.memory_space<vmem>>)
      %dma_start3A_54 = arith.constant 0 : i32
      %dma_start3A_55 = arith.constant 0 : i32
      %dma_start3A_56 = tpu.memref_slice %arg19[%dma_start3A_54, %dma_start3A_55] : memref<10112x128xf32, #tpu.memory_space<vmem_shared>> -> memref<10112x128xf32, #tpu.memory_space<vmem_shared>>
      tpu.enqueue_indirect_dma source(%arg18 : memref<128x128xf32, #tpu.memory_space<vmem>>) target(%dma_start3A_56 : memref<10112x128xf32, #tpu.memory_space<vmem_shared>>) offsets(%arg16 : memref<128xi32, #tpu.memory_space<vmem>>) semaphore(%arg23 : memref<!tpu.dma_semaphore, #tpu.memory_space<semaphore_mem>>) {add = true}
      %dma_wait3A_57 = arith.constant 0 : i32
      %dma_wait3A_58 = arith.constant 0 : i32
      %dma_wait3A_59 = tpu.memref_slice %arg19[%dma_wait3A_57, %dma_wait3A_58] : memref<10112x128xf32, #tpu.memory_space<vmem_shared>> -> memref<10112x128xf32, #tpu.memory_space<vmem_shared>>
      tpu.wait_indirect_dma semaphore(%arg23 : memref<!tpu.dma_semaphore, #tpu.memory_space<semaphore_mem>>) src(%arg18 : memref<128x128xf32, #tpu.memory_space<vmem>>) dst(%dma_wait3A_59 : memref<10112x128xf32, #tpu.memory_space<vmem_shared>>)
      %barrier3A_60 = arith.constant 0 : index
      tpu.barrier barrier_id(%barrier3A_60)
      "tpu.region"() ({
        %run_scoped3A = tpu.sem_alloc : memref<!tpu.dma_semaphore, #tpu.memory_space<semaphore_mem>>
        %dma_start3A_120 = arith.constant 0 : i32
        %dma_start3A_121 = tpu.memref_slice %arg11[%mul3A_2, %dma_start3A_120] : memref<10112x128xf32, #tpu.memory_space<hbm>> -> memref<632x128xf32, #tpu.memory_space<hbm>>
        %dma_start3A_122 = arith.constant 0 : i32
        %dma_start3A_123 = tpu.memref_slice %arg19[%mul3A_2, %dma_start3A_122] : memref<10112x128xf32, #tpu.memory_space<vmem_shared>> -> memref<632x128xf32, #tpu.memory_space<vmem_shared>>
        tpu.enqueue_dma source(%dma_start3A_123 : memref<632x128xf32, #tpu.memory_space<vmem_shared>>) target(%dma_start3A_121 : memref<632x128xf32, #tpu.memory_space<hbm>>) target_semaphore(%run_scoped3A : memref<!tpu.dma_semaphore, #tpu.memory_space<semaphore_mem>>)
        %dma_wait3A_124 = arith.constant 0 : i32
        %dma_wait3A_125 = tpu.memref_slice %arg11[%mul3A_2, %dma_wait3A_124] : memref<10112x128xf32, #tpu.memory_space<hbm>> -> memref<632x128xf32, #tpu.memory_space<hbm>>
        %dma_wait3A_126 = arith.constant 0 : i32
        %dma_wait3A_127 = tpu.memref_slice %arg19[%mul3A_2, %dma_wait3A_126] : memref<10112x128xf32, #tpu.memory_space<vmem_shared>> -> memref<632x128xf32, #tpu.memory_space<vmem_shared>>
        tpu.wait_dma2 semaphore(%run_scoped3A : memref<!tpu.dma_semaphore, #tpu.memory_space<semaphore_mem>>) src(%dma_wait3A_127 : memref<632x128xf32, #tpu.memory_space<vmem_shared>>) dst(%dma_wait3A_125 : memref<632x128xf32, #tpu.memory_space<hbm>>)
        tpu.yield
      }) : () -> ()
      %barrier3A_61 = arith.constant 0 : index
      tpu.barrier barrier_id(%barrier3A_61)
      "tpu.region"() ({
        %run_scoped3A = tpu.sem_alloc : memref<!tpu.dma_semaphore, #tpu.memory_space<semaphore_mem>>
        %dma_start3A_120 = arith.constant 0 : i32
        %dma_start3A_121 = tpu.memref_slice %arg19[%mul3A_2, %dma_start3A_120] : memref<10112x128xf32, #tpu.memory_space<vmem_shared>> -> memref<632x128xf32, #tpu.memory_space<vmem_shared>>
        %dma_start3A_122 = arith.constant 0 : i32
        %dma_start3A_123 = tpu.memref_slice %arg8[%mul3A_2, %dma_start3A_122] : memref<10112x128xf32, #tpu.memory_space<hbm>> -> memref<632x128xf32, #tpu.memory_space<hbm>>
        tpu.enqueue_dma source(%dma_start3A_123 : memref<632x128xf32, #tpu.memory_space<hbm>>) target(%dma_start3A_121 : memref<632x128xf32, #tpu.memory_space<vmem_shared>>) target_semaphore(%run_scoped3A : memref<!tpu.dma_semaphore, #tpu.memory_space<semaphore_mem>>)
        %dma_wait3A_124 = arith.constant 0 : i32
        %dma_wait3A_125 = tpu.memref_slice %arg19[%mul3A_2, %dma_wait3A_124] : memref<10112x128xf32, #tpu.memory_space<vmem_shared>> -> memref<632x128xf32, #tpu.memory_space<vmem_shared>>
        %dma_wait3A_126 = arith.constant 0 : i32
        %dma_wait3A_127 = tpu.memref_slice %arg8[%mul3A_2, %dma_wait3A_126] : memref<10112x128xf32, #tpu.memory_space<hbm>> -> memref<632x128xf32, #tpu.memory_space<hbm>>
        tpu.wait_dma2 semaphore(%run_scoped3A : memref<!tpu.dma_semaphore, #tpu.memory_space<semaphore_mem>>) src(%dma_wait3A_127 : memref<632x128xf32, #tpu.memory_space<hbm>>) dst(%dma_wait3A_125 : memref<632x128xf32, #tpu.memory_space<vmem_shared>>)
        tpu.yield
      }) : () -> ()
      %barrier3A_62 = arith.constant 0 : index
      tpu.barrier barrier_id(%barrier3A_62)
      %add3A_63 = arith.constant 0 : i32
      %add3A_64 = arith.addi %mul3A_0, %add3A_63 : i32
      %mul3A_65 = arith.constant 128 : i32
      %mul3A_66 = arith.muli %add3A_64, %mul3A_65 : i32
      %multiple_of3A_67 = tpu.assume_multiple %mul3A_66, 128 : i32
      %dma_start3A_68 = tpu.memref_slice %arg7[%multiple_of3A_67] : memref<327680xi32, #tpu.memory_space<hbm>> -> memref<128xi32, #tpu.memory_space<hbm>>
      %dma_start3A_69 = tpu.memref_slice %arg7[%multiple_of3A_67] : memref<327680xi32, #tpu.memory_space<hbm>> -> memref<128xi32, #tpu.memory_space<hbm>>
      tpu.enqueue_dma source(%dma_start3A_69 : memref<128xi32, #tpu.memory_space<hbm>>) target(%arg15 : memref<128xi32, #tpu.memory_space<vmem>>) target_semaphore(%arg24 : memref<!tpu.dma_semaphore, #tpu.memory_space<semaphore_mem>>)
      %dma_start3A_70 = tpu.memref_slice %arg6[%multiple_of3A_67] : memref<327680xi32, #tpu.memory_space<hbm>> -> memref<128xi32, #tpu.memory_space<hbm>>
      %dma_start3A_71 = tpu.memref_slice %arg6[%multiple_of3A_67] : memref<327680xi32, #tpu.memory_space<hbm>> -> memref<128xi32, #tpu.memory_space<hbm>>
      tpu.enqueue_dma source(%dma_start3A_71 : memref<128xi32, #tpu.memory_space<hbm>>) target(%arg13 : memref<128xi32, #tpu.memory_space<vmem>>) target_semaphore(%arg24 : memref<!tpu.dma_semaphore, #tpu.memory_space<semaphore_mem>>)
      %dma_wait3A_72 = tpu.memref_slice %arg6[%multiple_of3A_67] : memref<327680xi32, #tpu.memory_space<hbm>> -> memref<128xi32, #tpu.memory_space<hbm>>
      %dma_wait3A_73 = tpu.memref_slice %arg6[%multiple_of3A_67] : memref<327680xi32, #tpu.memory_space<hbm>> -> memref<128xi32, #tpu.memory_space<hbm>>
      tpu.wait_dma2 semaphore(%arg24 : memref<!tpu.dma_semaphore, #tpu.memory_space<semaphore_mem>>) src(%dma_wait3A_73 : memref<128xi32, #tpu.memory_space<hbm>>) dst(%arg13 : memref<128xi32, #tpu.memory_space<vmem>>)
      %dma_wait3A_74 = tpu.memref_slice %arg7[%multiple_of3A_67] : memref<327680xi32, #tpu.memory_space<hbm>> -> memref<128xi32, #tpu.memory_space<hbm>>
      %dma_wait3A_75 = tpu.memref_slice %arg7[%multiple_of3A_67] : memref<327680xi32, #tpu.memory_space<hbm>> -> memref<128xi32, #tpu.memory_space<hbm>>
      tpu.wait_dma2 semaphore(%arg24 : memref<!tpu.dma_semaphore, #tpu.memory_space<semaphore_mem>>) src(%dma_wait3A_75 : memref<128xi32, #tpu.memory_space<hbm>>) dst(%arg15 : memref<128xi32, #tpu.memory_space<vmem>>)
      %dma_start3A_76 = arith.constant 0 : i32
      %dma_start3A_77 = arith.constant 0 : i32
      %dma_start3A_78 = tpu.memref_slice %arg5[%dma_start3A_76, %dma_start3A_77] : memref<10000x128xf32, #tpu.memory_space<hbm>> -> memref<10000x128xf32, #tpu.memory_space<hbm>>
      tpu.enqueue_indirect_dma source(%dma_start3A_78 : memref<10000x128xf32, #tpu.memory_space<hbm>>) target(%arg17 : memref<128x128xf32, #tpu.memory_space<vmem>>) offsets(%arg13 : memref<128xi32, #tpu.memory_space<vmem>>) semaphore(%arg20 : memref<!tpu.dma_semaphore, #tpu.memory_space<semaphore_mem>>)
      %add3A_79 = arith.constant 1 : i32
      %add3A_80 = arith.addi %mul3A_0, %add3A_79 : i32
      %mul3A_81 = arith.constant 128 : i32
      %mul3A_82 = arith.muli %add3A_80, %mul3A_81 : i32
      %multiple_of3A_83 = tpu.assume_multiple %mul3A_82, 128 : i32
      %dma_start3A_84 = tpu.memref_slice %arg7[%multiple_of3A_83] : memref<327680xi32, #tpu.memory_space<hbm>> -> memref<128xi32, #tpu.memory_space<hbm>>
      %dma_start3A_85 = tpu.memref_slice %arg7[%multiple_of3A_83] : memref<327680xi32, #tpu.memory_space<hbm>> -> memref<128xi32, #tpu.memory_space<hbm>>
      tpu.enqueue_dma source(%dma_start3A_85 : memref<128xi32, #tpu.memory_space<hbm>>) target(%arg16 : memref<128xi32, #tpu.memory_space<vmem>>) target_semaphore(%arg25 : memref<!tpu.dma_semaphore, #tpu.memory_space<semaphore_mem>>)
      %dma_start3A_86 = tpu.memref_slice %arg6[%multiple_of3A_83] : memref<327680xi32, #tpu.memory_space<hbm>> -> memref<128xi32, #tpu.memory_space<hbm>>
      %dma_start3A_87 = tpu.memref_slice %arg6[%multiple_of3A_83] : memref<327680xi32, #tpu.memory_space<hbm>> -> memref<128xi32, #tpu.memory_space<hbm>>
      tpu.enqueue_dma source(%dma_start3A_87 : memref<128xi32, #tpu.memory_space<hbm>>) target(%arg14 : memref<128xi32, #tpu.memory_space<vmem>>) target_semaphore(%arg25 : memref<!tpu.dma_semaphore, #tpu.memory_space<semaphore_mem>>)
      %dma_wait3A_88 = tpu.memref_slice %arg6[%multiple_of3A_83] : memref<327680xi32, #tpu.memory_space<hbm>> -> memref<128xi32, #tpu.memory_space<hbm>>
      %dma_wait3A_89 = tpu.memref_slice %arg6[%multiple_of3A_83] : memref<327680xi32, #tpu.memory_space<hbm>> -> memref<128xi32, #tpu.memory_space<hbm>>
      tpu.wait_dma2 semaphore(%arg25 : memref<!tpu.dma_semaphore, #tpu.memory_space<semaphore_mem>>) src(%dma_wait3A_89 : memref<128xi32, #tpu.memory_space<hbm>>) dst(%arg14 : memref<128xi32, #tpu.memory_space<vmem>>)
      %dma_wait3A_90 = tpu.memref_slice %arg7[%multiple_of3A_83] : memref<327680xi32, #tpu.memory_space<hbm>> -> memref<128xi32, #tpu.memory_space<hbm>>
      %dma_wait3A_91 = tpu.memref_slice %arg7[%multiple_of3A_83] : memref<327680xi32, #tpu.memory_space<hbm>> -> memref<128xi32, #tpu.memory_space<hbm>>
      tpu.wait_dma2 semaphore(%arg25 : memref<!tpu.dma_semaphore, #tpu.memory_space<semaphore_mem>>) src(%dma_wait3A_91 : memref<128xi32, #tpu.memory_space<hbm>>) dst(%arg16 : memref<128xi32, #tpu.memory_space<vmem>>)
      %dma_start3A_92 = arith.constant 0 : i32
      %dma_start3A_93 = arith.constant 0 : i32
      %dma_start3A_94 = tpu.memref_slice %arg5[%dma_start3A_92, %dma_start3A_93] : memref<10000x128xf32, #tpu.memory_space<hbm>> -> memref<10000x128xf32, #tpu.memory_space<hbm>>
      tpu.enqueue_indirect_dma source(%dma_start3A_94 : memref<10000x128xf32, #tpu.memory_space<hbm>>) target(%arg18 : memref<128x128xf32, #tpu.memory_space<vmem>>) offsets(%arg14 : memref<128xi32, #tpu.memory_space<vmem>>) semaphore(%arg21 : memref<!tpu.dma_semaphore, #tpu.memory_space<semaphore_mem>>)
      %scan3A_95 = arith.constant 0 : i32
      %scan3A_96 = arith.constant 79 : i32
      %scan3A_97 = arith.addi %scan3A_95, %scan3A_96 : i32
      %scan3A_98 = arith.constant 1 : i32
      scf.for %scan3A_120 = %scan3A_95 to %scan3A_97 step %scan3A_98  : i32 {
        %mul3A_121 = arith.constant 2 : i32
        %mul3A_122 = arith.muli %scan3A_120, %mul3A_121 : i32
        %add3A_123 = arith.constant 0 : i32
        %add3A_124 = arith.addi %add3A_123, %mul3A_122 : i32
        %dma_wait3A_125 = arith.constant 0 : i32
        %dma_wait3A_126 = arith.constant 0 : i32
        %dma_wait3A_127 = tpu.memref_slice %arg5[%dma_wait3A_125, %dma_wait3A_126] : memref<10000x128xf32, #tpu.memory_space<hbm>> -> memref<10000x128xf32, #tpu.memory_space<hbm>>
        tpu.wait_indirect_dma semaphore(%arg20 : memref<!tpu.dma_semaphore, #tpu.memory_space<semaphore_mem>>) src(%dma_wait3A_127 : memref<10000x128xf32, #tpu.memory_space<hbm>>) dst(%arg17 : memref<128x128xf32, #tpu.memory_space<vmem>>)
        %dma_start3A_128 = arith.constant 0 : i32
        %dma_start3A_129 = arith.constant 0 : i32
        %dma_start3A_130 = tpu.memref_slice %arg19[%dma_start3A_128, %dma_start3A_129] : memref<10112x128xf32, #tpu.memory_space<vmem_shared>> -> memref<10112x128xf32, #tpu.memory_space<vmem_shared>>
        tpu.enqueue_indirect_dma source(%arg17 : memref<128x128xf32, #tpu.memory_space<vmem>>) target(%dma_start3A_130 : memref<10112x128xf32, #tpu.memory_space<vmem_shared>>) offsets(%arg15 : memref<128xi32, #tpu.memory_space<vmem>>) semaphore(%arg22 : memref<!tpu.dma_semaphore, #tpu.memory_space<semaphore_mem>>) {add = true}
        %dma_wait3A_131 = arith.constant 0 : i32
        %dma_wait3A_132 = arith.constant 0 : i32
        %dma_wait3A_133 = tpu.memref_slice %arg19[%dma_wait3A_131, %dma_wait3A_132] : memref<10112x128xf32, #tpu.memory_space<vmem_shared>> -> memref<10112x128xf32, #tpu.memory_space<vmem_shared>>
        tpu.wait_indirect_dma semaphore(%arg22 : memref<!tpu.dma_semaphore, #tpu.memory_space<semaphore_mem>>) src(%arg17 : memref<128x128xf32, #tpu.memory_space<vmem>>) dst(%dma_wait3A_133 : memref<10112x128xf32, #tpu.memory_space<vmem_shared>>)
        %add3A_134 = arith.constant 0 : i32
        %add3A_135 = arith.addi %add3A_124, %add3A_134 : i32
        %add3A_136 = arith.constant 2 : i32
        %add3A_137 = arith.addi %add3A_135, %add3A_136 : i32
        %add3A_138 = arith.addi %mul3A_0, %add3A_137 : i32
        %mul3A_139 = arith.constant 128 : i32
        %mul3A_140 = arith.muli %add3A_138, %mul3A_139 : i32
        %multiple_of3A_141 = tpu.assume_multiple %mul3A_140, 128 : i32
        %dma_start3A_142 = tpu.memref_slice %arg7[%multiple_of3A_141] : memref<327680xi32, #tpu.memory_space<hbm>> -> memref<128xi32, #tpu.memory_space<hbm>>
        %dma_start3A_143 = tpu.memref_slice %arg7[%multiple_of3A_141] : memref<327680xi32, #tpu.memory_space<hbm>> -> memref<128xi32, #tpu.memory_space<hbm>>
        tpu.enqueue_dma source(%dma_start3A_143 : memref<128xi32, #tpu.memory_space<hbm>>) target(%arg15 : memref<128xi32, #tpu.memory_space<vmem>>) target_semaphore(%arg24 : memref<!tpu.dma_semaphore, #tpu.memory_space<semaphore_mem>>)
        %dma_start3A_144 = tpu.memref_slice %arg6[%multiple_of3A_141] : memref<327680xi32, #tpu.memory_space<hbm>> -> memref<128xi32, #tpu.memory_space<hbm>>
        %dma_start3A_145 = tpu.memref_slice %arg6[%multiple_of3A_141] : memref<327680xi32, #tpu.memory_space<hbm>> -> memref<128xi32, #tpu.memory_space<hbm>>
        tpu.enqueue_dma source(%dma_start3A_145 : memref<128xi32, #tpu.memory_space<hbm>>) target(%arg13 : memref<128xi32, #tpu.memory_space<vmem>>) target_semaphore(%arg24 : memref<!tpu.dma_semaphore, #tpu.memory_space<semaphore_mem>>)
        %dma_wait3A_146 = tpu.memref_slice %arg6[%multiple_of3A_141] : memref<327680xi32, #tpu.memory_space<hbm>> -> memref<128xi32, #tpu.memory_space<hbm>>
        %dma_wait3A_147 = tpu.memref_slice %arg6[%multiple_of3A_141] : memref<327680xi32, #tpu.memory_space<hbm>> -> memref<128xi32, #tpu.memory_space<hbm>>
        tpu.wait_dma2 semaphore(%arg24 : memref<!tpu.dma_semaphore, #tpu.memory_space<semaphore_mem>>) src(%dma_wait3A_147 : memref<128xi32, #tpu.memory_space<hbm>>) dst(%arg13 : memref<128xi32, #tpu.memory_space<vmem>>)
        %dma_wait3A_148 = tpu.memref_slice %arg7[%multiple_of3A_141] : memref<327680xi32, #tpu.memory_space<hbm>> -> memref<128xi32, #tpu.memory_space<hbm>>
        %dma_wait3A_149 = tpu.memref_slice %arg7[%multiple_of3A_141] : memref<327680xi32, #tpu.memory_space<hbm>> -> memref<128xi32, #tpu.memory_space<hbm>>
        tpu.wait_dma2 semaphore(%arg24 : memref<!tpu.dma_semaphore, #tpu.memory_space<semaphore_mem>>) src(%dma_wait3A_149 : memref<128xi32, #tpu.memory_space<hbm>>) dst(%arg15 : memref<128xi32, #tpu.memory_space<vmem>>)
        %dma_start3A_150 = arith.constant 0 : i32
        %dma_start3A_151 = arith.constant 0 : i32
        %dma_start3A_152 = tpu.memref_slice %arg5[%dma_start3A_150, %dma_start3A_151] : memref<10000x128xf32, #tpu.memory_space<hbm>> -> memref<10000x128xf32, #tpu.memory_space<hbm>>
        tpu.enqueue_indirect_dma source(%dma_start3A_152 : memref<10000x128xf32, #tpu.memory_space<hbm>>) target(%arg17 : memref<128x128xf32, #tpu.memory_space<vmem>>) offsets(%arg13 : memref<128xi32, #tpu.memory_space<vmem>>) semaphore(%arg20 : memref<!tpu.dma_semaphore, #tpu.memory_space<semaphore_mem>>)
        %dma_wait3A_153 = arith.constant 0 : i32
        %dma_wait3A_154 = arith.constant 0 : i32
        %dma_wait3A_155 = tpu.memref_slice %arg5[%dma_wait3A_153, %dma_wait3A_154] : memref<10000x128xf32, #tpu.memory_space<hbm>> -> memref<10000x128xf32, #tpu.memory_space<hbm>>
        tpu.wait_indirect_dma semaphore(%arg21 : memref<!tpu.dma_semaphore, #tpu.memory_space<semaphore_mem>>) src(%dma_wait3A_155 : memref<10000x128xf32, #tpu.memory_space<hbm>>) dst(%arg18 : memref<128x128xf32, #tpu.memory_space<vmem>>)
        %dma_start3A_156 = arith.constant 0 : i32
        %dma_start3A_157 = arith.constant 0 : i32
        %dma_start3A_158 = tpu.memref_slice %arg19[%dma_start3A_156, %dma_start3A_157] : memref<10112x128xf32, #tpu.memory_space<vmem_shared>> -> memref<10112x128xf32, #tpu.memory_space<vmem_shared>>
        tpu.enqueue_indirect_dma source(%arg18 : memref<128x128xf32, #tpu.memory_space<vmem>>) target(%dma_start3A_158 : memref<10112x128xf32, #tpu.memory_space<vmem_shared>>) offsets(%arg16 : memref<128xi32, #tpu.memory_space<vmem>>) semaphore(%arg23 : memref<!tpu.dma_semaphore, #tpu.memory_space<semaphore_mem>>) {add = true}
        %dma_wait3A_159 = arith.constant 0 : i32
        %dma_wait3A_160 = arith.constant 0 : i32
        %dma_wait3A_161 = tpu.memref_slice %arg19[%dma_wait3A_159, %dma_wait3A_160] : memref<10112x128xf32, #tpu.memory_space<vmem_shared>> -> memref<10112x128xf32, #tpu.memory_space<vmem_shared>>
        tpu.wait_indirect_dma semaphore(%arg23 : memref<!tpu.dma_semaphore, #tpu.memory_space<semaphore_mem>>) src(%arg18 : memref<128x128xf32, #tpu.memory_space<vmem>>) dst(%dma_wait3A_161 : memref<10112x128xf32, #tpu.memory_space<vmem_shared>>)
        %add3A_162 = arith.constant 1 : i32
        %add3A_163 = arith.addi %add3A_124, %add3A_162 : i32
        %add3A_164 = arith.constant 2 : i32
        %add3A_165 = arith.addi %add3A_163, %add3A_164 : i32
        %add3A_166 = arith.addi %mul3A_0, %add3A_165 : i32
        %mul3A_167 = arith.constant 128 : i32
        %mul3A_168 = arith.muli %add3A_166, %mul3A_167 : i32
        %multiple_of3A_169 = tpu.assume_multiple %mul3A_168, 128 : i32
        %dma_start3A_170 = tpu.memref_slice %arg7[%multiple_of3A_169] : memref<327680xi32, #tpu.memory_space<hbm>> -> memref<128xi32, #tpu.memory_space<hbm>>
        %dma_start3A_171 = tpu.memref_slice %arg7[%multiple_of3A_169] : memref<327680xi32, #tpu.memory_space<hbm>> -> memref<128xi32, #tpu.memory_space<hbm>>
        tpu.enqueue_dma source(%dma_start3A_171 : memref<128xi32, #tpu.memory_space<hbm>>) target(%arg16 : memref<128xi32, #tpu.memory_space<vmem>>) target_semaphore(%arg25 : memref<!tpu.dma_semaphore, #tpu.memory_space<semaphore_mem>>)
        %dma_start3A_172 = tpu.memref_slice %arg6[%multiple_of3A_169] : memref<327680xi32, #tpu.memory_space<hbm>> -> memref<128xi32, #tpu.memory_space<hbm>>
        %dma_start3A_173 = tpu.memref_slice %arg6[%multiple_of3A_169] : memref<327680xi32, #tpu.memory_space<hbm>> -> memref<128xi32, #tpu.memory_space<hbm>>
        tpu.enqueue_dma source(%dma_start3A_173 : memref<128xi32, #tpu.memory_space<hbm>>) target(%arg14 : memref<128xi32, #tpu.memory_space<vmem>>) target_semaphore(%arg25 : memref<!tpu.dma_semaphore, #tpu.memory_space<semaphore_mem>>)
        %dma_wait3A_174 = tpu.memref_slice %arg6[%multiple_of3A_169] : memref<327680xi32, #tpu.memory_space<hbm>> -> memref<128xi32, #tpu.memory_space<hbm>>
        %dma_wait3A_175 = tpu.memref_slice %arg6[%multiple_of3A_169] : memref<327680xi32, #tpu.memory_space<hbm>> -> memref<128xi32, #tpu.memory_space<hbm>>
        tpu.wait_dma2 semaphore(%arg25 : memref<!tpu.dma_semaphore, #tpu.memory_space<semaphore_mem>>) src(%dma_wait3A_175 : memref<128xi32, #tpu.memory_space<hbm>>) dst(%arg14 : memref<128xi32, #tpu.memory_space<vmem>>)
        %dma_wait3A_176 = tpu.memref_slice %arg7[%multiple_of3A_169] : memref<327680xi32, #tpu.memory_space<hbm>> -> memref<128xi32, #tpu.memory_space<hbm>>
        %dma_wait3A_177 = tpu.memref_slice %arg7[%multiple_of3A_169] : memref<327680xi32, #tpu.memory_space<hbm>> -> memref<128xi32, #tpu.memory_space<hbm>>
        tpu.wait_dma2 semaphore(%arg25 : memref<!tpu.dma_semaphore, #tpu.memory_space<semaphore_mem>>) src(%dma_wait3A_177 : memref<128xi32, #tpu.memory_space<hbm>>) dst(%arg16 : memref<128xi32, #tpu.memory_space<vmem>>)
        %dma_start3A_178 = arith.constant 0 : i32
        %dma_start3A_179 = arith.constant 0 : i32
        %dma_start3A_180 = tpu.memref_slice %arg5[%dma_start3A_178, %dma_start3A_179] : memref<10000x128xf32, #tpu.memory_space<hbm>> -> memref<10000x128xf32, #tpu.memory_space<hbm>>
        tpu.enqueue_indirect_dma source(%dma_start3A_180 : memref<10000x128xf32, #tpu.memory_space<hbm>>) target(%arg18 : memref<128x128xf32, #tpu.memory_space<vmem>>) offsets(%arg14 : memref<128xi32, #tpu.memory_space<vmem>>) semaphore(%arg21 : memref<!tpu.dma_semaphore, #tpu.memory_space<semaphore_mem>>)
      }
      %scan3A_99 = arith.constant 79 : i32
      %dma_wait3A_100 = arith.constant 0 : i32
      %dma_wait3A_101 = arith.constant 0 : i32
      %dma_wait3A_102 = tpu.memref_slice %arg5[%dma_wait3A_100, %dma_wait3A_101] : memref<10000x128xf32, #tpu.memory_space<hbm>> -> memref<10000x128xf32, #tpu.memory_space<hbm>>
      tpu.wait_indirect_dma semaphore(%arg20 : memref<!tpu.dma_semaphore, #tpu.memory_space<semaphore_mem>>) src(%dma_wait3A_102 : memref<10000x128xf32, #tpu.memory_space<hbm>>) dst(%arg17 : memref<128x128xf32, #tpu.memory_space<vmem>>)
      %dma_start3A_103 = arith.constant 0 : i32
      %dma_start3A_104 = arith.constant 0 : i32
      %dma_start3A_105 = tpu.memref_slice %arg19[%dma_start3A_103, %dma_start3A_104] : memref<10112x128xf32, #tpu.memory_space<vmem_shared>> -> memref<10112x128xf32, #tpu.memory_space<vmem_shared>>
      tpu.enqueue_indirect_dma source(%arg17 : memref<128x128xf32, #tpu.memory_space<vmem>>) target(%dma_start3A_105 : memref<10112x128xf32, #tpu.memory_space<vmem_shared>>) offsets(%arg15 : memref<128xi32, #tpu.memory_space<vmem>>) semaphore(%arg22 : memref<!tpu.dma_semaphore, #tpu.memory_space<semaphore_mem>>) {add = true}
      %dma_wait3A_106 = arith.constant 0 : i32
      %dma_wait3A_107 = arith.constant 0 : i32
      %dma_wait3A_108 = tpu.memref_slice %arg19[%dma_wait3A_106, %dma_wait3A_107] : memref<10112x128xf32, #tpu.memory_space<vmem_shared>> -> memref<10112x128xf32, #tpu.memory_space<vmem_shared>>
      tpu.wait_indirect_dma semaphore(%arg22 : memref<!tpu.dma_semaphore, #tpu.memory_space<semaphore_mem>>) src(%arg17 : memref<128x128xf32, #tpu.memory_space<vmem>>) dst(%dma_wait3A_108 : memref<10112x128xf32, #tpu.memory_space<vmem_shared>>)
      %dma_wait3A_109 = arith.constant 0 : i32
      %dma_wait3A_110 = arith.constant 0 : i32
      %dma_wait3A_111 = tpu.memref_slice %arg5[%dma_wait3A_109, %dma_wait3A_110] : memref<10000x128xf32, #tpu.memory_space<hbm>> -> memref<10000x128xf32, #tpu.memory_space<hbm>>
      tpu.wait_indirect_dma semaphore(%arg21 : memref<!tpu.dma_semaphore, #tpu.memory_space<semaphore_mem>>) src(%dma_wait3A_111 : memref<10000x128xf32, #tpu.memory_space<hbm>>) dst(%arg18 : memref<128x128xf32, #tpu.memory_space<vmem>>)
      %dma_start3A_112 = arith.constant 0 : i32
      %dma_start3A_113 = arith.constant 0 : i32
      %dma_start3A_114 = tpu.memref_slice %arg19[%dma_start3A_112, %dma_start3A_113] : memref<10112x128xf32, #tpu.memory_space<vmem_shared>> -> memref<10112x128xf32, #tpu.memory_space<vmem_shared>>
      tpu.enqueue_indirect_dma source(%arg18 : memref<128x128xf32, #tpu.memory_space<vmem>>) target(%dma_start3A_114 : memref<10112x128xf32, #tpu.memory_space<vmem_shared>>) offsets(%arg16 : memref<128xi32, #tpu.memory_space<vmem>>) semaphore(%arg23 : memref<!tpu.dma_semaphore, #tpu.memory_space<semaphore_mem>>) {add = true}
      %dma_wait3A_115 = arith.constant 0 : i32
      %dma_wait3A_116 = arith.constant 0 : i32
      %dma_wait3A_117 = tpu.memref_slice %arg19[%dma_wait3A_115, %dma_wait3A_116] : memref<10112x128xf32, #tpu.memory_space<vmem_shared>> -> memref<10112x128xf32, #tpu.memory_space<vmem_shared>>
      tpu.wait_indirect_dma semaphore(%arg23 : memref<!tpu.dma_semaphore, #tpu.memory_space<semaphore_mem>>) src(%arg18 : memref<128x128xf32, #tpu.memory_space<vmem>>) dst(%dma_wait3A_117 : memref<10112x128xf32, #tpu.memory_space<vmem_shared>>)
      %barrier3A_118 = arith.constant 0 : index
      tpu.barrier barrier_id(%barrier3A_118)
      "tpu.region"() ({
        %run_scoped3A = tpu.sem_alloc : memref<!tpu.dma_semaphore, #tpu.memory_space<semaphore_mem>>
        %dma_start3A_120 = arith.constant 0 : i32
        %dma_start3A_121 = tpu.memref_slice %arg12[%mul3A_2, %dma_start3A_120] : memref<10112x128xf32, #tpu.memory_space<hbm>> -> memref<632x128xf32, #tpu.memory_space<hbm>>
        %dma_start3A_122 = arith.constant 0 : i32
        %dma_start3A_123 = tpu.memref_slice %arg19[%mul3A_2, %dma_start3A_122] : memref<10112x128xf32, #tpu.memory_space<vmem_shared>> -> memref<632x128xf32, #tpu.memory_space<vmem_shared>>
        tpu.enqueue_dma source(%dma_start3A_123 : memref<632x128xf32, #tpu.memory_space<vmem_shared>>) target(%dma_start3A_121 : memref<632x128xf32, #tpu.memory_space<hbm>>) target_semaphore(%run_scoped3A : memref<!tpu.dma_semaphore, #tpu.memory_space<semaphore_mem>>)
        %dma_wait3A_124 = arith.constant 0 : i32
        %dma_wait3A_125 = tpu.memref_slice %arg12[%mul3A_2, %dma_wait3A_124] : memref<10112x128xf32, #tpu.memory_space<hbm>> -> memref<632x128xf32, #tpu.memory_space<hbm>>
        %dma_wait3A_126 = arith.constant 0 : i32
        %dma_wait3A_127 = tpu.memref_slice %arg19[%mul3A_2, %dma_wait3A_126] : memref<10112x128xf32, #tpu.memory_space<vmem_shared>> -> memref<632x128xf32, #tpu.memory_space<vmem_shared>>
        tpu.wait_dma2 semaphore(%run_scoped3A : memref<!tpu.dma_semaphore, #tpu.memory_space<semaphore_mem>>) src(%dma_wait3A_127 : memref<632x128xf32, #tpu.memory_space<vmem_shared>>) dst(%dma_wait3A_125 : memref<632x128xf32, #tpu.memory_space<hbm>>)
        tpu.yield
      }) : () -> ()
      %barrier3A_119 = arith.constant 0 : index
      tpu.barrier barrier_id(%barrier3A_119)
    } else {
    }
    return
  }
}

#map = affine_map<(d0, d1) -> (0, 0)>
#map1 = affine_map<(d0, d1) -> (0)>
module attributes {stable_mosaic.version = 14 : i64} {
  func.func @k(%arg0: i32, %arg1: i32, %arg2: memref<10000x128xf32, #tpu.memory_space<hbm>>, %arg3: memref<327680xi32, #tpu.memory_space<hbm>>, %arg4: memref<327680xi32, #tpu.memory_space<hbm>>, %arg5: memref<10112x128xf32, #tpu.memory_space<hbm>>, %arg6: memref<128x128xf32, #tpu.memory_space<hbm>>, %arg7: memref<10112x128xf32, #tpu.memory_space<hbm>>, %arg8: memref<10112x128xf32, #tpu.memory_space<hbm>>, %arg9: memref<128xi32, #tpu.memory_space<vmem>>, %arg10: memref<128xi32, #tpu.memory_space<vmem>>, %arg11: memref<128xi32, #tpu.memory_space<vmem>>, %arg12: memref<128xi32, #tpu.memory_space<vmem>>, %arg13: memref<128x128xf32, #tpu.memory_space<vmem>>, %arg14: memref<128x128xf32, #tpu.memory_space<vmem>>, %arg15: memref<10112x128xf32, #tpu.memory_space<vmem_shared>>, %arg16: memref<!tpu.dma_semaphore, #tpu.memory_space<semaphore_mem>>, %arg17: memref<!tpu.dma_semaphore, #tpu.memory_space<semaphore_mem>>, %arg18: memref<!tpu.dma_semaphore, #tpu.memory_space<semaphore_mem>>, %arg19: memref<!tpu.dma_semaphore, #tpu.memory_space<semaphore_mem>>, %arg20: memref<!tpu.dma_semaphore, #tpu.memory_space<semaphore_mem>>, %arg21: memref<!tpu.dma_semaphore, #tpu.memory_space<semaphore_mem>>) attributes {dimension_semantics = [#tpu.dimension_semantics<core_parallel>, #tpu.dimension_semantics<subcore_parallel>], iteration_bounds = array<i64: 2, 16>, scalar_prefetch = 0 : i64, scratch_operands = 13 : i64, tpu.core_type = #tpu.core_type<sc_vector_subcore>, window_params = [{transform_indices = #map}, {transform_indices = #map1}, {transform_indices = #map1}, {transform_indices = #map}, {transform_indices = #map}, {transform_indices = #map}, {transform_indices = #map}]} {
    %mul3A = arith.constant 160 : i32
    %mul3A_0 = arith.muli %arg1, %mul3A : i32
    %mul3A_1 = arith.constant 632 : i32
    %mul3A_2 = arith.muli %arg1, %mul3A_1 : i32
    "tpu.region"() ({
      %run_scoped3A = tpu.sem_alloc : memref<!tpu.dma_semaphore, #tpu.memory_space<semaphore_mem>>
      %dma_start3A = arith.constant 0 : i32
      %dma_start3A_10 = tpu.memref_slice %arg15[%mul3A_2, %dma_start3A] : memref<10112x128xf32, #tpu.memory_space<vmem_shared>> -> memref<632x128xf32, #tpu.memory_space<vmem_shared>>
      %dma_start3A_11 = arith.constant 0 : i32
      %dma_start3A_12 = tpu.memref_slice %arg5[%mul3A_2, %dma_start3A_11] : memref<10112x128xf32, #tpu.memory_space<hbm>> -> memref<632x128xf32, #tpu.memory_space<hbm>>
      tpu.enqueue_dma source(%dma_start3A_12 : memref<632x128xf32, #tpu.memory_space<hbm>>) target(%dma_start3A_10 : memref<632x128xf32, #tpu.memory_space<vmem_shared>>) target_semaphore(%run_scoped3A : memref<!tpu.dma_semaphore, #tpu.memory_space<semaphore_mem>>)
      %dma_wait3A = arith.constant 0 : i32
      %dma_wait3A_13 = tpu.memref_slice %arg15[%mul3A_2, %dma_wait3A] : memref<10112x128xf32, #tpu.memory_space<vmem_shared>> -> memref<632x128xf32, #tpu.memory_space<vmem_shared>>
      %dma_wait3A_14 = arith.constant 0 : i32
      %dma_wait3A_15 = tpu.memref_slice %arg5[%mul3A_2, %dma_wait3A_14] : memref<10112x128xf32, #tpu.memory_space<hbm>> -> memref<632x128xf32, #tpu.memory_space<hbm>>
      tpu.wait_dma2 semaphore(%run_scoped3A : memref<!tpu.dma_semaphore, #tpu.memory_space<semaphore_mem>>) src(%dma_wait3A_15 : memref<632x128xf32, #tpu.memory_space<hbm>>) dst(%dma_wait3A_13 : memref<632x128xf32, #tpu.memory_space<vmem_shared>>)
      tpu.yield
    }) : () -> ()
    %eq3A = arith.constant 0 : i32
    %eq3A_3 = arith.cmpi eq, %arg0, %eq3A : i32
    %convert_element_type3A = arith.extui %eq3A_3 : i1 to i32
    %cond3A = arith.constant 0 : i32
    %cond3A_4 = arith.cmpi ne, %convert_element_type3A, %cond3A : i32
    scf.if %cond3A_4 {
      %barrier3A = arith.constant 0 : index
      tpu.barrier barrier_id(%barrier3A)
      %add3A = arith.constant 0 : i32
      %add3A_10 = arith.addi %mul3A_0, %add3A : i32
      %mul3A_11 = arith.constant 128 : i32
      %mul3A_12 = arith.muli %add3A_10, %mul3A_11 : i32
      %multiple_of3A = tpu.assume_multiple %mul3A_12, 128 : i32
      %dma_start3A = tpu.memref_slice %arg4[%multiple_of3A] : memref<327680xi32, #tpu.memory_space<hbm>> -> memref<128xi32, #tpu.memory_space<hbm>>
      %dma_start3A_13 = tpu.memref_slice %arg4[%multiple_of3A] : memref<327680xi32, #tpu.memory_space<hbm>> -> memref<128xi32, #tpu.memory_space<hbm>>
      tpu.enqueue_dma source(%dma_start3A_13 : memref<128xi32, #tpu.memory_space<hbm>>) target(%arg11 : memref<128xi32, #tpu.memory_space<vmem>>) target_semaphore(%arg20 : memref<!tpu.dma_semaphore, #tpu.memory_space<semaphore_mem>>)
      %dma_start3A_14 = tpu.memref_slice %arg3[%multiple_of3A] : memref<327680xi32, #tpu.memory_space<hbm>> -> memref<128xi32, #tpu.memory_space<hbm>>
      %dma_start3A_15 = tpu.memref_slice %arg3[%multiple_of3A] : memref<327680xi32, #tpu.memory_space<hbm>> -> memref<128xi32, #tpu.memory_space<hbm>>
      tpu.enqueue_dma source(%dma_start3A_15 : memref<128xi32, #tpu.memory_space<hbm>>) target(%arg9 : memref<128xi32, #tpu.memory_space<vmem>>) target_semaphore(%arg20 : memref<!tpu.dma_semaphore, #tpu.memory_space<semaphore_mem>>)
      %dma_wait3A = tpu.memref_slice %arg3[%multiple_of3A] : memref<327680xi32, #tpu.memory_space<hbm>> -> memref<128xi32, #tpu.memory_space<hbm>>
      %dma_wait3A_16 = tpu.memref_slice %arg3[%multiple_of3A] : memref<327680xi32, #tpu.memory_space<hbm>> -> memref<128xi32, #tpu.memory_space<hbm>>
      tpu.wait_dma2 semaphore(%arg20 : memref<!tpu.dma_semaphore, #tpu.memory_space<semaphore_mem>>) src(%dma_wait3A_16 : memref<128xi32, #tpu.memory_space<hbm>>) dst(%arg9 : memref<128xi32, #tpu.memory_space<vmem>>)
      %dma_wait3A_17 = tpu.memref_slice %arg4[%multiple_of3A] : memref<327680xi32, #tpu.memory_space<hbm>> -> memref<128xi32, #tpu.memory_space<hbm>>
      %dma_wait3A_18 = tpu.memref_slice %arg4[%multiple_of3A] : memref<327680xi32, #tpu.memory_space<hbm>> -> memref<128xi32, #tpu.memory_space<hbm>>
      tpu.wait_dma2 semaphore(%arg20 : memref<!tpu.dma_semaphore, #tpu.memory_space<semaphore_mem>>) src(%dma_wait3A_18 : memref<128xi32, #tpu.memory_space<hbm>>) dst(%arg11 : memref<128xi32, #tpu.memory_space<vmem>>)
      %dma_start3A_19 = arith.constant 0 : i32
      %dma_start3A_20 = arith.constant 0 : i32
      %dma_start3A_21 = tpu.memref_slice %arg2[%dma_start3A_19, %dma_start3A_20] : memref<10000x128xf32, #tpu.memory_space<hbm>> -> memref<10000x128xf32, #tpu.memory_space<hbm>>
      tpu.enqueue_indirect_dma source(%dma_start3A_21 : memref<10000x128xf32, #tpu.memory_space<hbm>>) target(%arg13 : memref<128x128xf32, #tpu.memory_space<vmem>>) offsets(%arg9 : memref<128xi32, #tpu.memory_space<vmem>>) semaphore(%arg16 : memref<!tpu.dma_semaphore, #tpu.memory_space<semaphore_mem>>)
      %add3A_22 = arith.constant 1 : i32
      %add3A_23 = arith.addi %mul3A_0, %add3A_22 : i32
      %mul3A_24 = arith.constant 128 : i32
      %mul3A_25 = arith.muli %add3A_23, %mul3A_24 : i32
      %multiple_of3A_26 = tpu.assume_multiple %mul3A_25, 128 : i32
      %dma_start3A_27 = tpu.memref_slice %arg4[%multiple_of3A_26] : memref<327680xi32, #tpu.memory_space<hbm>> -> memref<128xi32, #tpu.memory_space<hbm>>
      %dma_start3A_28 = tpu.memref_slice %arg4[%multiple_of3A_26] : memref<327680xi32, #tpu.memory_space<hbm>> -> memref<128xi32, #tpu.memory_space<hbm>>
      tpu.enqueue_dma source(%dma_start3A_28 : memref<128xi32, #tpu.memory_space<hbm>>) target(%arg12 : memref<128xi32, #tpu.memory_space<vmem>>) target_semaphore(%arg21 : memref<!tpu.dma_semaphore, #tpu.memory_space<semaphore_mem>>)
      %dma_start3A_29 = tpu.memref_slice %arg3[%multiple_of3A_26] : memref<327680xi32, #tpu.memory_space<hbm>> -> memref<128xi32, #tpu.memory_space<hbm>>
      %dma_start3A_30 = tpu.memref_slice %arg3[%multiple_of3A_26] : memref<327680xi32, #tpu.memory_space<hbm>> -> memref<128xi32, #tpu.memory_space<hbm>>
      tpu.enqueue_dma source(%dma_start3A_30 : memref<128xi32, #tpu.memory_space<hbm>>) target(%arg10 : memref<128xi32, #tpu.memory_space<vmem>>) target_semaphore(%arg21 : memref<!tpu.dma_semaphore, #tpu.memory_space<semaphore_mem>>)
      %dma_wait3A_31 = tpu.memref_slice %arg3[%multiple_of3A_26] : memref<327680xi32, #tpu.memory_space<hbm>> -> memref<128xi32, #tpu.memory_space<hbm>>
      %dma_wait3A_32 = tpu.memref_slice %arg3[%multiple_of3A_26] : memref<327680xi32, #tpu.memory_space<hbm>> -> memref<128xi32, #tpu.memory_space<hbm>>
      tpu.wait_dma2 semaphore(%arg21 : memref<!tpu.dma_semaphore, #tpu.memory_space<semaphore_mem>>) src(%dma_wait3A_32 : memref<128xi32, #tpu.memory_space<hbm>>) dst(%arg10 : memref<128xi32, #tpu.memory_space<vmem>>)
      %dma_wait3A_33 = tpu.memref_slice %arg4[%multiple_of3A_26] : memref<327680xi32, #tpu.memory_space<hbm>> -> memref<128xi32, #tpu.memory_space<hbm>>
      %dma_wait3A_34 = tpu.memref_slice %arg4[%multiple_of3A_26] : memref<327680xi32, #tpu.memory_space<hbm>> -> memref<128xi32, #tpu.memory_space<hbm>>
      tpu.wait_dma2 semaphore(%arg21 : memref<!tpu.dma_semaphore, #tpu.memory_space<semaphore_mem>>) src(%dma_wait3A_34 : memref<128xi32, #tpu.memory_space<hbm>>) dst(%arg12 : memref<128xi32, #tpu.memory_space<vmem>>)
      %dma_start3A_35 = arith.constant 0 : i32
      %dma_start3A_36 = arith.constant 0 : i32
      %dma_start3A_37 = tpu.memref_slice %arg2[%dma_start3A_35, %dma_start3A_36] : memref<10000x128xf32, #tpu.memory_space<hbm>> -> memref<10000x128xf32, #tpu.memory_space<hbm>>
      tpu.enqueue_indirect_dma source(%dma_start3A_37 : memref<10000x128xf32, #tpu.memory_space<hbm>>) target(%arg14 : memref<128x128xf32, #tpu.memory_space<vmem>>) offsets(%arg10 : memref<128xi32, #tpu.memory_space<vmem>>) semaphore(%arg17 : memref<!tpu.dma_semaphore, #tpu.memory_space<semaphore_mem>>)
      %scan3A = arith.constant 0 : i32
      %scan3A_38 = arith.constant 79 : i32
      %scan3A_39 = arith.addi %scan3A, %scan3A_38 : i32
      %scan3A_40 = arith.constant 1 : i32
      scf.for %scan3A_61 = %scan3A to %scan3A_39 step %scan3A_40  : i32 {
        %mul3A_62 = arith.constant 2 : i32
        %mul3A_63 = arith.muli %scan3A_61, %mul3A_62 : i32
        %add3A_64 = arith.constant 0 : i32
        %add3A_65 = arith.addi %add3A_64, %mul3A_63 : i32
        %dma_wait3A_66 = arith.constant 0 : i32
        %dma_wait3A_67 = arith.constant 0 : i32
        %dma_wait3A_68 = tpu.memref_slice %arg2[%dma_wait3A_66, %dma_wait3A_67] : memref<10000x128xf32, #tpu.memory_space<hbm>> -> memref<10000x128xf32, #tpu.memory_space<hbm>>
        tpu.wait_indirect_dma semaphore(%arg16 : memref<!tpu.dma_semaphore, #tpu.memory_space<semaphore_mem>>) src(%dma_wait3A_68 : memref<10000x128xf32, #tpu.memory_space<hbm>>) dst(%arg13 : memref<128x128xf32, #tpu.memory_space<vmem>>)
        %dma_start3A_69 = arith.constant 0 : i32
        %dma_start3A_70 = arith.constant 0 : i32
        %dma_start3A_71 = tpu.memref_slice %arg15[%dma_start3A_69, %dma_start3A_70] : memref<10112x128xf32, #tpu.memory_space<vmem_shared>> -> memref<10112x128xf32, #tpu.memory_space<vmem_shared>>
        tpu.enqueue_indirect_dma source(%arg13 : memref<128x128xf32, #tpu.memory_space<vmem>>) target(%dma_start3A_71 : memref<10112x128xf32, #tpu.memory_space<vmem_shared>>) offsets(%arg11 : memref<128xi32, #tpu.memory_space<vmem>>) semaphore(%arg18 : memref<!tpu.dma_semaphore, #tpu.memory_space<semaphore_mem>>) {add = true}
        %dma_wait3A_72 = arith.constant 0 : i32
        %dma_wait3A_73 = arith.constant 0 : i32
        %dma_wait3A_74 = tpu.memref_slice %arg15[%dma_wait3A_72, %dma_wait3A_73] : memref<10112x128xf32, #tpu.memory_space<vmem_shared>> -> memref<10112x128xf32, #tpu.memory_space<vmem_shared>>
        tpu.wait_indirect_dma semaphore(%arg18 : memref<!tpu.dma_semaphore, #tpu.memory_space<semaphore_mem>>) src(%arg13 : memref<128x128xf32, #tpu.memory_space<vmem>>) dst(%dma_wait3A_74 : memref<10112x128xf32, #tpu.memory_space<vmem_shared>>)
        %add3A_75 = arith.constant 0 : i32
        %add3A_76 = arith.addi %add3A_65, %add3A_75 : i32
        %add3A_77 = arith.constant 2 : i32
        %add3A_78 = arith.addi %add3A_76, %add3A_77 : i32
        %add3A_79 = arith.addi %mul3A_0, %add3A_78 : i32
        %mul3A_80 = arith.constant 128 : i32
        %mul3A_81 = arith.muli %add3A_79, %mul3A_80 : i32
        %multiple_of3A_82 = tpu.assume_multiple %mul3A_81, 128 : i32
        %dma_start3A_83 = tpu.memref_slice %arg4[%multiple_of3A_82] : memref<327680xi32, #tpu.memory_space<hbm>> -> memref<128xi32, #tpu.memory_space<hbm>>
        %dma_start3A_84 = tpu.memref_slice %arg4[%multiple_of3A_82] : memref<327680xi32, #tpu.memory_space<hbm>> -> memref<128xi32, #tpu.memory_space<hbm>>
        tpu.enqueue_dma source(%dma_start3A_84 : memref<128xi32, #tpu.memory_space<hbm>>) target(%arg11 : memref<128xi32, #tpu.memory_space<vmem>>) target_semaphore(%arg20 : memref<!tpu.dma_semaphore, #tpu.memory_space<semaphore_mem>>)
        %dma_start3A_85 = tpu.memref_slice %arg3[%multiple_of3A_82] : memref<327680xi32, #tpu.memory_space<hbm>> -> memref<128xi32, #tpu.memory_space<hbm>>
        %dma_start3A_86 = tpu.memref_slice %arg3[%multiple_of3A_82] : memref<327680xi32, #tpu.memory_space<hbm>> -> memref<128xi32, #tpu.memory_space<hbm>>
        tpu.enqueue_dma source(%dma_start3A_86 : memref<128xi32, #tpu.memory_space<hbm>>) target(%arg9 : memref<128xi32, #tpu.memory_space<vmem>>) target_semaphore(%arg20 : memref<!tpu.dma_semaphore, #tpu.memory_space<semaphore_mem>>)
        %dma_wait3A_87 = tpu.memref_slice %arg3[%multiple_of3A_82] : memref<327680xi32, #tpu.memory_space<hbm>> -> memref<128xi32, #tpu.memory_space<hbm>>
        %dma_wait3A_88 = tpu.memref_slice %arg3[%multiple_of3A_82] : memref<327680xi32, #tpu.memory_space<hbm>> -> memref<128xi32, #tpu.memory_space<hbm>>
        tpu.wait_dma2 semaphore(%arg20 : memref<!tpu.dma_semaphore, #tpu.memory_space<semaphore_mem>>) src(%dma_wait3A_88 : memref<128xi32, #tpu.memory_space<hbm>>) dst(%arg9 : memref<128xi32, #tpu.memory_space<vmem>>)
        %dma_wait3A_89 = tpu.memref_slice %arg4[%multiple_of3A_82] : memref<327680xi32, #tpu.memory_space<hbm>> -> memref<128xi32, #tpu.memory_space<hbm>>
        %dma_wait3A_90 = tpu.memref_slice %arg4[%multiple_of3A_82] : memref<327680xi32, #tpu.memory_space<hbm>> -> memref<128xi32, #tpu.memory_space<hbm>>
        tpu.wait_dma2 semaphore(%arg20 : memref<!tpu.dma_semaphore, #tpu.memory_space<semaphore_mem>>) src(%dma_wait3A_90 : memref<128xi32, #tpu.memory_space<hbm>>) dst(%arg11 : memref<128xi32, #tpu.memory_space<vmem>>)
        %dma_start3A_91 = arith.constant 0 : i32
        %dma_start3A_92 = arith.constant 0 : i32
        %dma_start3A_93 = tpu.memref_slice %arg2[%dma_start3A_91, %dma_start3A_92] : memref<10000x128xf32, #tpu.memory_space<hbm>> -> memref<10000x128xf32, #tpu.memory_space<hbm>>
        tpu.enqueue_indirect_dma source(%dma_start3A_93 : memref<10000x128xf32, #tpu.memory_space<hbm>>) target(%arg13 : memref<128x128xf32, #tpu.memory_space<vmem>>) offsets(%arg9 : memref<128xi32, #tpu.memory_space<vmem>>) semaphore(%arg16 : memref<!tpu.dma_semaphore, #tpu.memory_space<semaphore_mem>>)
        %dma_wait3A_94 = arith.constant 0 : i32
        %dma_wait3A_95 = arith.constant 0 : i32
        %dma_wait3A_96 = tpu.memref_slice %arg2[%dma_wait3A_94, %dma_wait3A_95] : memref<10000x128xf32, #tpu.memory_space<hbm>> -> memref<10000x128xf32, #tpu.memory_space<hbm>>
        tpu.wait_indirect_dma semaphore(%arg17 : memref<!tpu.dma_semaphore, #tpu.memory_space<semaphore_mem>>) src(%dma_wait3A_96 : memref<10000x128xf32, #tpu.memory_space<hbm>>) dst(%arg14 : memref<128x128xf32, #tpu.memory_space<vmem>>)
        %dma_start3A_97 = arith.constant 0 : i32
        %dma_start3A_98 = arith.constant 0 : i32
        %dma_start3A_99 = tpu.memref_slice %arg15[%dma_start3A_97, %dma_start3A_98] : memref<10112x128xf32, #tpu.memory_space<vmem_shared>> -> memref<10112x128xf32, #tpu.memory_space<vmem_shared>>
        tpu.enqueue_indirect_dma source(%arg14 : memref<128x128xf32, #tpu.memory_space<vmem>>) target(%dma_start3A_99 : memref<10112x128xf32, #tpu.memory_space<vmem_shared>>) offsets(%arg12 : memref<128xi32, #tpu.memory_space<vmem>>) semaphore(%arg19 : memref<!tpu.dma_semaphore, #tpu.memory_space<semaphore_mem>>) {add = true}
        %dma_wait3A_100 = arith.constant 0 : i32
        %dma_wait3A_101 = arith.constant 0 : i32
        %dma_wait3A_102 = tpu.memref_slice %arg15[%dma_wait3A_100, %dma_wait3A_101] : memref<10112x128xf32, #tpu.memory_space<vmem_shared>> -> memref<10112x128xf32, #tpu.memory_space<vmem_shared>>
        tpu.wait_indirect_dma semaphore(%arg19 : memref<!tpu.dma_semaphore, #tpu.memory_space<semaphore_mem>>) src(%arg14 : memref<128x128xf32, #tpu.memory_space<vmem>>) dst(%dma_wait3A_102 : memref<10112x128xf32, #tpu.memory_space<vmem_shared>>)
        %add3A_103 = arith.constant 1 : i32
        %add3A_104 = arith.addi %add3A_65, %add3A_103 : i32
        %add3A_105 = arith.constant 2 : i32
        %add3A_106 = arith.addi %add3A_104, %add3A_105 : i32
        %add3A_107 = arith.addi %mul3A_0, %add3A_106 : i32
        %mul3A_108 = arith.constant 128 : i32
        %mul3A_109 = arith.muli %add3A_107, %mul3A_108 : i32
        %multiple_of3A_110 = tpu.assume_multiple %mul3A_109, 128 : i32
        %dma_start3A_111 = tpu.memref_slice %arg4[%multiple_of3A_110] : memref<327680xi32, #tpu.memory_space<hbm>> -> memref<128xi32, #tpu.memory_space<hbm>>
        %dma_start3A_112 = tpu.memref_slice %arg4[%multiple_of3A_110] : memref<327680xi32, #tpu.memory_space<hbm>> -> memref<128xi32, #tpu.memory_space<hbm>>
        tpu.enqueue_dma source(%dma_start3A_112 : memref<128xi32, #tpu.memory_space<hbm>>) target(%arg12 : memref<128xi32, #tpu.memory_space<vmem>>) target_semaphore(%arg21 : memref<!tpu.dma_semaphore, #tpu.memory_space<semaphore_mem>>)
        %dma_start3A_113 = tpu.memref_slice %arg3[%multiple_of3A_110] : memref<327680xi32, #tpu.memory_space<hbm>> -> memref<128xi32, #tpu.memory_space<hbm>>
        %dma_start3A_114 = tpu.memref_slice %arg3[%multiple_of3A_110] : memref<327680xi32, #tpu.memory_space<hbm>> -> memref<128xi32, #tpu.memory_space<hbm>>
        tpu.enqueue_dma source(%dma_start3A_114 : memref<128xi32, #tpu.memory_space<hbm>>) target(%arg10 : memref<128xi32, #tpu.memory_space<vmem>>) target_semaphore(%arg21 : memref<!tpu.dma_semaphore, #tpu.memory_space<semaphore_mem>>)
        %dma_wait3A_115 = tpu.memref_slice %arg3[%multiple_of3A_110] : memref<327680xi32, #tpu.memory_space<hbm>> -> memref<128xi32, #tpu.memory_space<hbm>>
        %dma_wait3A_116 = tpu.memref_slice %arg3[%multiple_of3A_110] : memref<327680xi32, #tpu.memory_space<hbm>> -> memref<128xi32, #tpu.memory_space<hbm>>
        tpu.wait_dma2 semaphore(%arg21 : memref<!tpu.dma_semaphore, #tpu.memory_space<semaphore_mem>>) src(%dma_wait3A_116 : memref<128xi32, #tpu.memory_space<hbm>>) dst(%arg10 : memref<128xi32, #tpu.memory_space<vmem>>)
        %dma_wait3A_117 = tpu.memref_slice %arg4[%multiple_of3A_110] : memref<327680xi32, #tpu.memory_space<hbm>> -> memref<128xi32, #tpu.memory_space<hbm>>
        %dma_wait3A_118 = tpu.memref_slice %arg4[%multiple_of3A_110] : memref<327680xi32, #tpu.memory_space<hbm>> -> memref<128xi32, #tpu.memory_space<hbm>>
        tpu.wait_dma2 semaphore(%arg21 : memref<!tpu.dma_semaphore, #tpu.memory_space<semaphore_mem>>) src(%dma_wait3A_118 : memref<128xi32, #tpu.memory_space<hbm>>) dst(%arg12 : memref<128xi32, #tpu.memory_space<vmem>>)
        %dma_start3A_119 = arith.constant 0 : i32
        %dma_start3A_120 = arith.constant 0 : i32
        %dma_start3A_121 = tpu.memref_slice %arg2[%dma_start3A_119, %dma_start3A_120] : memref<10000x128xf32, #tpu.memory_space<hbm>> -> memref<10000x128xf32, #tpu.memory_space<hbm>>
        tpu.enqueue_indirect_dma source(%dma_start3A_121 : memref<10000x128xf32, #tpu.memory_space<hbm>>) target(%arg14 : memref<128x128xf32, #tpu.memory_space<vmem>>) offsets(%arg10 : memref<128xi32, #tpu.memory_space<vmem>>) semaphore(%arg17 : memref<!tpu.dma_semaphore, #tpu.memory_space<semaphore_mem>>)
      }
      %scan3A_41 = arith.constant 79 : i32
      %dma_wait3A_42 = arith.constant 0 : i32
      %dma_wait3A_43 = arith.constant 0 : i32
      %dma_wait3A_44 = tpu.memref_slice %arg2[%dma_wait3A_42, %dma_wait3A_43] : memref<10000x128xf32, #tpu.memory_space<hbm>> -> memref<10000x128xf32, #tpu.memory_space<hbm>>
      tpu.wait_indirect_dma semaphore(%arg16 : memref<!tpu.dma_semaphore, #tpu.memory_space<semaphore_mem>>) src(%dma_wait3A_44 : memref<10000x128xf32, #tpu.memory_space<hbm>>) dst(%arg13 : memref<128x128xf32, #tpu.memory_space<vmem>>)
      %dma_start3A_45 = arith.constant 0 : i32
      %dma_start3A_46 = arith.constant 0 : i32
      %dma_start3A_47 = tpu.memref_slice %arg15[%dma_start3A_45, %dma_start3A_46] : memref<10112x128xf32, #tpu.memory_space<vmem_shared>> -> memref<10112x128xf32, #tpu.memory_space<vmem_shared>>
      tpu.enqueue_indirect_dma source(%arg13 : memref<128x128xf32, #tpu.memory_space<vmem>>) target(%dma_start3A_47 : memref<10112x128xf32, #tpu.memory_space<vmem_shared>>) offsets(%arg11 : memref<128xi32, #tpu.memory_space<vmem>>) semaphore(%arg18 : memref<!tpu.dma_semaphore, #tpu.memory_space<semaphore_mem>>) {add = true}
      %dma_wait3A_48 = arith.constant 0 : i32
      %dma_wait3A_49 = arith.constant 0 : i32
      %dma_wait3A_50 = tpu.memref_slice %arg15[%dma_wait3A_48, %dma_wait3A_49] : memref<10112x128xf32, #tpu.memory_space<vmem_shared>> -> memref<10112x128xf32, #tpu.memory_space<vmem_shared>>
      tpu.wait_indirect_dma semaphore(%arg18 : memref<!tpu.dma_semaphore, #tpu.memory_space<semaphore_mem>>) src(%arg13 : memref<128x128xf32, #tpu.memory_space<vmem>>) dst(%dma_wait3A_50 : memref<10112x128xf32, #tpu.memory_space<vmem_shared>>)
      %dma_wait3A_51 = arith.constant 0 : i32
      %dma_wait3A_52 = arith.constant 0 : i32
      %dma_wait3A_53 = tpu.memref_slice %arg2[%dma_wait3A_51, %dma_wait3A_52] : memref<10000x128xf32, #tpu.memory_space<hbm>> -> memref<10000x128xf32, #tpu.memory_space<hbm>>
      tpu.wait_indirect_dma semaphore(%arg17 : memref<!tpu.dma_semaphore, #tpu.memory_space<semaphore_mem>>) src(%dma_wait3A_53 : memref<10000x128xf32, #tpu.memory_space<hbm>>) dst(%arg14 : memref<128x128xf32, #tpu.memory_space<vmem>>)
      %dma_start3A_54 = arith.constant 0 : i32
      %dma_start3A_55 = arith.constant 0 : i32
      %dma_start3A_56 = tpu.memref_slice %arg15[%dma_start3A_54, %dma_start3A_55] : memref<10112x128xf32, #tpu.memory_space<vmem_shared>> -> memref<10112x128xf32, #tpu.memory_space<vmem_shared>>
      tpu.enqueue_indirect_dma source(%arg14 : memref<128x128xf32, #tpu.memory_space<vmem>>) target(%dma_start3A_56 : memref<10112x128xf32, #tpu.memory_space<vmem_shared>>) offsets(%arg12 : memref<128xi32, #tpu.memory_space<vmem>>) semaphore(%arg19 : memref<!tpu.dma_semaphore, #tpu.memory_space<semaphore_mem>>) {add = true}
      %dma_wait3A_57 = arith.constant 0 : i32
      %dma_wait3A_58 = arith.constant 0 : i32
      %dma_wait3A_59 = tpu.memref_slice %arg15[%dma_wait3A_57, %dma_wait3A_58] : memref<10112x128xf32, #tpu.memory_space<vmem_shared>> -> memref<10112x128xf32, #tpu.memory_space<vmem_shared>>
      tpu.wait_indirect_dma semaphore(%arg19 : memref<!tpu.dma_semaphore, #tpu.memory_space<semaphore_mem>>) src(%arg14 : memref<128x128xf32, #tpu.memory_space<vmem>>) dst(%dma_wait3A_59 : memref<10112x128xf32, #tpu.memory_space<vmem_shared>>)
      %barrier3A_60 = arith.constant 0 : index
      tpu.barrier barrier_id(%barrier3A_60)
      "tpu.region"() ({
        %run_scoped3A = tpu.sem_alloc : memref<!tpu.dma_semaphore, #tpu.memory_space<semaphore_mem>>
        %dma_start3A_61 = arith.constant 0 : i32
        %dma_start3A_62 = tpu.memref_slice %arg7[%mul3A_2, %dma_start3A_61] : memref<10112x128xf32, #tpu.memory_space<hbm>> -> memref<632x128xf32, #tpu.memory_space<hbm>>
        %dma_start3A_63 = arith.constant 0 : i32
        %dma_start3A_64 = tpu.memref_slice %arg15[%mul3A_2, %dma_start3A_63] : memref<10112x128xf32, #tpu.memory_space<vmem_shared>> -> memref<632x128xf32, #tpu.memory_space<vmem_shared>>
        tpu.enqueue_dma source(%dma_start3A_64 : memref<632x128xf32, #tpu.memory_space<vmem_shared>>) target(%dma_start3A_62 : memref<632x128xf32, #tpu.memory_space<hbm>>) target_semaphore(%run_scoped3A : memref<!tpu.dma_semaphore, #tpu.memory_space<semaphore_mem>>)
        %dma_wait3A_65 = arith.constant 0 : i32
        %dma_wait3A_66 = tpu.memref_slice %arg7[%mul3A_2, %dma_wait3A_65] : memref<10112x128xf32, #tpu.memory_space<hbm>> -> memref<632x128xf32, #tpu.memory_space<hbm>>
        %dma_wait3A_67 = arith.constant 0 : i32
        %dma_wait3A_68 = tpu.memref_slice %arg15[%mul3A_2, %dma_wait3A_67] : memref<10112x128xf32, #tpu.memory_space<vmem_shared>> -> memref<632x128xf32, #tpu.memory_space<vmem_shared>>
        tpu.wait_dma2 semaphore(%run_scoped3A : memref<!tpu.dma_semaphore, #tpu.memory_space<semaphore_mem>>) src(%dma_wait3A_68 : memref<632x128xf32, #tpu.memory_space<vmem_shared>>) dst(%dma_wait3A_66 : memref<632x128xf32, #tpu.memory_space<hbm>>)
        tpu.yield
      }) : () -> ()
    } else {
    }
    %eq3A_5 = arith.constant 1 : i32
    %eq3A_6 = arith.cmpi eq, %arg0, %eq3A_5 : i32
    %convert_element_type3A_7 = arith.extui %eq3A_6 : i1 to i32
    %cond3A_8 = arith.constant 0 : i32
    %cond3A_9 = arith.cmpi ne, %convert_element_type3A_7, %cond3A_8 : i32
    scf.if %cond3A_9 {
      "tpu.region"() ({
        %run_scoped3A = tpu.sem_alloc : memref<!tpu.dma_semaphore, #tpu.memory_space<semaphore_mem>>
        tpu.enqueue_dma source(%arg6 : memref<128x128xf32, #tpu.memory_space<hbm>>) target(%arg13 : memref<128x128xf32, #tpu.memory_space<vmem>>) target_semaphore(%run_scoped3A : memref<!tpu.dma_semaphore, #tpu.memory_space<semaphore_mem>>)
        tpu.wait_dma2 semaphore(%run_scoped3A : memref<!tpu.dma_semaphore, #tpu.memory_space<semaphore_mem>>) src(%arg6 : memref<128x128xf32, #tpu.memory_space<hbm>>) dst(%arg13 : memref<128x128xf32, #tpu.memory_space<vmem>>)
        tpu.yield
      }) : () -> ()
      "tpu.region"() ({
        %run_scoped3A = tpu.sem_alloc : memref<!tpu.dma_semaphore, #tpu.memory_space<semaphore_mem>>
        tpu.enqueue_dma source(%arg6 : memref<128x128xf32, #tpu.memory_space<hbm>>) target(%arg14 : memref<128x128xf32, #tpu.memory_space<vmem>>) target_semaphore(%run_scoped3A : memref<!tpu.dma_semaphore, #tpu.memory_space<semaphore_mem>>)
        tpu.wait_dma2 semaphore(%run_scoped3A : memref<!tpu.dma_semaphore, #tpu.memory_space<semaphore_mem>>) src(%arg6 : memref<128x128xf32, #tpu.memory_space<hbm>>) dst(%arg14 : memref<128x128xf32, #tpu.memory_space<vmem>>)
        tpu.yield
      }) : () -> ()
      %barrier3A = arith.constant 0 : index
      tpu.barrier barrier_id(%barrier3A)
      %add3A = arith.constant 0 : i32
      %add3A_10 = arith.addi %mul3A_0, %add3A : i32
      %mul3A_11 = arith.constant 128 : i32
      %mul3A_12 = arith.muli %add3A_10, %mul3A_11 : i32
      %multiple_of3A = tpu.assume_multiple %mul3A_12, 128 : i32
      %dma_start3A = tpu.memref_slice %arg4[%multiple_of3A] : memref<327680xi32, #tpu.memory_space<hbm>> -> memref<128xi32, #tpu.memory_space<hbm>>
      %dma_start3A_13 = tpu.memref_slice %arg4[%multiple_of3A] : memref<327680xi32, #tpu.memory_space<hbm>> -> memref<128xi32, #tpu.memory_space<hbm>>
      tpu.enqueue_dma source(%dma_start3A_13 : memref<128xi32, #tpu.memory_space<hbm>>) target(%arg11 : memref<128xi32, #tpu.memory_space<vmem>>) target_semaphore(%arg20 : memref<!tpu.dma_semaphore, #tpu.memory_space<semaphore_mem>>)
      %dma_wait3A = tpu.memref_slice %arg4[%multiple_of3A] : memref<327680xi32, #tpu.memory_space<hbm>> -> memref<128xi32, #tpu.memory_space<hbm>>
      %dma_wait3A_14 = tpu.memref_slice %arg4[%multiple_of3A] : memref<327680xi32, #tpu.memory_space<hbm>> -> memref<128xi32, #tpu.memory_space<hbm>>
      tpu.wait_dma2 semaphore(%arg20 : memref<!tpu.dma_semaphore, #tpu.memory_space<semaphore_mem>>) src(%dma_wait3A_14 : memref<128xi32, #tpu.memory_space<hbm>>) dst(%arg11 : memref<128xi32, #tpu.memory_space<vmem>>)
      %dma_start3A_15 = arith.constant 0 : i32
      %dma_start3A_16 = arith.constant 0 : i32
      %dma_start3A_17 = tpu.memref_slice %arg15[%dma_start3A_15, %dma_start3A_16] : memref<10112x128xf32, #tpu.memory_space<vmem_shared>> -> memref<10112x128xf32, #tpu.memory_space<vmem_shared>>
      tpu.enqueue_indirect_dma source(%arg13 : memref<128x128xf32, #tpu.memory_space<vmem>>) target(%dma_start3A_17 : memref<10112x128xf32, #tpu.memory_space<vmem_shared>>) offsets(%arg11 : memref<128xi32, #tpu.memory_space<vmem>>) semaphore(%arg18 : memref<!tpu.dma_semaphore, #tpu.memory_space<semaphore_mem>>) {add = true}
      %add3A_18 = arith.constant 1 : i32
      %add3A_19 = arith.addi %mul3A_0, %add3A_18 : i32
      %mul3A_20 = arith.constant 128 : i32
      %mul3A_21 = arith.muli %add3A_19, %mul3A_20 : i32
      %multiple_of3A_22 = tpu.assume_multiple %mul3A_21, 128 : i32
      %dma_start3A_23 = tpu.memref_slice %arg4[%multiple_of3A_22] : memref<327680xi32, #tpu.memory_space<hbm>> -> memref<128xi32, #tpu.memory_space<hbm>>
      %dma_start3A_24 = tpu.memref_slice %arg4[%multiple_of3A_22] : memref<327680xi32, #tpu.memory_space<hbm>> -> memref<128xi32, #tpu.memory_space<hbm>>
      tpu.enqueue_dma source(%dma_start3A_24 : memref<128xi32, #tpu.memory_space<hbm>>) target(%arg12 : memref<128xi32, #tpu.memory_space<vmem>>) target_semaphore(%arg21 : memref<!tpu.dma_semaphore, #tpu.memory_space<semaphore_mem>>)
      %dma_wait3A_25 = tpu.memref_slice %arg4[%multiple_of3A_22] : memref<327680xi32, #tpu.memory_space<hbm>> -> memref<128xi32, #tpu.memory_space<hbm>>
      %dma_wait3A_26 = tpu.memref_slice %arg4[%multiple_of3A_22] : memref<327680xi32, #tpu.memory_space<hbm>> -> memref<128xi32, #tpu.memory_space<hbm>>
      tpu.wait_dma2 semaphore(%arg21 : memref<!tpu.dma_semaphore, #tpu.memory_space<semaphore_mem>>) src(%dma_wait3A_26 : memref<128xi32, #tpu.memory_space<hbm>>) dst(%arg12 : memref<128xi32, #tpu.memory_space<vmem>>)
      %dma_start3A_27 = arith.constant 0 : i32
      %dma_start3A_28 = arith.constant 0 : i32
      %dma_start3A_29 = tpu.memref_slice %arg15[%dma_start3A_27, %dma_start3A_28] : memref<10112x128xf32, #tpu.memory_space<vmem_shared>> -> memref<10112x128xf32, #tpu.memory_space<vmem_shared>>
      tpu.enqueue_indirect_dma source(%arg14 : memref<128x128xf32, #tpu.memory_space<vmem>>) target(%dma_start3A_29 : memref<10112x128xf32, #tpu.memory_space<vmem_shared>>) offsets(%arg12 : memref<128xi32, #tpu.memory_space<vmem>>) semaphore(%arg19 : memref<!tpu.dma_semaphore, #tpu.memory_space<semaphore_mem>>) {add = true}
      %scan3A = arith.constant 0 : i32
      %scan3A_30 = arith.constant 79 : i32
      %scan3A_31 = arith.addi %scan3A, %scan3A_30 : i32
      %scan3A_32 = arith.constant 1 : i32
      scf.for %scan3A_41 = %scan3A to %scan3A_31 step %scan3A_32  : i32 {
        %mul3A_42 = arith.constant 2 : i32
        %mul3A_43 = arith.muli %scan3A_41, %mul3A_42 : i32
        %add3A_44 = arith.constant 0 : i32
        %add3A_45 = arith.addi %add3A_44, %mul3A_43 : i32
        %dma_wait3A_46 = arith.constant 0 : i32
        %dma_wait3A_47 = arith.constant 0 : i32
        %dma_wait3A_48 = tpu.memref_slice %arg15[%dma_wait3A_46, %dma_wait3A_47] : memref<10112x128xf32, #tpu.memory_space<vmem_shared>> -> memref<10112x128xf32, #tpu.memory_space<vmem_shared>>
        tpu.wait_indirect_dma semaphore(%arg18 : memref<!tpu.dma_semaphore, #tpu.memory_space<semaphore_mem>>) src(%arg13 : memref<128x128xf32, #tpu.memory_space<vmem>>) dst(%dma_wait3A_48 : memref<10112x128xf32, #tpu.memory_space<vmem_shared>>)
        %add3A_49 = arith.constant 0 : i32
        %add3A_50 = arith.addi %add3A_45, %add3A_49 : i32
        %add3A_51 = arith.constant 2 : i32
        %add3A_52 = arith.addi %add3A_50, %add3A_51 : i32
        %add3A_53 = arith.addi %mul3A_0, %add3A_52 : i32
        %mul3A_54 = arith.constant 128 : i32
        %mul3A_55 = arith.muli %add3A_53, %mul3A_54 : i32
        %multiple_of3A_56 = tpu.assume_multiple %mul3A_55, 128 : i32
        %dma_start3A_57 = tpu.memref_slice %arg4[%multiple_of3A_56] : memref<327680xi32, #tpu.memory_space<hbm>> -> memref<128xi32, #tpu.memory_space<hbm>>
        %dma_start3A_58 = tpu.memref_slice %arg4[%multiple_of3A_56] : memref<327680xi32, #tpu.memory_space<hbm>> -> memref<128xi32, #tpu.memory_space<hbm>>
        tpu.enqueue_dma source(%dma_start3A_58 : memref<128xi32, #tpu.memory_space<hbm>>) target(%arg11 : memref<128xi32, #tpu.memory_space<vmem>>) target_semaphore(%arg20 : memref<!tpu.dma_semaphore, #tpu.memory_space<semaphore_mem>>)
        %dma_wait3A_59 = tpu.memref_slice %arg4[%multiple_of3A_56] : memref<327680xi32, #tpu.memory_space<hbm>> -> memref<128xi32, #tpu.memory_space<hbm>>
        %dma_wait3A_60 = tpu.memref_slice %arg4[%multiple_of3A_56] : memref<327680xi32, #tpu.memory_space<hbm>> -> memref<128xi32, #tpu.memory_space<hbm>>
        tpu.wait_dma2 semaphore(%arg20 : memref<!tpu.dma_semaphore, #tpu.memory_space<semaphore_mem>>) src(%dma_wait3A_60 : memref<128xi32, #tpu.memory_space<hbm>>) dst(%arg11 : memref<128xi32, #tpu.memory_space<vmem>>)
        %dma_start3A_61 = arith.constant 0 : i32
        %dma_start3A_62 = arith.constant 0 : i32
        %dma_start3A_63 = tpu.memref_slice %arg15[%dma_start3A_61, %dma_start3A_62] : memref<10112x128xf32, #tpu.memory_space<vmem_shared>> -> memref<10112x128xf32, #tpu.memory_space<vmem_shared>>
        tpu.enqueue_indirect_dma source(%arg13 : memref<128x128xf32, #tpu.memory_space<vmem>>) target(%dma_start3A_63 : memref<10112x128xf32, #tpu.memory_space<vmem_shared>>) offsets(%arg11 : memref<128xi32, #tpu.memory_space<vmem>>) semaphore(%arg18 : memref<!tpu.dma_semaphore, #tpu.memory_space<semaphore_mem>>) {add = true}
        %dma_wait3A_64 = arith.constant 0 : i32
        %dma_wait3A_65 = arith.constant 0 : i32
        %dma_wait3A_66 = tpu.memref_slice %arg15[%dma_wait3A_64, %dma_wait3A_65] : memref<10112x128xf32, #tpu.memory_space<vmem_shared>> -> memref<10112x128xf32, #tpu.memory_space<vmem_shared>>
        tpu.wait_indirect_dma semaphore(%arg19 : memref<!tpu.dma_semaphore, #tpu.memory_space<semaphore_mem>>) src(%arg14 : memref<128x128xf32, #tpu.memory_space<vmem>>) dst(%dma_wait3A_66 : memref<10112x128xf32, #tpu.memory_space<vmem_shared>>)
        %add3A_67 = arith.constant 1 : i32
        %add3A_68 = arith.addi %add3A_45, %add3A_67 : i32
        %add3A_69 = arith.constant 2 : i32
        %add3A_70 = arith.addi %add3A_68, %add3A_69 : i32
        %add3A_71 = arith.addi %mul3A_0, %add3A_70 : i32
        %mul3A_72 = arith.constant 128 : i32
        %mul3A_73 = arith.muli %add3A_71, %mul3A_72 : i32
        %multiple_of3A_74 = tpu.assume_multiple %mul3A_73, 128 : i32
        %dma_start3A_75 = tpu.memref_slice %arg4[%multiple_of3A_74] : memref<327680xi32, #tpu.memory_space<hbm>> -> memref<128xi32, #tpu.memory_space<hbm>>
        %dma_start3A_76 = tpu.memref_slice %arg4[%multiple_of3A_74] : memref<327680xi32, #tpu.memory_space<hbm>> -> memref<128xi32, #tpu.memory_space<hbm>>
        tpu.enqueue_dma source(%dma_start3A_76 : memref<128xi32, #tpu.memory_space<hbm>>) target(%arg12 : memref<128xi32, #tpu.memory_space<vmem>>) target_semaphore(%arg21 : memref<!tpu.dma_semaphore, #tpu.memory_space<semaphore_mem>>)
        %dma_wait3A_77 = tpu.memref_slice %arg4[%multiple_of3A_74] : memref<327680xi32, #tpu.memory_space<hbm>> -> memref<128xi32, #tpu.memory_space<hbm>>
        %dma_wait3A_78 = tpu.memref_slice %arg4[%multiple_of3A_74] : memref<327680xi32, #tpu.memory_space<hbm>> -> memref<128xi32, #tpu.memory_space<hbm>>
        tpu.wait_dma2 semaphore(%arg21 : memref<!tpu.dma_semaphore, #tpu.memory_space<semaphore_mem>>) src(%dma_wait3A_78 : memref<128xi32, #tpu.memory_space<hbm>>) dst(%arg12 : memref<128xi32, #tpu.memory_space<vmem>>)
        %dma_start3A_79 = arith.constant 0 : i32
        %dma_start3A_80 = arith.constant 0 : i32
        %dma_start3A_81 = tpu.memref_slice %arg15[%dma_start3A_79, %dma_start3A_80] : memref<10112x128xf32, #tpu.memory_space<vmem_shared>> -> memref<10112x128xf32, #tpu.memory_space<vmem_shared>>
        tpu.enqueue_indirect_dma source(%arg14 : memref<128x128xf32, #tpu.memory_space<vmem>>) target(%dma_start3A_81 : memref<10112x128xf32, #tpu.memory_space<vmem_shared>>) offsets(%arg12 : memref<128xi32, #tpu.memory_space<vmem>>) semaphore(%arg19 : memref<!tpu.dma_semaphore, #tpu.memory_space<semaphore_mem>>) {add = true}
      }
      %scan3A_33 = arith.constant 79 : i32
      %dma_wait3A_34 = arith.constant 0 : i32
      %dma_wait3A_35 = arith.constant 0 : i32
      %dma_wait3A_36 = tpu.memref_slice %arg15[%dma_wait3A_34, %dma_wait3A_35] : memref<10112x128xf32, #tpu.memory_space<vmem_shared>> -> memref<10112x128xf32, #tpu.memory_space<vmem_shared>>
      tpu.wait_indirect_dma semaphore(%arg18 : memref<!tpu.dma_semaphore, #tpu.memory_space<semaphore_mem>>) src(%arg13 : memref<128x128xf32, #tpu.memory_space<vmem>>) dst(%dma_wait3A_36 : memref<10112x128xf32, #tpu.memory_space<vmem_shared>>)
      %dma_wait3A_37 = arith.constant 0 : i32
      %dma_wait3A_38 = arith.constant 0 : i32
      %dma_wait3A_39 = tpu.memref_slice %arg15[%dma_wait3A_37, %dma_wait3A_38] : memref<10112x128xf32, #tpu.memory_space<vmem_shared>> -> memref<10112x128xf32, #tpu.memory_space<vmem_shared>>
      tpu.wait_indirect_dma semaphore(%arg19 : memref<!tpu.dma_semaphore, #tpu.memory_space<semaphore_mem>>) src(%arg14 : memref<128x128xf32, #tpu.memory_space<vmem>>) dst(%dma_wait3A_39 : memref<10112x128xf32, #tpu.memory_space<vmem_shared>>)
      %barrier3A_40 = arith.constant 0 : index
      tpu.barrier barrier_id(%barrier3A_40)
      "tpu.region"() ({
        %run_scoped3A = tpu.sem_alloc : memref<!tpu.dma_semaphore, #tpu.memory_space<semaphore_mem>>
        %dma_start3A_41 = arith.constant 0 : i32
        %dma_start3A_42 = tpu.memref_slice %arg8[%mul3A_2, %dma_start3A_41] : memref<10112x128xf32, #tpu.memory_space<hbm>> -> memref<632x128xf32, #tpu.memory_space<hbm>>
        %dma_start3A_43 = arith.constant 0 : i32
        %dma_start3A_44 = tpu.memref_slice %arg15[%mul3A_2, %dma_start3A_43] : memref<10112x128xf32, #tpu.memory_space<vmem_shared>> -> memref<632x128xf32, #tpu.memory_space<vmem_shared>>
        tpu.enqueue_dma source(%dma_start3A_44 : memref<632x128xf32, #tpu.memory_space<vmem_shared>>) target(%dma_start3A_42 : memref<632x128xf32, #tpu.memory_space<hbm>>) target_semaphore(%run_scoped3A : memref<!tpu.dma_semaphore, #tpu.memory_space<semaphore_mem>>)
        %dma_wait3A_45 = arith.constant 0 : i32
        %dma_wait3A_46 = tpu.memref_slice %arg8[%mul3A_2, %dma_wait3A_45] : memref<10112x128xf32, #tpu.memory_space<hbm>> -> memref<632x128xf32, #tpu.memory_space<hbm>>
        %dma_wait3A_47 = arith.constant 0 : i32
        %dma_wait3A_48 = tpu.memref_slice %arg15[%mul3A_2, %dma_wait3A_47] : memref<10112x128xf32, #tpu.memory_space<vmem_shared>> -> memref<632x128xf32, #tpu.memory_space<vmem_shared>>
        tpu.wait_dma2 semaphore(%run_scoped3A : memref<!tpu.dma_semaphore, #tpu.memory_space<semaphore_mem>>) src(%dma_wait3A_48 : memref<632x128xf32, #tpu.memory_space<vmem_shared>>) dst(%dma_wait3A_46 : memref<632x128xf32, #tpu.memory_space<hbm>>)
        tpu.yield
      }) : () -> ()
    } else {
    }
    return
  }
}

module attributes {stable_mosaic.version = 14 : i64} {
  func.func @body(%arg0: i32, %arg1: memref<400x128xf32, #tpu.memory_space<vmem>>, %arg2: memref<400x128xf32, #tpu.memory_space<vmem>>, %arg3: memref<400x128xf32, #tpu.memory_space<vmem>>, %arg4: memref<128x1664xbf16, #tpu.memory_space<vmem>>, %arg5: memref<128x1664xbf16, #tpu.memory_space<vmem>>, %arg6: memref<128x1664xbf16, #tpu.memory_space<vmem>>, %arg7: memref<128x1664xbf16, #tpu.memory_space<vmem>>, %arg8: memref<1x1664xf32, #tpu.memory_space<vmem>>, %arg9: memref<1664x512xbf16, #tpu.memory_space<vmem>>, %arg10: memref<1664x512xbf16, #tpu.memory_space<vmem>>, %arg11: memref<1664x512xbf16, #tpu.memory_space<vmem>>, %arg12: memref<1664x512xbf16, #tpu.memory_space<vmem>>, %arg13: memref<400x128xf32, #tpu.memory_space<vmem>>, %arg14: memref<400x128xf32, #tpu.memory_space<vmem>>, %arg15: memref<400x128xf32, #tpu.memory_space<vmem>>, %arg16: memref<400x128xf32, #tpu.memory_space<vmem>>, %arg17: memref<400x512xf32, #tpu.memory_space<vmem>>) attributes {dimension_semantics = [#tpu.dimension_semantics<arbitrary>], iteration_bounds = array<i64: 25>, scalar_prefetch = 0 : i64, scratch_operands = 0 : i64, tpu.core_type = #tpu.core_type<tc>, window_params = [{transform_indices = @transform_0, window_bounds = array<i64: 400, 128>}, {transform_indices = @transform_1, window_bounds = array<i64: 400, 128>}, {transform_indices = @transform_2, window_bounds = array<i64: 400, 128>}, {pipeline_mode = #tpu.pipeline_mode<synchronous>, transform_indices = @transform_3, window_bounds = array<i64: 128, 1664>}, {pipeline_mode = #tpu.pipeline_mode<synchronous>, transform_indices = @transform_4, window_bounds = array<i64: 128, 1664>}, {pipeline_mode = #tpu.pipeline_mode<synchronous>, transform_indices = @transform_5, window_bounds = array<i64: 128, 1664>}, {pipeline_mode = #tpu.pipeline_mode<synchronous>, transform_indices = @transform_6, window_bounds = array<i64: 128, 1664>}, {pipeline_mode = #tpu.pipeline_mode<synchronous>, transform_indices = @transform_7, window_bounds = array<i64: 1, 1664>}, {pipeline_mode = #tpu.pipeline_mode<synchronous>, transform_indices = @transform_8, window_bounds = array<i64: 1664, 512>}, {pipeline_mode = #tpu.pipeline_mode<synchronous>, transform_indices = @transform_9, window_bounds = array<i64: 1664, 512>}, {pipeline_mode = #tpu.pipeline_mode<synchronous>, transform_indices = @transform_10, window_bounds = array<i64: 1664, 512>}, {pipeline_mode = #tpu.pipeline_mode<synchronous>, transform_indices = @transform_11, window_bounds = array<i64: 1664, 512>}, {transform_indices = @transform_12, window_bounds = array<i64: 400, 128>}, {transform_indices = @transform_13, window_bounds = array<i64: 400, 128>}, {transform_indices = @transform_14, window_bounds = array<i64: 400, 128>}, {transform_indices = @transform_15, window_bounds = array<i64: 400, 128>}, {transform_indices = @transform_16, window_bounds = array<i64: 400, 512>}]} {
    %get3A = arith.constant 0 : index
    %get3A_0 = arith.constant 0 : index
    %get3A_1 = vector.load %arg3[%get3A, %get3A_0] : memref<400x128xf32, #tpu.memory_space<vmem>>, vector<400x1xf32>
    %jit3A = arith.constant 1.000000e+00 : f32
    %max3A = vector.broadcast %jit3A : f32 to vector<400x1xf32>
    %max3A_2 = arith.maximumf %max3A, %get3A_1 : vector<400x1xf32>
    %get3A_3 = arith.constant 0 : index
    %get3A_4 = arith.constant 0 : index
    %get3A_5 = vector.load %arg2[%get3A_3, %get3A_4] : memref<400x128xf32, #tpu.memory_space<vmem>>, vector<400x128xf32>
    %div3A = vector.broadcast %max3A_2 : vector<400x1xf32> to vector<400x128xf32>
    %div3A_6 = arith.divf %get3A_5, %div3A : vector<400x128xf32>
    %get3A_7 = arith.constant 0 : index
    %get3A_8 = arith.constant 0 : index
    %get3A_9 = vector.load %arg4[%get3A_7, %get3A_8] : memref<128x1664xbf16, #tpu.memory_space<vmem>>, vector<128x1664xbf16>
    %get3A_10 = arith.constant 0 : index
    %get3A_11 = arith.constant 0 : index
    %get3A_12 = vector.load %arg5[%get3A_10, %get3A_11] : memref<128x1664xbf16, #tpu.memory_space<vmem>>, vector<128x1664xbf16>
    %convert_element_type3A = arith.truncf %div3A_6 : vector<400x128xf32> to vector<400x128xbf16>
    %convert_element_type3A_13 = arith.extf %convert_element_type3A : vector<400x128xbf16> to vector<400x128xf32>
    %sub3A = arith.subf %div3A_6, %convert_element_type3A_13 : vector<400x128xf32>
    %convert_element_type3A_14 = arith.truncf %sub3A : vector<400x128xf32> to vector<400x128xbf16>
    %dot_general3A = arith.constant dense<0.000000e+00> : vector<400x1664xf32>
    %dot_general3A_15 = tpu.matmul %convert_element_type3A, %get3A_9, %dot_general3A {dimension_numbers = #tpu.dot_dimension_numbers<[1], [0], [0], [1], [0, 0, 1, 1], [], []>, transpose_lhs_hint = false} : vector<400x128xbf16>, vector<128x1664xbf16>, vector<400x1664xf32> -> vector<400x1664xf32>
    %dot_general3A_16 = arith.constant dense<0.000000e+00> : vector<400x1664xf32>
    %dot_general3A_17 = tpu.matmul %convert_element_type3A, %get3A_12, %dot_general3A_16 {dimension_numbers = #tpu.dot_dimension_numbers<[1], [0], [0], [1], [0, 0, 1, 1], [], []>, transpose_lhs_hint = false} : vector<400x128xbf16>, vector<128x1664xbf16>, vector<400x1664xf32> -> vector<400x1664xf32>
    %add3A = arith.addf %dot_general3A_15, %dot_general3A_17 : vector<400x1664xf32>
    %dot_general3A_18 = arith.constant dense<0.000000e+00> : vector<400x1664xf32>
    %dot_general3A_19 = tpu.matmul %convert_element_type3A_14, %get3A_9, %dot_general3A_18 {dimension_numbers = #tpu.dot_dimension_numbers<[1], [0], [0], [1], [0, 0, 1, 1], [], []>, transpose_lhs_hint = false} : vector<400x128xbf16>, vector<128x1664xbf16>, vector<400x1664xf32> -> vector<400x1664xf32>
    %add3A_20 = arith.addf %add3A, %dot_general3A_19 : vector<400x1664xf32>
    %get3A_21 = arith.constant 0 : index
    %get3A_22 = arith.constant 0 : index
    %get3A_23 = vector.load %arg1[%get3A_21, %get3A_22] : memref<400x128xf32, #tpu.memory_space<vmem>>, vector<400x128xf32>
    %get3A_24 = arith.constant 0 : index
    %get3A_25 = arith.constant 0 : index
    %get3A_26 = vector.load %arg6[%get3A_24, %get3A_25] : memref<128x1664xbf16, #tpu.memory_space<vmem>>, vector<128x1664xbf16>
    %get3A_27 = arith.constant 0 : index
    %get3A_28 = arith.constant 0 : index
    %get3A_29 = vector.load %arg7[%get3A_27, %get3A_28] : memref<128x1664xbf16, #tpu.memory_space<vmem>>, vector<128x1664xbf16>
    %convert_element_type3A_30 = arith.truncf %get3A_23 : vector<400x128xf32> to vector<400x128xbf16>
    %convert_element_type3A_31 = arith.extf %convert_element_type3A_30 : vector<400x128xbf16> to vector<400x128xf32>
    %sub3A_32 = arith.subf %get3A_23, %convert_element_type3A_31 : vector<400x128xf32>
    %convert_element_type3A_33 = arith.truncf %sub3A_32 : vector<400x128xf32> to vector<400x128xbf16>
    %dot_general3A_34 = arith.constant dense<0.000000e+00> : vector<400x1664xf32>
    %dot_general3A_35 = tpu.matmul %convert_element_type3A_30, %get3A_26, %dot_general3A_34 {dimension_numbers = #tpu.dot_dimension_numbers<[1], [0], [0], [1], [0, 0, 1, 1], [], []>, transpose_lhs_hint = false} : vector<400x128xbf16>, vector<128x1664xbf16>, vector<400x1664xf32> -> vector<400x1664xf32>
    %dot_general3A_36 = arith.constant dense<0.000000e+00> : vector<400x1664xf32>
    %dot_general3A_37 = tpu.matmul %convert_element_type3A_30, %get3A_29, %dot_general3A_36 {dimension_numbers = #tpu.dot_dimension_numbers<[1], [0], [0], [1], [0, 0, 1, 1], [], []>, transpose_lhs_hint = false} : vector<400x128xbf16>, vector<128x1664xbf16>, vector<400x1664xf32> -> vector<400x1664xf32>
    %add3A_38 = arith.addf %dot_general3A_35, %dot_general3A_37 : vector<400x1664xf32>
    %dot_general3A_39 = arith.constant dense<0.000000e+00> : vector<400x1664xf32>
    %dot_general3A_40 = tpu.matmul %convert_element_type3A_33, %get3A_26, %dot_general3A_39 {dimension_numbers = #tpu.dot_dimension_numbers<[1], [0], [0], [1], [0, 0, 1, 1], [], []>, transpose_lhs_hint = false} : vector<400x128xbf16>, vector<128x1664xbf16>, vector<400x1664xf32> -> vector<400x1664xf32>
    %add3A_41 = arith.addf %add3A_38, %dot_general3A_40 : vector<400x1664xf32>
    %add3A_42 = arith.addf %add3A_20, %add3A_41 : vector<400x1664xf32>
    %get3A_43 = arith.constant 0 : index
    %get3A_44 = arith.constant 0 : index
    %get3A_45 = vector.load %arg8[%get3A_43, %get3A_44] : memref<1x1664xf32, #tpu.memory_space<vmem>>, vector<1x1664xf32>
    %add3A_46 = vector.broadcast %get3A_45 : vector<1x1664xf32> to vector<400x1664xf32>
    %add3A_47 = arith.addf %add3A_42, %add3A_46 : vector<400x1664xf32>
    %max3A_48 = arith.constant 0.000000e+00 : f32
    %max3A_49 = vector.broadcast %max3A_48 : f32 to vector<400x1664xf32>
    %max3A_50 = arith.maximumf %add3A_47, %max3A_49 : vector<400x1664xf32>
    %get3A_51 = arith.constant 0 : index
    %get3A_52 = arith.constant 0 : index
    %get3A_53 = vector.load %arg9[%get3A_51, %get3A_52] : memref<1664x512xbf16, #tpu.memory_space<vmem>>, vector<1664x512xbf16>
    %get3A_54 = arith.constant 0 : index
    %get3A_55 = arith.constant 0 : index
    %get3A_56 = vector.load %arg10[%get3A_54, %get3A_55] : memref<1664x512xbf16, #tpu.memory_space<vmem>>, vector<1664x512xbf16>
    %convert_element_type3A_57 = arith.truncf %max3A_50 : vector<400x1664xf32> to vector<400x1664xbf16>
    %convert_element_type3A_58 = arith.extf %convert_element_type3A_57 : vector<400x1664xbf16> to vector<400x1664xf32>
    %sub3A_59 = arith.subf %max3A_50, %convert_element_type3A_58 : vector<400x1664xf32>
    %convert_element_type3A_60 = arith.truncf %sub3A_59 : vector<400x1664xf32> to vector<400x1664xbf16>
    %dot_general3A_61 = arith.constant dense<0.000000e+00> : vector<400x512xf32>
    %dot_general3A_62 = tpu.matmul %convert_element_type3A_57, %get3A_53, %dot_general3A_61 {dimension_numbers = #tpu.dot_dimension_numbers<[1], [0], [0], [1], [0, 0, 1, 1], [], []>, transpose_lhs_hint = false} : vector<400x1664xbf16>, vector<1664x512xbf16>, vector<400x512xf32> -> vector<400x512xf32>
    %dot_general3A_63 = arith.constant dense<0.000000e+00> : vector<400x512xf32>
    %dot_general3A_64 = tpu.matmul %convert_element_type3A_57, %get3A_56, %dot_general3A_63 {dimension_numbers = #tpu.dot_dimension_numbers<[1], [0], [0], [1], [0, 0, 1, 1], [], []>, transpose_lhs_hint = false} : vector<400x1664xbf16>, vector<1664x512xbf16>, vector<400x512xf32> -> vector<400x512xf32>
    %add3A_65 = arith.addf %dot_general3A_62, %dot_general3A_64 : vector<400x512xf32>
    %dot_general3A_66 = arith.constant dense<0.000000e+00> : vector<400x512xf32>
    %dot_general3A_67 = tpu.matmul %convert_element_type3A_60, %get3A_53, %dot_general3A_66 {dimension_numbers = #tpu.dot_dimension_numbers<[1], [0], [0], [1], [0, 0, 1, 1], [], []>, transpose_lhs_hint = false} : vector<400x1664xbf16>, vector<1664x512xbf16>, vector<400x512xf32> -> vector<400x512xf32>
    %add3A_68 = arith.addf %add3A_65, %dot_general3A_67 : vector<400x512xf32>
    %get3A_69 = arith.constant 0 : index
    %get3A_70 = arith.constant 0 : index
    %get3A_71 = vector.load %arg11[%get3A_69, %get3A_70] : memref<1664x512xbf16, #tpu.memory_space<vmem>>, vector<1664x512xbf16>
    %get3A_72 = arith.constant 0 : index
    %get3A_73 = arith.constant 0 : index
    %get3A_74 = vector.load %arg12[%get3A_72, %get3A_73] : memref<1664x512xbf16, #tpu.memory_space<vmem>>, vector<1664x512xbf16>
    %convert_element_type3A_75 = arith.truncf %max3A_50 : vector<400x1664xf32> to vector<400x1664xbf16>
    %convert_element_type3A_76 = arith.extf %convert_element_type3A_75 : vector<400x1664xbf16> to vector<400x1664xf32>
    %sub3A_77 = arith.subf %max3A_50, %convert_element_type3A_76 : vector<400x1664xf32>
    %convert_element_type3A_78 = arith.truncf %sub3A_77 : vector<400x1664xf32> to vector<400x1664xbf16>
    %dot_general3A_79 = arith.constant dense<0.000000e+00> : vector<400x512xf32>
    %dot_general3A_80 = tpu.matmul %convert_element_type3A_75, %get3A_71, %dot_general3A_79 {dimension_numbers = #tpu.dot_dimension_numbers<[1], [0], [0], [1], [0, 0, 1, 1], [], []>, transpose_lhs_hint = false} : vector<400x1664xbf16>, vector<1664x512xbf16>, vector<400x512xf32> -> vector<400x512xf32>
    %dot_general3A_81 = arith.constant dense<0.000000e+00> : vector<400x512xf32>
    %dot_general3A_82 = tpu.matmul %convert_element_type3A_75, %get3A_74, %dot_general3A_81 {dimension_numbers = #tpu.dot_dimension_numbers<[1], [0], [0], [1], [0, 0, 1, 1], [], []>, transpose_lhs_hint = false} : vector<400x1664xbf16>, vector<1664x512xbf16>, vector<400x512xf32> -> vector<400x512xf32>
    %add3A_83 = arith.addf %dot_general3A_80, %dot_general3A_82 : vector<400x512xf32>
    %dot_general3A_84 = arith.constant dense<0.000000e+00> : vector<400x512xf32>
    %dot_general3A_85 = tpu.matmul %convert_element_type3A_78, %get3A_71, %dot_general3A_84 {dimension_numbers = #tpu.dot_dimension_numbers<[1], [0], [0], [1], [0, 0, 1, 1], [], []>, transpose_lhs_hint = false} : vector<400x1664xbf16>, vector<1664x512xbf16>, vector<400x512xf32> -> vector<400x512xf32>
    %add3A_86 = arith.addf %add3A_83, %dot_general3A_85 : vector<400x512xf32>
    %slice3A = vector.extract_strided_slice %add3A_68 {offsets = [0, 0], sizes = [400, 128], strides = [1, 1]} : vector<400x512xf32> to vector<400x128xf32>
    %swap3A = arith.constant 0 : index
    %swap3A_87 = arith.constant 0 : index
    %swap3A_88 = vector.load %arg13[%swap3A, %swap3A_87] : memref<400x128xf32, #tpu.memory_space<vmem>>, vector<400x128xf32>
    tpu.vector_store %arg13[%swap3A, %swap3A_87], %slice3A {strides = array<i32>} : memref<400x128xf32, #tpu.memory_space<vmem>>, vector<400x128xf32>,
    %slice3A_89 = vector.extract_strided_slice %add3A_68 {offsets = [0, 128], sizes = [400, 128], strides = [1, 1]} : vector<400x512xf32> to vector<400x128xf32>
    %swap3A_90 = arith.constant 0 : index
    %swap3A_91 = arith.constant 0 : index
    %swap3A_92 = vector.load %arg14[%swap3A_90, %swap3A_91] : memref<400x128xf32, #tpu.memory_space<vmem>>, vector<400x128xf32>
    tpu.vector_store %arg14[%swap3A_90, %swap3A_91], %slice3A_89 {strides = array<i32>} : memref<400x128xf32, #tpu.memory_space<vmem>>, vector<400x128xf32>,
    %slice3A_93 = vector.extract_strided_slice %add3A_68 {offsets = [0, 256], sizes = [400, 128], strides = [1, 1]} : vector<400x512xf32> to vector<400x128xf32>
    %swap3A_94 = arith.constant 0 : index
    %swap3A_95 = arith.constant 0 : index
    %swap3A_96 = vector.load %arg15[%swap3A_94, %swap3A_95] : memref<400x128xf32, #tpu.memory_space<vmem>>, vector<400x128xf32>
    tpu.vector_store %arg15[%swap3A_94, %swap3A_95], %slice3A_93 {strides = array<i32>} : memref<400x128xf32, #tpu.memory_space<vmem>>, vector<400x128xf32>,
    %slice3A_97 = vector.extract_strided_slice %add3A_68 {offsets = [0, 384], sizes = [400, 128], strides = [1, 1]} : vector<400x512xf32> to vector<400x128xf32>
    %swap3A_98 = arith.constant 0 : index
    %swap3A_99 = arith.constant 0 : index
    %swap3A_100 = vector.load %arg16[%swap3A_98, %swap3A_99] : memref<400x128xf32, #tpu.memory_space<vmem>>, vector<400x128xf32>
    tpu.vector_store %arg16[%swap3A_98, %swap3A_99], %slice3A_97 {strides = array<i32>} : memref<400x128xf32, #tpu.memory_space<vmem>>, vector<400x128xf32>,
    %swap3A_101 = arith.constant 0 : index
    %swap3A_102 = arith.constant 0 : index
    %swap3A_103 = vector.load %arg17[%swap3A_101, %swap3A_102] : memref<400x512xf32, #tpu.memory_space<vmem>>, vector<400x512xf32>
    tpu.vector_store %arg17[%swap3A_101, %swap3A_102], %add3A_86 {strides = array<i32>} : memref<400x512xf32, #tpu.memory_space<vmem>>, vector<400x512xf32>,
    return
  }
  func.func @transform_0(%arg0: i32) -> (i32, i32) {
    %c0_i32 = arith.constant 0 : i32
    %c0_i32_0 = arith.constant 0 : i32
    return %arg0, %c0_i32 : i32, i32
  }
  func.func @transform_1(%arg0: i32) -> (i32, i32) {
    %c0_i32 = arith.constant 0 : i32
    %c0_i32_0 = arith.constant 0 : i32
    return %arg0, %c0_i32 : i32, i32
  }
  func.func @transform_2(%arg0: i32) -> (i32, i32) {
    %c0_i32 = arith.constant 0 : i32
    %c0_i32_0 = arith.constant 0 : i32
    return %arg0, %c0_i32 : i32, i32
  }
  func.func @transform_3(%arg0: i32) -> (i32, i32) {
    %c0_i32 = arith.constant 0 : i32
    %c0_i32_0 = arith.constant 0 : i32
    %c0_i32_1 = arith.constant 0 : i32
    return %c0_i32, %c0_i32_0 : i32, i32
  }
  func.func @transform_4(%arg0: i32) -> (i32, i32) {
    %c0_i32 = arith.constant 0 : i32
    %c0_i32_0 = arith.constant 0 : i32
    %c0_i32_1 = arith.constant 0 : i32
    return %c0_i32, %c0_i32_0 : i32, i32
  }
  func.func @transform_5(%arg0: i32) -> (i32, i32) {
    %c0_i32 = arith.constant 0 : i32
    %c0_i32_0 = arith.constant 0 : i32
    %c0_i32_1 = arith.constant 0 : i32
    return %c0_i32, %c0_i32_0 : i32, i32
  }
  func.func @transform_6(%arg0: i32) -> (i32, i32) {
    %c0_i32 = arith.constant 0 : i32
    %c0_i32_0 = arith.constant 0 : i32
    %c0_i32_1 = arith.constant 0 : i32
    return %c0_i32, %c0_i32_0 : i32, i32
  }
  func.func @transform_7(%arg0: i32) -> (i32, i32) {
    %c0_i32 = arith.constant 0 : i32
    %c0_i32_0 = arith.constant 0 : i32
    %c0_i32_1 = arith.constant 0 : i32
    return %c0_i32, %c0_i32_0 : i32, i32
  }
  func.func @transform_8(%arg0: i32) -> (i32, i32) {
    %c0_i32 = arith.constant 0 : i32
    %c0_i32_0 = arith.constant 0 : i32
    %c0_i32_1 = arith.constant 0 : i32
    return %c0_i32, %c0_i32_0 : i32, i32
  }
  func.func @transform_9(%arg0: i32) -> (i32, i32) {
    %c0_i32 = arith.constant 0 : i32
    %c0_i32_0 = arith.constant 0 : i32
    %c0_i32_1 = arith.constant 0 : i32
    return %c0_i32, %c0_i32_0 : i32, i32
  }
  func.func @transform_10(%arg0: i32) -> (i32, i32) {
    %c0_i32 = arith.constant 0 : i32
    %c0_i32_0 = arith.constant 0 : i32
    %c0_i32_1 = arith.constant 0 : i32
    return %c0_i32, %c0_i32_0 : i32, i32
  }
  func.func @transform_11(%arg0: i32) -> (i32, i32) {
    %c0_i32 = arith.constant 0 : i32
    %c0_i32_0 = arith.constant 0 : i32
    %c0_i32_1 = arith.constant 0 : i32
    return %c0_i32, %c0_i32_0 : i32, i32
  }
  func.func @transform_12(%arg0: i32) -> (i32, i32) {
    %c0_i32 = arith.constant 0 : i32
    %c0_i32_0 = arith.constant 0 : i32
    return %arg0, %c0_i32 : i32, i32
  }
  func.func @transform_13(%arg0: i32) -> (i32, i32) {
    %c0_i32 = arith.constant 0 : i32
    %c0_i32_0 = arith.constant 0 : i32
    return %arg0, %c0_i32 : i32, i32
  }
  func.func @transform_14(%arg0: i32) -> (i32, i32) {
    %c0_i32 = arith.constant 0 : i32
    %c0_i32_0 = arith.constant 0 : i32
    return %arg0, %c0_i32 : i32, i32
  }
  func.func @transform_15(%arg0: i32) -> (i32, i32) {
    %c0_i32 = arith.constant 0 : i32
    %c0_i32_0 = arith.constant 0 : i32
    return %arg0, %c0_i32 : i32, i32
  }
  func.func @transform_16(%arg0: i32) -> (i32, i32) {
    %c0_i32 = arith.constant 0 : i32
    %c0_i32_0 = arith.constant 0 : i32
    return %arg0, %c0_i32 : i32, i32
  }
}

module attributes {stable_mosaic.version = 14 : i64} {
  func.func @body(%arg0: i32, %arg1: memref<400x128xf32, #tpu.memory_space<vmem>>, %arg2: memref<400x128xf32, #tpu.memory_space<vmem>>, %arg3: memref<400x128xf32, #tpu.memory_space<vmem>>, %arg4: memref<400x128xf32, #tpu.memory_space<vmem>>, %arg5: memref<400x128xf32, #tpu.memory_space<vmem>>, %arg6: memref<400x512xf32, #tpu.memory_space<vmem>>, %arg7: memref<1x512xf32, #tpu.memory_space<vmem>>, %arg8: memref<1x1x400xi32, #tpu.memory_space<vmem>>, %arg9: memref<512x128xf32, #tpu.memory_space<vmem>>, %arg10: memref<1x128xf32, #tpu.memory_space<vmem>>, %arg11: memref<64x50xf32, #tpu.memory_space<vmem>>, %arg12: memref<64x512xf32, #tpu.memory_space<vmem>>, %arg13: memref<64x128xf32, #tpu.memory_space<vmem>>) attributes {dimension_semantics = [#tpu.dimension_semantics<arbitrary>], iteration_bounds = array<i64: 25>, scalar_prefetch = 0 : i64, scratch_operands = 2 : i64, tpu.core_type = #tpu.core_type<tc>, window_params = [{transform_indices = @transform_0, window_bounds = array<i64: 400, 128>}, {transform_indices = @transform_1, window_bounds = array<i64: 400, 128>}, {transform_indices = @transform_2, window_bounds = array<i64: 400, 128>}, {transform_indices = @transform_3, window_bounds = array<i64: 400, 128>}, {transform_indices = @transform_4, window_bounds = array<i64: 400, 128>}, {transform_indices = @transform_5, window_bounds = array<i64: 400, 512>}, {pipeline_mode = #tpu.pipeline_mode<synchronous>, transform_indices = @transform_6, window_bounds = array<i64: 1, 512>}, {transform_indices = @transform_7, window_bounds = array<i64: 1, 1, 400>}, {pipeline_mode = #tpu.pipeline_mode<synchronous>, transform_indices = @transform_8, window_bounds = array<i64: 512, 128>}, {pipeline_mode = #tpu.pipeline_mode<synchronous>, transform_indices = @transform_9, window_bounds = array<i64: 1, 128>}, {pipeline_mode = #tpu.pipeline_mode<synchronous>, transform_indices = @transform_10, window_bounds = array<i64: 64, 50>}]} {
    %eq3A = arith.constant 0 : i32
    %eq3A_0 = arith.cmpi eq, %arg0, %eq3A : i32
    %convert_element_type3A = arith.extui %eq3A_0 : i1 to i32
    %cond3A = arith.constant 0 : i32
    %cond3A_1 = arith.cmpi ne, %convert_element_type3A, %cond3A : i32
    scf.if %cond3A_1 {
      %broadcast_in_dim3A_95 = arith.constant 0.000000e+00 : f32
      %broadcast_in_dim3A_96 = vector.broadcast %broadcast_in_dim3A_95 : f32 to vector<64x512xf32>
      %swap3A_97 = arith.constant 0 : index
      %swap3A_98 = arith.constant 0 : index
      %swap3A_99 = vector.load %arg12[%swap3A_97, %swap3A_98] : memref<64x512xf32, #tpu.memory_space<vmem>>, vector<64x512xf32>
      tpu.vector_store %arg12[%swap3A_97, %swap3A_98], %broadcast_in_dim3A_96 {strides = array<i32>} : memref<64x512xf32, #tpu.memory_space<vmem>>, vector<64x512xf32>,
      %broadcast_in_dim3A_100 = arith.constant 0.000000e+00 : f32
      %broadcast_in_dim3A_101 = vector.broadcast %broadcast_in_dim3A_100 : f32 to vector<64x128xf32>
      %swap3A_102 = arith.constant 0 : index
      %swap3A_103 = arith.constant 0 : index
      %swap3A_104 = vector.load %arg13[%swap3A_102, %swap3A_103] : memref<64x128xf32, #tpu.memory_space<vmem>>, vector<64x128xf32>
      tpu.vector_store %arg13[%swap3A_102, %swap3A_103], %broadcast_in_dim3A_101 {strides = array<i32>} : memref<64x128xf32, #tpu.memory_space<vmem>>, vector<64x128xf32>,
    } else {
    }
    %get3A = arith.constant 0 : index
    %get3A_2 = arith.constant 0 : index
    %get3A_3 = vector.load %arg5[%get3A, %get3A_2] : memref<400x128xf32, #tpu.memory_space<vmem>>, vector<400x1xf32>
    %jit3A = arith.constant 1.000000e+00 : f32
    %max3A = vector.broadcast %jit3A : f32 to vector<400x1xf32>
    %max3A_4 = arith.maximumf %max3A, %get3A_3 : vector<400x1xf32>
    %div3A = arith.constant 1.000000e+00 : f32
    %div3A_5 = vector.broadcast %div3A : f32 to vector<400x1xf32>
    %div3A_6 = arith.divf %div3A_5, %max3A_4 : vector<400x1xf32>
    %get3A_7 = arith.constant 0 : index
    %get3A_8 = arith.constant 0 : index
    %get3A_9 = vector.load %arg1[%get3A_7, %get3A_8] : memref<400x128xf32, #tpu.memory_space<vmem>>, vector<400x128xf32>
    %mul3A = vector.broadcast %div3A_6 : vector<400x1xf32> to vector<400x128xf32>
    %mul3A_10 = arith.mulf %get3A_9, %mul3A : vector<400x128xf32>
    %get3A_11 = arith.constant 0 : index
    %get3A_12 = arith.constant 0 : index
    %get3A_13 = vector.load %arg6[%get3A_11, %get3A_12] : memref<400x512xf32, #tpu.memory_space<vmem>>, vector<400x128xf32>
    %add3A = arith.addf %mul3A_10, %get3A_13 : vector<400x128xf32>
    %get3A_14 = arith.constant 0 : index
    %get3A_15 = arith.constant 0 : index
    %get3A_16 = vector.load %arg7[%get3A_14, %get3A_15] : memref<1x512xf32, #tpu.memory_space<vmem>>, vector<1x128xf32>
    %add3A_17 = vector.broadcast %get3A_16 : vector<1x128xf32> to vector<400x128xf32>
    %add3A_18 = arith.addf %add3A, %add3A_17 : vector<400x128xf32>
    %get3A_19 = arith.constant 0 : index
    %get3A_20 = arith.constant 0 : index
    %get3A_21 = vector.load %arg2[%get3A_19, %get3A_20] : memref<400x128xf32, #tpu.memory_space<vmem>>, vector<400x128xf32>
    %mul3A_22 = vector.broadcast %div3A_6 : vector<400x1xf32> to vector<400x128xf32>
    %mul3A_23 = arith.mulf %get3A_21, %mul3A_22 : vector<400x128xf32>
    %get3A_24 = arith.constant 0 : index
    %get3A_25 = arith.constant 128 : index
    %get3A_26 = vector.load %arg6[%get3A_24, %get3A_25] : memref<400x512xf32, #tpu.memory_space<vmem>>, vector<400x128xf32>
    %add3A_27 = arith.addf %mul3A_23, %get3A_26 : vector<400x128xf32>
    %get3A_28 = arith.constant 0 : index
    %get3A_29 = arith.constant 128 : index
    %get3A_30 = vector.load %arg7[%get3A_28, %get3A_29] : memref<1x512xf32, #tpu.memory_space<vmem>>, vector<1x128xf32>
    %add3A_31 = vector.broadcast %get3A_30 : vector<1x128xf32> to vector<400x128xf32>
    %add3A_32 = arith.addf %add3A_27, %add3A_31 : vector<400x128xf32>
    %get3A_33 = arith.constant 0 : index
    %get3A_34 = arith.constant 0 : index
    %get3A_35 = vector.load %arg3[%get3A_33, %get3A_34] : memref<400x128xf32, #tpu.memory_space<vmem>>, vector<400x128xf32>
    %mul3A_36 = vector.broadcast %div3A_6 : vector<400x1xf32> to vector<400x128xf32>
    %mul3A_37 = arith.mulf %get3A_35, %mul3A_36 : vector<400x128xf32>
    %get3A_38 = arith.constant 0 : index
    %get3A_39 = arith.constant 256 : index
    %get3A_40 = vector.load %arg6[%get3A_38, %get3A_39] : memref<400x512xf32, #tpu.memory_space<vmem>>, vector<400x128xf32>
    %add3A_41 = arith.addf %mul3A_37, %get3A_40 : vector<400x128xf32>
    %get3A_42 = arith.constant 0 : index
    %get3A_43 = arith.constant 256 : index
    %get3A_44 = vector.load %arg7[%get3A_42, %get3A_43] : memref<1x512xf32, #tpu.memory_space<vmem>>, vector<1x128xf32>
    %add3A_45 = vector.broadcast %get3A_44 : vector<1x128xf32> to vector<400x128xf32>
    %add3A_46 = arith.addf %add3A_41, %add3A_45 : vector<400x128xf32>
    %get3A_47 = arith.constant 0 : index
    %get3A_48 = arith.constant 0 : index
    %get3A_49 = vector.load %arg4[%get3A_47, %get3A_48] : memref<400x128xf32, #tpu.memory_space<vmem>>, vector<400x128xf32>
    %mul3A_50 = vector.broadcast %div3A_6 : vector<400x1xf32> to vector<400x128xf32>
    %mul3A_51 = arith.mulf %get3A_49, %mul3A_50 : vector<400x128xf32>
    %get3A_52 = arith.constant 0 : index
    %get3A_53 = arith.constant 384 : index
    %get3A_54 = vector.load %arg6[%get3A_52, %get3A_53] : memref<400x512xf32, #tpu.memory_space<vmem>>, vector<400x128xf32>
    %add3A_55 = arith.addf %mul3A_51, %get3A_54 : vector<400x128xf32>
    %get3A_56 = arith.constant 0 : index
    %get3A_57 = arith.constant 384 : index
    %get3A_58 = vector.load %arg7[%get3A_56, %get3A_57] : memref<1x512xf32, #tpu.memory_space<vmem>>, vector<1x128xf32>
    %add3A_59 = vector.broadcast %get3A_58 : vector<1x128xf32> to vector<400x128xf32>
    %add3A_60 = arith.addf %add3A_55, %add3A_59 : vector<400x128xf32>
    %concatenate3A = tpu.concatenate %add3A_18, %add3A_32, %add3A_46, %add3A_60 in 1 : vector<400x128xf32>, vector<400x128xf32>, vector<400x128xf32>, vector<400x128xf32> -> vector<400x512xf32>
    %max3A_61 = arith.constant 0.000000e+00 : f32
    %max3A_62 = vector.broadcast %max3A_61 : f32 to vector<400x512xf32>
    %max3A_63 = arith.maximumf %concatenate3A, %max3A_62 : vector<400x512xf32>
    %get3A_64 = arith.constant 0 : index
    %get3A_65 = arith.constant 0 : index
    %get3A_66 = arith.constant 0 : index
    %get3A_67 = vector.load %arg8[%get3A_64, %get3A_65, %get3A_66] : memref<1x1x400xi32, #tpu.memory_space<vmem>>, vector<1x1x400xi32>
    %get3A_68 = vector.shape_cast %get3A_67 : vector<1x1x400xi32> to vector<400xi32>
    %broadcast_in_dim3A = vector.shape_cast %get3A_68 : vector<400xi32> to vector<1x400xi32>
    %iota3A = tpu.iota {dimensions = array<i32: 0>} : vector<64x400xi32>
    %eq3A_69 = vector.broadcast %broadcast_in_dim3A : vector<1x400xi32> to vector<64x400xi32>
    %eq3A_70 = arith.cmpi eq, %eq3A_69, %iota3A : vector<64x400xi32>
    %convert_element_type3A_71 = arith.extui %eq3A_70 : vector<64x400xi1> to vector<64x400xi32>
    %convert_element_type3A_72 = arith.sitofp %convert_element_type3A_71 : vector<64x400xi32> to vector<64x400xf32>
    %get3A_73 = arith.constant 0 : index
    %get3A_74 = arith.constant 0 : index
    %get3A_75 = vector.load %arg13[%get3A_73, %get3A_74] : memref<64x128xf32, #tpu.memory_space<vmem>>, vector<64x128xf32>
    %reduce_sum3A = arith.constant dense<0.000000e+00> : vector<64xf32>
    %reduce_sum3A_76 = vector.multi_reduction <add>, %convert_element_type3A_72, %reduce_sum3A [1] : vector<64x400xf32> to vector<64xf32>
    %broadcast_in_dim3A_77 = vector.shape_cast %reduce_sum3A_76 : vector<64xf32> to vector<64x1xf32>
    %add3A_78 = vector.broadcast %broadcast_in_dim3A_77 : vector<64x1xf32> to vector<64x128xf32>
    %add3A_79 = arith.addf %get3A_75, %add3A_78 : vector<64x128xf32>
    %swap3A = arith.constant 0 : index
    %swap3A_80 = arith.constant 0 : index
    %swap3A_81 = vector.load %arg13[%swap3A, %swap3A_80] : memref<64x128xf32, #tpu.memory_space<vmem>>, vector<64x128xf32>
    tpu.vector_store %arg13[%swap3A, %swap3A_80], %add3A_79 {strides = array<i32>} : memref<64x128xf32, #tpu.memory_space<vmem>>, vector<64x128xf32>,
    %get3A_82 = arith.constant 0 : index
    %get3A_83 = arith.constant 0 : index
    %get3A_84 = vector.load %arg12[%get3A_82, %get3A_83] : memref<64x512xf32, #tpu.memory_space<vmem>>, vector<64x512xf32>
    %dot_general3A = arith.constant dense<0.000000e+00> : vector<64x512xf32>
    %dot_general3A_85 = tpu.matmul %convert_element_type3A_72, %max3A_63, %dot_general3A {dimension_numbers = #tpu.dot_dimension_numbers<[1], [0], [0], [1], [0, 0, 1, 1], [], []>, precision = #tpu.contract_precision<fp32>, transpose_lhs_hint = false} : vector<64x400xf32>, vector<400x512xf32>, vector<64x512xf32> -> vector<64x512xf32>
    %add3A_86 = arith.addf %get3A_84, %dot_general3A_85 : vector<64x512xf32>
    %swap3A_87 = arith.constant 0 : index
    %swap3A_88 = arith.constant 0 : index
    %swap3A_89 = vector.load %arg12[%swap3A_87, %swap3A_88] : memref<64x512xf32, #tpu.memory_space<vmem>>, vector<64x512xf32>
    tpu.vector_store %arg12[%swap3A_87, %swap3A_88], %add3A_86 {strides = array<i32>} : memref<64x512xf32, #tpu.memory_space<vmem>>, vector<64x512xf32>,
    %eq3A_90 = arith.constant 24 : i32
    %eq3A_91 = arith.cmpi eq, %arg0, %eq3A_90 : i32
    %convert_element_type3A_92 = arith.extui %eq3A_91 : i1 to i32
    %cond3A_93 = arith.constant 0 : i32
    %cond3A_94 = arith.cmpi ne, %convert_element_type3A_92, %cond3A_93 : i32
    scf.if %cond3A_94 {
      %get3A_95 = arith.constant 0 : index
      %get3A_96 = arith.constant 0 : index
      %get3A_97 = vector.load %arg13[%get3A_95, %get3A_96] : memref<64x128xf32, #tpu.memory_space<vmem>>, vector<64x1xf32>
      %jit3A_98 = arith.constant 1.000000e+00 : f32
      %max3A_99 = vector.broadcast %jit3A_98 : f32 to vector<64x1xf32>
      %max3A_100 = arith.maximumf %max3A_99, %get3A_97 : vector<64x1xf32>
      %get3A_101 = arith.constant 0 : index
      %get3A_102 = arith.constant 0 : index
      %get3A_103 = vector.load %arg12[%get3A_101, %get3A_102] : memref<64x512xf32, #tpu.memory_space<vmem>>, vector<64x512xf32>
      %div3A_104 = vector.broadcast %max3A_100 : vector<64x1xf32> to vector<64x512xf32>
      %div3A_105 = arith.divf %get3A_103, %div3A_104 : vector<64x512xf32>
      %get3A_106 = arith.constant 0 : index
      %get3A_107 = arith.constant 0 : index
      %get3A_108 = vector.load %arg9[%get3A_106, %get3A_107] : memref<512x128xf32, #tpu.memory_space<vmem>>, vector<512x128xf32>
      %dot_general3A_109 = arith.constant dense<0.000000e+00> : vector<64x128xf32>
      %dot_general3A_110 = tpu.matmul %div3A_105, %get3A_108, %dot_general3A_109 {dimension_numbers = #tpu.dot_dimension_numbers<[1], [0], [0], [1], [0, 0, 1, 1], [], []>, precision = #tpu.contract_precision<fp32>, transpose_lhs_hint = false} : vector<64x512xf32>, vector<512x128xf32>, vector<64x128xf32> -> vector<64x128xf32>
      %get3A_111 = arith.constant 0 : index
      %get3A_112 = arith.constant 0 : index
      %get3A_113 = vector.load %arg10[%get3A_111, %get3A_112] : memref<1x128xf32, #tpu.memory_space<vmem>>, vector<1x128xf32>
      %add3A_114 = vector.broadcast %get3A_113 : vector<1x128xf32> to vector<64x128xf32>
      %add3A_115 = arith.addf %dot_general3A_110, %add3A_114 : vector<64x128xf32>
      %iota3A_116 = tpu.iota {dimensions = array<i32: 1>} : vector<64x128xi32>
      %lt3A = arith.constant 50 : i32
      %lt3A_117 = vector.broadcast %lt3A : i32 to vector<64x128xi32>
      %lt3A_118 = arith.cmpi slt, %iota3A_116, %lt3A_117 : vector<64x128xi32>
      %jit3A_119 = arith.constant -1.000000e+30 : f32
      %broadcast_in_dim3A_120 = vector.broadcast %jit3A_119 : f32 to vector<64x128xf32>
      %select_n3A = arith.select %lt3A_118, %add3A_115, %broadcast_in_dim3A_120 : vector<64x128xi1>, vector<64x128xf32>
      %reduce_max3A = arith.constant dense<0xFF800000> : vector<64xf32>
      %reduce_max3A_121 = vector.multi_reduction <maximumf>, %select_n3A, %reduce_max3A [1] : vector<64x128xf32> to vector<64xf32>
      %broadcast_in_dim3A_122 = vector.shape_cast %reduce_max3A_121 : vector<64xf32> to vector<64x1xf32>
      %lt3A_123 = arith.constant 50 : i32
      %lt3A_124 = vector.broadcast %lt3A_123 : i32 to vector<64x128xi32>
      %lt3A_125 = arith.cmpi slt, %iota3A_116, %lt3A_124 : vector<64x128xi32>
      %sub3A = vector.broadcast %broadcast_in_dim3A_122 : vector<64x1xf32> to vector<64x128xf32>
      %sub3A_126 = arith.subf %select_n3A, %sub3A : vector<64x128xf32>
      %exp3A = math.exp %sub3A_126 : vector<64x128xf32>
      %jit3A_127 = arith.constant 0.000000e+00 : f32
      %broadcast_in_dim3A_128 = vector.broadcast %jit3A_127 : f32 to vector<64x128xf32>
      %select_n3A_129 = arith.select %lt3A_125, %exp3A, %broadcast_in_dim3A_128 : vector<64x128xi1>, vector<64x128xf32>
      %reduce_sum3A_130 = arith.constant dense<0.000000e+00> : vector<64xf32>
      %reduce_sum3A_131 = vector.multi_reduction <add>, %select_n3A_129, %reduce_sum3A_130 [1] : vector<64x128xf32> to vector<64xf32>
      %broadcast_in_dim3A_132 = vector.shape_cast %reduce_sum3A_131 : vector<64xf32> to vector<64x1xf32>
      %log3A = math.log %broadcast_in_dim3A_132 : vector<64x1xf32>
      %add3A_133 = arith.addf %log3A, %broadcast_in_dim3A_122 : vector<64x1xf32>
      %sub3A_134 = vector.broadcast %add3A_133 : vector<64x1xf32> to vector<64x128xf32>
      %sub3A_135 = arith.subf %select_n3A, %sub3A_134 : vector<64x128xf32>
      %slice3A = vector.extract_strided_slice %sub3A_135 {offsets = [0, 0], sizes = [64, 50], strides = [1, 1]} : vector<64x128xf32> to vector<64x50xf32>
      %swap3A_136 = arith.constant 0 : index
      %swap3A_137 = arith.constant 0 : index
      %swap3A_138 = vector.load %arg11[%swap3A_136, %swap3A_137] : memref<64x50xf32, #tpu.memory_space<vmem>>, vector<64x50xf32>
      tpu.vector_store %arg11[%swap3A_136, %swap3A_137], %slice3A {strides = array<i32>} : memref<64x50xf32, #tpu.memory_space<vmem>>, vector<64x50xf32>,
    } else {
    }
    return
  }
  func.func @transform_0(%arg0: i32) -> (i32, i32) {
    %c0_i32 = arith.constant 0 : i32
    %c0_i32_0 = arith.constant 0 : i32
    return %arg0, %c0_i32 : i32, i32
  }
  func.func @transform_1(%arg0: i32) -> (i32, i32) {
    %c0_i32 = arith.constant 0 : i32
    %c0_i32_0 = arith.constant 0 : i32
    return %arg0, %c0_i32 : i32, i32
  }
  func.func @transform_2(%arg0: i32) -> (i32, i32) {
    %c0_i32 = arith.constant 0 : i32
    %c0_i32_0 = arith.constant 0 : i32
    return %arg0, %c0_i32 : i32, i32
  }
  func.func @transform_3(%arg0: i32) -> (i32, i32) {
    %c0_i32 = arith.constant 0 : i32
    %c0_i32_0 = arith.constant 0 : i32
    return %arg0, %c0_i32 : i32, i32
  }
  func.func @transform_4(%arg0: i32) -> (i32, i32) {
    %c0_i32 = arith.constant 0 : i32
    %c0_i32_0 = arith.constant 0 : i32
    return %arg0, %c0_i32 : i32, i32
  }
  func.func @transform_5(%arg0: i32) -> (i32, i32) {
    %c0_i32 = arith.constant 0 : i32
    %c0_i32_0 = arith.constant 0 : i32
    return %arg0, %c0_i32 : i32, i32
  }
  func.func @transform_6(%arg0: i32) -> (i32, i32) {
    %c0_i32 = arith.constant 0 : i32
    %c0_i32_0 = arith.constant 0 : i32
    %c0_i32_1 = arith.constant 0 : i32
    return %c0_i32, %c0_i32_0 : i32, i32
  }
  func.func @transform_7(%arg0: i32) -> (i32, i32, i32) {
    %c0_i32 = arith.constant 0 : i32
    %c0_i32_0 = arith.constant 0 : i32
    %c0_i32_1 = arith.constant 0 : i32
    return %arg0, %c0_i32, %c0_i32_0 : i32, i32, i32
  }
  func.func @transform_8(%arg0: i32) -> (i32, i32) {
    %c0_i32 = arith.constant 0 : i32
    %c0_i32_0 = arith.constant 0 : i32
    %c0_i32_1 = arith.constant 0 : i32
    return %c0_i32, %c0_i32_0 : i32, i32
  }
  func.func @transform_9(%arg0: i32) -> (i32, i32) {
    %c0_i32 = arith.constant 0 : i32
    %c0_i32_0 = arith.constant 0 : i32
    %c0_i32_1 = arith.constant 0 : i32
    return %c0_i32, %c0_i32_0 : i32, i32
  }
  func.func @transform_10(%arg0: i32) -> (i32, i32) {
    %c0_i32 = arith.constant 0 : i32
    %c0_i32_0 = arith.constant 0 : i32
    %c0_i32_1 = arith.constant 0 : i32
    return %c0_i32, %c0_i32_0 : i32, i32
  }
}

</mosaic_0001>

<sc_bundles>
// kernel: kernel.6.cloned.1.call-start
scs
__scs_entry_jumppad:
0x0: {  	(pc) =	sbr.rel $0x88, $3  }
0x1: {  	(tag) =	ssettag $0x0;
	lr =	simm.s32 $0x1  }
0x2: {  	[smem:$0x3F8E] =	sst lr;
	_ =	strace $0xD0000000  }
0x3: {  	_ = 	snop  }
0x4: {  	_ = 	snop  }
0x5: {  	_ = 	snop  }
0x6: {  	_ = 	snop  }
0x7: {  	_ = 	snop  }
__scs_overlays_trampoline_lowered:
0x8: {  	[smem:$0x3F9D] =	sst s0  }
0x9: {  	[smem:$0x3F9E] =	sst s1  }
0xa: {  	[smem:$0x3F9F] =	sst s2  }
0xb: {  	[smem:$0x3FA0] =	sst s3  }
0xc: {  	[smem:$0x3FA1] =	sst s4  }
0xd: {  	[smem:$0x3FA2] =	sst s5  }
0xe: {  	[smem:$0x3FA3] =	sst s6  }
0xf: {  	[smem:$0x3FA4] =	sst s7  }
0x10: {  	[smem:$0x3FA5] =	sst s8  }
0x11: {  	[smem:$0x3FA6] =	sst s9;
	s0 =	simm.s32 @!p0 $0x0  }
0x12: {  	s1 =	sld [smem:$0x3F8C];
	s0 =	simm.s32 @p0 $0x1  }
0x13: {  	[smem:$0x3FA7] =	sst s0;
	s0 =	simm.s32 @!p1 $0x0  }
0x14: {  	s2 =	sld [smem:$0x3F8B];
	s0 =	simm.s32 @p1 $0x1  }
0x15: {  	[smem:$0x3FA8] =	sst s0;
	s0 =	simm.s32 @!p2 $0x0  }
0x16: {  	s3 =	sld [smem:$0x3FDB];
	s0 =	simm.s32 @p2 $0x1  }
0x17: {  	s4 =	simm.s32 $0x1BF5;
	[smem:$0x3FAA] =	sst s0  }
0x18: {  	s0 =	sld [smem:$0x3F8D];
	_ =	swait.ge [sflag:s4], $0x0  }
0x19: {  	s7 =	sld [smem:$0x3F8E]  }
0x1a: {  	s8 =	sadd.s32 $0xFFFFE003, lr  }
0x1b: {  	s9 =	sadd.s32 $0xFFFFFEF7, lr;
	s5 =	simm.s32 $0xFFFFFFFF;
	p2 =	slt.u32 s8, $0xFFFFF086  }
0x1c: {  	p1 =	slt.u32 s9, $0xF7A;
	s5 =	simm.s32 @!p2 $0x0  }
0x1d: {  	s5 =	simm.s32 @p1 $0x1;
	p0 =	seq.s32 s7, s2  }
0x1e: {  	s7 =	smul.u32 @!p0 $0xF7A, s2;
	p2 =	seq.s32 @!p0 s5, $0x0  }
0x1f: {  	s9 =	smul.u32 $0xF7A, s1;
	s8 =	simm.s32 @!p0 $0x1BF5;
	p2 =	por !p2, p0  }
0x20: {  	[sflag:s8] =	ssyncset.s32 @!p0 $0xFFFFF086;
	s6 =	sadd.s32 @!p0 s3, s7;
	s7 =	simm.s32 @!p0 $0x108  }
0x21: {  	s3 =	sadd.s32 s3, s9;
	s6 =	sadd.s32 @!p0 $0x88, s6;
	s7 =	simm.s32 @p2 $0x1082  }
0x22: {  	[simem:s7], [sflag:s8] =	dma.local @!p0 [hbm:s6], $0xF7A  }
0x23: {  	s9 =	sor.u32 $0xD0000000, s2;
	s6 =	simm.s32 $0x108;
	_ =	swait.ge @!p0 [sflag:s8], $0x0  }
0x24: {  	s3 =	sadd.s32 $0x88, s3;
	s6 =	simm.s32 @!p1 $0x1082;
	[sflag:s4] =	ssyncset.s32 $0xFFFFF086  }
0x25: {  	[simem:s6], [sflag:s4] =	dma.local [hbm:s3], $0xF7A  }
0x26: {  	[smem:$0x3F8E] =	sst s1;
	(tag) =	ssettag s2;
	_ =	strace s9  }
0x27: {  	s1 =	sld [smem:$0x3F9E]  }
0x28: {  	s2 =	sld [smem:$0x3F9F]  }
0x29: {  	s4 =	sld [smem:$0x3FA1]  }
0x2a: {  	p0 =	seq.s32 s5, $0x0;
	s5 =	sld [smem:$0x3FA2]  }
0x2b: {  	s6 =	sld [smem:$0x3FA3]  }
0x2c: {  	s7 =	sld [smem:$0x3FA4]  }
0x2d: {  	s3 =	simm.s32 $0x108;
	s8 =	sld [smem:$0x3FA5]  }
0x2e: {  	s3 =	simm.s32 @!p0 $0x1082;
	s9 =	sld [smem:$0x3FA6]  }
0x2f: {  	lr =	sadd.s32 s0, s3;
	s0 =	sld [smem:$0x3F9D]  }
0x30: {  	s3 =	sld [smem:$0x3FA0]  }
0x31: {  	[smem:$0x3FA9] =	sst s10  }
0x32: {  	s10 =	sld [smem:$0x3FA7];
	_ =	sdelay $0x3  }
0x33: {  	p0 =	seq.s32 s10, $0x1;
	s10 =	sld [smem:$0x3FA9];
	_ =	sdelay $0x3  }
0x34: {  	[smem:$0x3FA9] =	sst s10  }
0x35: {  	s10 =	sld [smem:$0x3FA8];
	_ =	sdelay $0x3  }
0x36: {  	p1 =	seq.s32 s10, $0x1;
	s10 =	sld [smem:$0x3FA9];
	_ =	sdelay $0x3  }
0x37: {  	[smem:$0x3FA9] =	sst s10  }
0x38: {  	s10 =	sld [smem:$0x3FAA]  }
0x39: {  	_ = 	snop;
	(pc) =	sbr.ind lr, $3  }
0x3a: {  	_ = 	snop  }
0x3b: {  	_ = 	snop  }
0x3c: {  	p2 =	seq.s32 s10, $0x1;
	s10 =	sld [smem:$0x3FA9]  }
0x3d: {  	_ =	shalt  }
0x3e: {  	_ =	shalt  }
0x3f: {  	_ =	shalt  }
0x40: {  	_ =	shalt  }
0x41: {  	_ =	shalt  }
0x42: {  	_ =	shalt  }
0x43: {  	_ =	shalt  }
0x44: {  	_ =	shalt  }
0x45: {  	_ =	shalt  }
0x46: {  	_ =	shalt  }
0x47: {  	_ =	shalt  }
0x48: {  	_ =	shalt  }
0x49: {  	_ =	shalt  }
0x4a: {  	_ =	shalt  }
0x4b: {  	_ =	shalt  }
0x4c: {  	_ =	shalt  }
0x4d: {  	_ =	shalt  }
0x4e: {  	_ =	shalt  }
0x4f: {  	_ =	shalt  }
0x50: {  	_ =	shalt  }
0x51: {  	_ =	shalt  }
0x52: {  	_ =	shalt  }
0x53: {  	_ =	shalt  }
0x54: {  	_ =	shalt  }
0x55: {  	_ =	shalt  }
0x56: {  	_ =	shalt  }
0x57: {  	_ =	shalt  }
0x58: {  	_ =	shalt  }
0x59: {  	_ =	shalt  }
0x5a: {  	_ =	shalt  }
0x5b: {  	_ =	shalt  }
0x5c: {  	_ =	shalt  }
0x5d: {  	_ =	shalt  }
0x5e: {  	_ =	shalt  }
0x5f: {  	_ =	shalt  }
0x60: {  	_ =	shalt  }
0x61: {  	_ =	shalt  }
0x62: {  	_ =	shalt  }
0x63: {  	_ =	shalt  }
0x64: {  	_ =	shalt  }
0x65: {  	_ =	shalt  }
0x66: {  	_ =	shalt  }
0x67: {  	_ =	shalt  }
0x68: {  	_ =	shalt  }
0x69: {  	_ =	shalt  }
0x6a: {  	_ =	shalt  }
0x6b: {  	_ =	shalt  }
0x6c: {  	_ =	shalt  }
0x6d: {  	_ =	shalt  }
0x6e: {  	_ =	shalt  }
0x6f: {  	_ =	shalt  }
0x70: {  	_ =	shalt  }
0x71: {  	_ =	shalt  }
0x72: {  	_ =	shalt  }
0x73: {  	_ =	shalt  }
0x74: {  	_ =	shalt  }
0x75: {  	_ =	shalt  }
0x76: {  	_ =	shalt  }
0x77: {  	_ =	shalt  }
0x78: {  	_ =	shalt  }
0x79: {  	_ =	shalt  }
0x7a: {  	_ =	shalt  }
0x7b: {  	_ =	shalt  }
0x7c: {  	_ =	shalt  }
0x7d: {  	_ =	shalt  }
0x7e: {  	_ =	shalt  }
0x7f: {  	_ =	shalt  }
0x80: {  	_ =	shalt  }
0x81: {  	_ =	shalt  }
0x82: {  	_ =	shalt  }
0x83: {  	_ =	shalt  }
0x84: {  	_ =	shalt  }
0x85: {  	_ =	shalt  }
0x86: {  	_ =	shalt  }
0x87: {  	_ =	shalt  }
.Lfunc_end0:
.L_simem_size_0:
called_computation_lowered:
.L_overlay_start_0:
0x88: {  	s2 =	sld [smem:$0x3FD9]  }
0x89: {  	s3 =	sld [smem:$0x3FFE];
	_ =	sdelay $0x1  }
0x8a: {  	s1 =	srdreg.scid  }
0x8b: {  	s0 =	sand.u32 $0x1, s1  }
0x8c: {  	s17 =	sshll.u32 s0, $0xA;
	s2 =	sadd.s32 s3, s2  }
0x8d: {  	s2 =	sadd.s32 s2, s17  }
0x8e: {  	[smem:$0x3FB5] =	sst s2  }
0x8f: {  	_ = 	snop  }
0x90: {  	s2 =	sld [smem:$0x3FC9];
	(tm) =	ssettm $0x1  }
0x91: {  	s18 =	sld [smem:$0x3FFB];
	_ =	sdelay $0x3  }
0x92: {  	_ =	strace s18  }
0x93: {  	s3 =	sld [smem:$0x3FFC];
	_ =	sdelay $0x3  }
0x94: {  	_ =	strace s3  }
0x95: {  	s3 =	sld [smem:$0x3FFD];
	_ =	sdelay $0x3  }
0x96: {  	_ =	strace s3  }
0x97: {  	_ =	strace $0x8FFFFFFF  }
0x98: {  	s19 =	sld [smem:$0x3FDB];
	_ =	sdelay $0x1  }
0x99: {  	s4 =	simm.s32 $_scs_section_size  }
0x9a: {  	s5 =	simm.s32 $_size__tile_overlayer_lowered;
	s6 =	simm.s32 $_tile_overlayer_lowered  }
0x9b: {  	s22 =	simm.s32 $0x1BFF;
	s21 =	sshll.u32 s6, $0x1;
	s3 =	sadd.s32 s4, s19  }
0x9c: {  	s7 =	simm.s32 $0x0;
	s20 =	sshll.u32 s5, $0x1;
	s5 =	sadd.s32 s21, s3  }
0x9d: {  	[timem:s7], [sflag:s22] =	dma.local [hbm:s5], s20  }
0x9e: {  	_ =	swait.ge [sflag:s22], s20  }
0x9f: {  	s4 =	ssub.s32 $0x0, s20;
	[sflag:s22] =	ssyncset.done $0x0  }
0xa0: {  	[sflag:s22] =	ssyncadd.s32 s4;
	_ =	sdelay $0x1  }
0xa1: {  	s23 =	simm.s32 $0x1B8B  }
0xa2: {  	_ =	swait.ge [sflag:s23], $0x1  }
0xa3: {  	[sflag:s23] =	ssyncset.done $0x0  }
0xa4: {  	s25 =	simm.s32 $0x1B8E;
	s24 =	sld [smem:$0x3FFE];
	[sflag:s23] =	ssyncadd.s32 $0xFFFFFFFF  }
0xa5: {  	s26 =	simm.s32 $execute0_lowered;
	[smem:$0x3FD2] =	sst s25  }
0xa6: {  	s5 =	sshll.u32 s26, $0x1;
	_ =	strace $0x80000046;
	[dreg:$0x1] =	wrdreg $0xFFFFFFFF  }
0xa7: {  	s28 =	simm.s32 $_size_execute0_lowered;
	s3 =	sadd.s32 s3, s5;
	[dreg:$0x0] =	wrdreg $0x0  }
0xa8: {  	s5 =	sshll.u32 s28, $0x1;
	[dreg:$0x2] =	wrdreg s3  }
0xa9: {  	[dreg:$0x3] =	wrdreg s5  }
0xaa: {  	[dreg:$0x4] =	wrdreg $0xC0  }
0xab: {  	_ =	task [dreg:s7], $0x5FFFF  }
0xac: {  	[dreg:$0x1] =	wrdreg $0xFFFFFFFF  }
0xad: {  	[dreg:$0x0] =	wrdreg $0x60  }
0xae: {  	[dreg:$0x2] =	wrdreg s2  }
0xaf: {  	[dreg:$0x3] =	wrdreg s24  }
0xb0: {  	[dreg:$0x4] =	wrdreg $0x82000  }
0xb1: {  	[dreg:$0x5] =	wrdreg $0x9  }
0xb2: {  	_ =	task.clear_ibuf [dreg:s7], $0x6FFFF;
	_ =	strace $0x90000046  }
0xb3: {  	s29 =	simm.s32 $0x9;
	_ =	strace $0x80000048  }
0xb4: {  	_ =	swait.ge [sflag:s29], $0x1  }
0xb5: {  	[sflag:s29] =	ssyncadd.s32 $0xFFFFFFFF  }
0xb6: {  	_ =	strace $0x90000048  }
0xb7: {  	_ =	sfence  }
0xb8: {  	s30 =	sld [smem:$0x0];
	_ =	sdelay $0x2  }
0xb9: {  	s31 =	sshll.u32 s1, $0xD;
	s1 =	sshrl.u32 s1, $0x2  }
0xba: {  	s3 =	sand.u32 $0x4000, s31;
	s1 =	sadd.s32 s1, s30  }
0xbb: {  	s0 =	sor.u32 s3, s0;
	s1 =	sshll.u32 s1, $0x11  }
0xbc: {  	s0 =	sor.u32 s1, s0  }
0xbd: {  	s0 =	sadd.s32 $0x8F2B, s0  }
0xbe: {  	[sflag:s0] =	ssyncadd.remote.s32 $0x1  }
0xbf: {  	_ =	sfence.sel $0xFFFF  }
0xc0: {  	[dreg:$0x0] =	wrdreg $0xFFFFFFFF;
	(pc) =	sbr.abs _section_cstart, $3  }
0xc1: {  	[dreg:$0x1] =	wrdreg $0xFFFFFFFF  }
0xc2: {  	_ =	task.clear_ibuf [dreg:s7], $0x2FFFF;
	_ =	strace $0x9FFFFFFF  }
0xc3: {  	(tm) =	ssettm $0x7FFFFFFF  }
tec
execute0_lowered:
.L_overlay_start_1:
0x0: {  	(tag) =	ssettag $0x1  }
0x1: {  	s1 =	rddreg [dreg:$0x0]  }
0x2: {  	s0 =	rddreg [dreg:$0x1]  }
0x3: {  	s3 =	rddreg [dreg:$0x2]  }
0x4: {  	s4 =	simm.s32 $0x0;
	s2 =	stileid.u32;
	s6 =	srdreg.scid  }
0x5: {  	s18 =	simm.s32 $0x7;
	s19 =	simm.s32 $0x200;
	s20 =	simm.s32 $0x4200  }
0x6: {  	s21 =	simm.s32 $0x100;
	s22 =	simm.s32 $0x5;
	s28 =	simm.s32 $0x4  }
0x7: {  	s29 =	simm.s32 $0x1;
	s30 =	simm.s32 $0x2;
	s31 =	simm.s32 $0x0  }
0x8: {  	[smem:$0x7FF] =	sst s4;
	s5 =	smul.u32 $0x2780, s2;
	s14 =	sadd.s32 $0x6000, s0  }
0x9: {  	s13 =	sadd.s32 $0x10000, s0;
	s11 =	sand.u32 $0x1, s6;
	s12 =	smul.u32 $0x4F000, s2  }
0xa: {  	s6 =	sadd.s32 $0x41800, s0;
	s7 =	sadd.s32 $0x69800, s0;
	s25 =	sshll.u32 s2, $0x6  }
0xb: {  	s26 =	smul.u32 $0xA00, s2;
	_ =	strace $0x80000047;
	s10 =	ssub.s32 $0x2, s11  }
0xc: {  	[dreg:$0x4] =	wrdreg s7;
	p0 =	seq.s32 s11, $0x1;
	s9 =	sadd.s32 s5, s0  }
0xd: {  	s15 =	sshrl.u32 s10, $0x1;
	s0 =	sadd.s32 $0x42000, s0;
	s24 =	sshrl.u32 s12, $0x2  }
0xe: {  	s11 =	sadd.s32 s13, s26;
	s12 =	sadd.s32 s14, s26;
	[dreg:$0x5] =	wrdreg s0  }
.Ltmp0:
0xf: {  	s23 =	ssub.s32 s10, s15;
	s17 =	sadd.s32 s24, s3;
	(pc) =	sbr.rel .LBB2_1-.Ltmp0, $4  }
0x10: {  	s9 =	sadd.s32 $0x1A000, s9;
	s10 =	sor.u32 $0x1C07, s25;
	s15 =	sor.u32 $0x10, s26  }
0x11: {  	s24 =	simm.s32 $0x180;
	s25 =	simm.s32 $0x6;
	s26 =	simm.s32 $0x3  }
0x12: {  	s13 =	sadd.s32 s13, s15;
	s14 =	sadd.s32 s14, s15;
	s15 =	sadd.s32 $0x10, s11  }
0x13: {  	s16 =	smax.u32 s23, $0x1;
	s17 =	sshrl.u32 s17, $0x3;
	s23 =	simm.s32 $0x80  }
.LBB2_7:
0x14: {  	[spmem:s3] =	stream.indirect.scatter.add.f32 [tilespmem:s20], [sflag:$0x4], $0x80, s24, s23, $0xb8;
	[tilespmem:$0x1BE00] =	vst v63  }
0x15: {  	_ =	swait.ge [sflag:s26], $0x4000  }
0x16: {  	[sflag:s26] =	ssyncset.done $0x0  }
0x17: {  	s0 =	rddreg [dreg:$0x5];
	[sflag:s26] =	ssyncadd.s32 $0xFFFFC000  }
.LBB2_8:
0x18: {  	_ =	swait.ge [sflag:s28], $0x4000  }
0x19: {  	s31 =	sadd.s32 $0x1, s31;
	[sflag:s28] =	ssyncset.done $0x0  }
0x1a: {  	p1 =	sne.s32 s31, s16;
	[sflag:s28] =	ssyncadd.s32 $0xFFFFC000  }
.Ltmp1:
0x1b: {  	s0 =	sadd.s32 s0, s5;
	[bflag:$0x0] =	sbarrier.arrive $0xFFFF;
	(pc) =	sbr.rel @!p1 .LBB2_9-.Ltmp1, $4  }
0x1c: {  	[hbm:s0], [sflag:s10] =	dma.local [spmem:s17], $0x2780  }
0x1d: {  	_ =	swait.ge [sflag:s18], $0x2780  }
0x1e: {  	[sflag:s18] =	ssyncset.done $0x0  }
0x1f: {  	[sflag:s18] =	ssyncadd.s32 $0xFFFFD880  }
.LBB2_1:
.Ltmp2:
0x20: {  	(pc) =	sbr.rel @!p0 .LBB2_2-.Ltmp2, $4  }
0x21: {  	[spmem:s17], [sflag:s10] =	dma.local [hbm:s9], $0x2780  }
0x22: {  	_ =	swait.ge [sflag:s18], $0x2780  }
0x23: {  	[sflag:s18] =	ssyncset.done $0x0  }
0x24: {  	[sflag:s18] =	ssyncadd.s32 $0xFFFFD880  }
0x25: {  	[tilespmem:s19], [sflag:$0x7] =	stream.linear.gather [hbm4b:s6+s4], $0x4000, $0x38;
	[tilespmem:$0x1BE00] =	vst v63  }
0x26: {  	_ =	swait.ge [sflag:s18], $0x4000  }
0x27: {  	[sflag:s18] =	ssyncset.done $0x0  }
0x28: {  	[sflag:s18] =	ssyncadd.s32 $0xFFFFC000  }
0x29: {  	[tilespmem:s20], [sflag:$0x7] =	stream.linear.gather [hbm4b:s6+s4], $0x4000, $0x38;
	[tilespmem:$0x1BE00] =	vst v63  }
0x2a: {  	_ =	swait.ge [sflag:s18], $0x4000  }
0x2b: {  	[sflag:s18] =	ssyncset.done $0x0  }
0x2c: {  	[sflag:s18] =	ssyncadd.s32 $0xFFFFC000  }
0x2d: {  	[bflag:$0x0] =	sbarrier.arrive $0xFFFF  }
0x2e: {  	[tilespmem:s21], [sflag:$0x5] =	stream.linear.gather [hbm4b:s11+s4], $0x80, $0x38;
	[tilespmem:$0x1BE00] =	vst v63  }
0x2f: {  	_ =	swait.ge [sflag:s22], $0x80  }
0x30: {  	[sflag:s22] =	ssyncset.done $0x0  }
0x31: {  	[sflag:s22] =	ssyncadd.s32 $0xFFFFFF80  }
0x32: {  	[spmem:s3] =	stream.indirect.scatter.add.f32 [tilespmem:s19], [sflag:$0x3], $0x80, s21, s23, $0xb8;
	[tilespmem:$0x1BE00] =	vst v63  }
0x33: {  	_ = 	snop  }
0x34: {  	[tilespmem:s24], [sflag:$0x6] =	stream.linear.gather [hbm4b:s15+s4], $0x80, $0x38;
	[tilespmem:$0x1BE00] =	vst v63  }
0x35: {  	_ =	swait.ge [sflag:s25], $0x80  }
0x36: {  	[sflag:s25] =	ssyncset.done $0x0  }
0x37: {  	[sflag:s25] =	ssyncadd.s32 $0xFFFFFF80  }
0x38: {  	[spmem:s3] =	stream.indirect.scatter.add.f32 [tilespmem:s20], [sflag:$0x4], $0x80, s24, s23, $0xb8;
	[tilespmem:$0x1BE00] =	vst v63  }
0x39: {  	_ =	swait.ge [sflag:s26], $0x4000  }
0x3a: {  	s0 =	sadd.s32 $0xFFFFF620, s11;
	[sflag:s26] =	ssyncset.done $0x0  }
0x3b: {  	s2 =	sadd.s32 $0xA00, s0;
	[sflag:s26] =	ssyncadd.s32 $0xFFFFC000  }
0x3c: {  	[tilespmem:s21], [sflag:$0x5] =	stream.linear.gather [hbm4b:s2+s4], $0x80, $0x38;
	[tilespmem:$0x1BE00] =	vst v63  }
0x3d: {  	_ =	swait.ge [sflag:s22], $0x80  }
0x3e: {  	[sflag:s22] =	ssyncset.done $0x0  }
0x3f: {  	[sflag:s22] =	ssyncadd.s32 $0xFFFFFF80  }
0x40: {  	[spmem:s3] =	stream.indirect.scatter.add.f32 [tilespmem:s19], [sflag:$0x3], $0x80, s21, s23, $0xb8;
	[tilespmem:$0x1BE00] =	vst v63  }
0x41: {  	_ =	swait.ge [sflag:s28], $0x4000  }
0x42: {  	[sflag:s28] =	ssyncset.done $0x0  }
0x43: {  	s0 =	sadd.s32 $0xA10, s0;
	[sflag:s28] =	ssyncadd.s32 $0xFFFFC000  }
0x44: {  	[tilespmem:s24], [sflag:$0x6] =	stream.linear.gather [hbm4b:s0+s4], $0x80, $0x38;
	[tilespmem:$0x1BE00] =	vst v63  }
0x45: {  	_ =	swait.ge [sflag:s25], $0x80  }
0x46: {  	[sflag:s25] =	ssyncset.done $0x0  }
0x47: {  	s0 =	simm.s32 $0xFFFFF640;
	[sflag:s25] =	ssyncadd.s32 $0xFFFFFF80  }
.LBB2_6:
0x48: {  	[spmem:s3] =	stream.indirect.scatter.add.f32 [tilespmem:s20], [sflag:$0x4], $0x80, s24, s23, $0xb8;
	[tilespmem:$0x1BE00] =	vst v63  }
0x49: {  	s2 =	smov.u32 s0  }
0x4a: {  	p1 =	sne.s32 s0, $0xFFFFFFE0;
	s0 =	sadd.s32 $0x20, s0;
	_ =	swait.ge [sflag:s26], $0x4000  }
0x4b: {  	s2 =	sadd.s32 s2, s11;
	[sflag:s26] =	ssyncset.done $0x0  }
0x4c: {  	s7 =	sadd.s32 $0xA00, s2;
	[sflag:s26] =	ssyncadd.s32 $0xFFFFC000  }
0x4d: {  	[tilespmem:s21], [sflag:$0x5] =	stream.linear.gather [hbm4b:s7+s4], $0x80, $0x38;
	[tilespmem:$0x1BE00] =	vst v63  }
0x4e: {  	_ =	swait.ge [sflag:s22], $0x80  }
0x4f: {  	[sflag:s22] =	ssyncset.done $0x0  }
0x50: {  	[sflag:s22] =	ssyncadd.s32 $0xFFFFFF80  }
0x51: {  	[spmem:s3] =	stream.indirect.scatter.add.f32 [tilespmem:s19], [sflag:$0x3], $0x80, s21, s23, $0xb8;
	[tilespmem:$0x1BE00] =	vst v63  }
0x52: {  	_ =	swait.ge [sflag:s28], $0x4000  }
0x53: {  	[sflag:s28] =	ssyncset.done $0x0  }
.Ltmp3:
0x54: {  	s2 =	sadd.s32 $0xA10, s2;
	[sflag:s28] =	ssyncadd.s32 $0xFFFFC000;
	(pc) =	sbr.rel @p1 .LBB2_6-.Ltmp3, $4  }
0x55: {  	[tilespmem:s24], [sflag:$0x6] =	stream.linear.gather [hbm4b:s2+s4], $0x80, $0x38;
	[tilespmem:$0x1BE00] =	vst v63  }
0x56: {  	_ =	swait.ge [sflag:s25], $0x80  }
0x57: {  	[sflag:s25] =	ssyncset.done $0x0  }
0x58: {  	[sflag:s25] =	ssyncadd.s32 $0xFFFFFF80  }
.Ltmp4:
0x59: {  	_ = 	snop;
	(pc) =	sbr.rel .LBB2_7-.Ltmp4, $1  }
0x5a: {  	_ =	sdelay $0x3  }
.LBB2_2:
0x5b: {  	[bflag:$0x0] =	sbarrier.arrive $0xFFFF  }
0x5c: {  	[tilespmem:s21], [sflag:$0x5] =	stream.linear.gather [hbm4b:s11+s4], $0x80, $0x38;
	[tilespmem:$0x1BE00] =	vst v63  }
0x5d: {  	_ = 	snop  }
0x5e: {  	[tilespmem:s4], [sflag:$0x5] =	stream.linear.gather [hbm4b:s12+s4], $0x80, $0x38;
	[tilespmem:$0x1BE00] =	vst v63  }
0x5f: {  	_ =	swait.ge [sflag:s22], $0x80  }
0x60: {  	[sflag:s22] =	ssyncset.done $0x0  }
0x61: {  	[sflag:s22] =	ssyncadd.s32 $0xFFFFFF80  }
0x62: {  	_ =	swait.ge [sflag:s22], $0x80  }
0x63: {  	[sflag:s22] =	ssyncset.done $0x0  }
0x64: {  	[sflag:s22] =	ssyncadd.s32 $0xFFFFFF80  }
0x65: {  	[tilespmem:s19], [sflag:$0x1] =	stream.indirect.gather [hbm4b:s1+s23], $0x80, s4, s23, $0xb8;
	[tilespmem:$0x1BE00] =	vst v63  }
0x66: {  	_ = 	snop  }
0x67: {  	[tilespmem:s24], [sflag:$0x6] =	stream.linear.gather [hbm4b:s13+s4], $0x80, $0x38;
	[tilespmem:$0x1BE00] =	vst v63  }
0x68: {  	_ = 	snop  }
0x69: {  	[tilespmem:s23], [sflag:$0x6] =	stream.linear.gather [hbm4b:s14+s4], $0x80, $0x38;
	[tilespmem:$0x1BE00] =	vst v63  }
0x6a: {  	_ =	swait.ge [sflag:s25], $0x80  }
0x6b: {  	[sflag:s25] =	ssyncset.done $0x0  }
0x6c: {  	[sflag:s25] =	ssyncadd.s32 $0xFFFFFF80  }
0x6d: {  	_ =	swait.ge [sflag:s25], $0x80  }
0x6e: {  	[sflag:s25] =	ssyncset.done $0x0  }
0x6f: {  	[sflag:s25] =	ssyncadd.s32 $0xFFFFFF80  }
0x70: {  	[tilespmem:s20], [sflag:$0x2] =	stream.indirect.gather [hbm4b:s1+s23], $0x80, s23, s23, $0xb8;
	[tilespmem:$0x1BE00] =	vst v63  }
0x71: {  	_ =	swait.ge [sflag:s29], $0x4000  }
0x72: {  	[sflag:s29] =	ssyncset.done $0x0  }
0x73: {  	[sflag:s29] =	ssyncadd.s32 $0xFFFFC000  }
0x74: {  	[spmem:s3] =	stream.indirect.scatter.add.f32 [tilespmem:s19], [sflag:$0x3], $0x80, s21, s23, $0xb8;
	[tilespmem:$0x1BE00] =	vst v63  }
0x75: {  	_ =	swait.ge [sflag:s26], $0x4000  }
0x76: {  	s0 =	sadd.s32 $0xFFFFF620, s11;
	[sflag:s26] =	ssyncset.done $0x0  }
0x77: {  	s7 =	sadd.s32 $0xFFFFF620, s12;
	s2 =	sadd.s32 $0xA00, s0;
	[sflag:s26] =	ssyncadd.s32 $0xFFFFC000  }
0x78: {  	[tilespmem:s21], [sflag:$0x5] =	stream.linear.gather [hbm4b:s2+s4], $0x80, $0x38;
	[tilespmem:$0x1BE00] =	vst v63  }
0x79: {  	s8 =	sadd.s32 $0xA00, s7  }
0x7a: {  	[tilespmem:s4], [sflag:$0x5] =	stream.linear.gather [hbm4b:s8+s4], $0x80, $0x38;
	[tilespmem:$0x1BE00] =	vst v63  }
0x7b: {  	_ =	swait.ge [sflag:s22], $0x80  }
0x7c: {  	[sflag:s22] =	ssyncset.done $0x0  }
0x7d: {  	[sflag:s22] =	ssyncadd.s32 $0xFFFFFF80  }
0x7e: {  	_ =	swait.ge [sflag:s22], $0x80  }
0x7f: {  	[sflag:s22] =	ssyncset.done $0x0  }
0x80: {  	[sflag:s22] =	ssyncadd.s32 $0xFFFFFF80  }
0x81: {  	[tilespmem:s19], [sflag:$0x1] =	stream.indirect.gather [hbm4b:s1+s23], $0x80, s4, s23, $0xb8;
	[tilespmem:$0x1BE00] =	vst v63  }
0x82: {  	_ =	swait.ge [sflag:s30], $0x4000  }
0x83: {  	[sflag:s30] =	ssyncset.done $0x0  }
0x84: {  	[sflag:s30] =	ssyncadd.s32 $0xFFFFC000  }
0x85: {  	[spmem:s3] =	stream.indirect.scatter.add.f32 [tilespmem:s20], [sflag:$0x4], $0x80, s24, s23, $0xb8;
	[tilespmem:$0x1BE00] =	vst v63  }
0x86: {  	_ =	swait.ge [sflag:s28], $0x4000  }
0x87: {  	[sflag:s28] =	ssyncset.done $0x0  }
0x88: {  	s0 =	sadd.s32 $0xA10, s0;
	[sflag:s28] =	ssyncadd.s32 $0xFFFFC000  }
0x89: {  	[tilespmem:s24], [sflag:$0x6] =	stream.linear.gather [hbm4b:s0+s4], $0x80, $0x38;
	[tilespmem:$0x1BE00] =	vst v63  }
0x8a: {  	s8 =	sadd.s32 $0xA10, s7  }
0x8b: {  	[tilespmem:s23], [sflag:$0x6] =	stream.linear.gather [hbm4b:s8+s4], $0x80, $0x38;
	[tilespmem:$0x1BE00] =	vst v63  }
0x8c: {  	_ =	swait.ge [sflag:s25], $0x80  }
0x8d: {  	[sflag:s25] =	ssyncset.done $0x0  }
0x8e: {  	[sflag:s25] =	ssyncadd.s32 $0xFFFFFF80  }
0x8f: {  	_ =	swait.ge [sflag:s25], $0x80  }
0x90: {  	[sflag:s25] =	ssyncset.done $0x0  }
0x91: {  	s0 =	simm.s32 $0xFFFFF640;
	[sflag:s25] =	ssyncadd.s32 $0xFFFFFF80  }
.LBB2_3:
0x92: {  	[tilespmem:s20], [sflag:$0x2] =	stream.indirect.gather [hbm4b:s1+s23], $0x80, s23, s23, $0xb8;
	[tilespmem:$0x1BE00] =	vst v63  }
0x93: {  	s2 =	smov.u32 s0  }
0x94: {  	p1 =	sne.s32 s0, $0xFFFFFFE0;
	s0 =	sadd.s32 $0x20, s0;
	_ =	swait.ge [sflag:s29], $0x4000  }
0x95: {  	[sflag:s29] =	ssyncset.done $0x0  }
0x96: {  	[sflag:s29] =	ssyncadd.s32 $0xFFFFC000  }
0x97: {  	[spmem:s3] =	stream.indirect.scatter.add.f32 [tilespmem:s19], [sflag:$0x3], $0x80, s21, s23, $0xb8;
	[tilespmem:$0x1BE00] =	vst v63  }
0x98: {  	_ =	swait.ge [sflag:s26], $0x4000  }
0x99: {  	s7 =	sadd.s32 s2, s11;
	[sflag:s26] =	ssyncset.done $0x0  }
0x9a: {  	s2 =	sadd.s32 s2, s12;
	s8 =	sadd.s32 $0xA00, s7;
	[sflag:s26] =	ssyncadd.s32 $0xFFFFC000  }
0x9b: {  	[tilespmem:s21], [sflag:$0x5] =	stream.linear.gather [hbm4b:s8+s4], $0x80, $0x38;
	[tilespmem:$0x1BE00] =	vst v63  }
0x9c: {  	s8 =	sadd.s32 $0xA00, s2  }
0x9d: {  	[tilespmem:s4], [sflag:$0x5] =	stream.linear.gather [hbm4b:s8+s4], $0x80, $0x38;
	[tilespmem:$0x1BE00] =	vst v63  }
0x9e: {  	_ =	swait.ge [sflag:s22], $0x80  }
0x9f: {  	[sflag:s22] =	ssyncset.done $0x0  }
0xa0: {  	[sflag:s22] =	ssyncadd.s32 $0xFFFFFF80  }
0xa1: {  	_ =	swait.ge [sflag:s22], $0x80  }
0xa2: {  	[sflag:s22] =	ssyncset.done $0x0  }
0xa3: {  	[sflag:s22] =	ssyncadd.s32 $0xFFFFFF80  }
0xa4: {  	[tilespmem:s19], [sflag:$0x1] =	stream.indirect.gather [hbm4b:s1+s23], $0x80, s4, s23, $0xb8;
	[tilespmem:$0x1BE00] =	vst v63  }
0xa5: {  	_ =	swait.ge [sflag:s30], $0x4000  }
0xa6: {  	[sflag:s30] =	ssyncset.done $0x0  }
0xa7: {  	[sflag:s30] =	ssyncadd.s32 $0xFFFFC000  }
0xa8: {  	[spmem:s3] =	stream.indirect.scatter.add.f32 [tilespmem:s20], [sflag:$0x4], $0x80, s24, s23, $0xb8;
	[tilespmem:$0x1BE00] =	vst v63  }
0xa9: {  	_ =	swait.ge [sflag:s28], $0x4000  }
0xaa: {  	[sflag:s28] =	ssyncset.done $0x0  }
0xab: {  	s7 =	sadd.s32 $0xA10, s7;
	[sflag:s28] =	ssyncadd.s32 $0xFFFFC000  }
0xac: {  	[tilespmem:s24], [sflag:$0x6] =	stream.linear.gather [hbm4b:s7+s4], $0x80, $0x38;
	[tilespmem:$0x1BE00] =	vst v63  }
0xad: {  	s2 =	sadd.s32 $0xA10, s2  }
0xae: {  	[tilespmem:s23], [sflag:$0x6] =	stream.linear.gather [hbm4b:s2+s4], $0x80, $0x38;
	[tilespmem:$0x1BE00] =	vst v63  }
0xaf: {  	_ =	swait.ge [sflag:s25], $0x80  }
.Ltmp5:
0xb0: {  	[sflag:s25] =	ssyncset.done $0x0;
	(pc) =	sbr.rel @p1 .LBB2_3-.Ltmp5, $4  }
0xb1: {  	[sflag:s25] =	ssyncadd.s32 $0xFFFFFF80  }
0xb2: {  	_ =	swait.ge [sflag:s25], $0x80  }
0xb3: {  	[sflag:s25] =	ssyncset.done $0x0  }
0xb4: {  	[sflag:s25] =	ssyncadd.s32 $0xFFFFFF80  }
0xb5: {  	[tilespmem:s20], [sflag:$0x2] =	stream.indirect.gather [hbm4b:s1+s23], $0x80, s23, s23, $0xb8;
	[tilespmem:$0x1BE00] =	vst v63  }
0xb6: {  	_ =	swait.ge [sflag:s29], $0x4000  }
0xb7: {  	[sflag:s29] =	ssyncset.done $0x0  }
0xb8: {  	[sflag:s29] =	ssyncadd.s32 $0xFFFFC000  }
0xb9: {  	[spmem:s3] =	stream.indirect.scatter.add.f32 [tilespmem:s19], [sflag:$0x3], $0x80, s21, s23, $0xb8;
	[tilespmem:$0x1BE00] =	vst v63  }
0xba: {  	_ =	swait.ge [sflag:s26], $0x4000  }
0xbb: {  	[sflag:s26] =	ssyncset.done $0x0  }
.Ltmp6:
0xbc: {  	[sflag:s26] =	ssyncadd.s32 $0xFFFFC000;
	(pc) =	sbr.rel .LBB2_8-.Ltmp6, $4  }
0xbd: {  	_ =	swait.ge [sflag:s30], $0x4000  }
0xbe: {  	[sflag:s30] =	ssyncset.done $0x0  }
0xbf: {  	s0 =	rddreg [dreg:$0x4];
	[sflag:s30] =	ssyncadd.s32 $0xFFFFC000  }
0xc0: {  	[spmem:s3] =	stream.indirect.scatter.add.f32 [tilespmem:s20], [sflag:$0x4], $0x80, s24, s23, $0xb8;
	[tilespmem:$0x1BE00] =	vst v63  }
.LBB2_9:
0xc1: {  	_ =	sfence.sel $0x180000  }
0xc2: {  	[bflag:$0x0] =	sbarrier.arrive $0xFFFF  }
0xc3: {  	_ =	strace $0x90000047  }
0xc4: {  	s0 =	stileid.u32;
	[bflag:$0x2] =	sbarrier.arrive $0xFFFF  }
0xc5: {  	p0 =	sne.s32 s0, $0x0;
	s0 =	rddreg [dreg:$0x3]  }
0xc6: {  	s0 =	sadd.s32 @!p0 $0x100000, s0  }
0xc7: {  	[sflag:s0] =	ssyncadd.tile.s32 @!p0 $0x1;
	_ =	shalt  }
.Lfunc_end2:
_tile_overlayer_lowered:
.L_overlay_start_2:
0xc8: {  	(tag) =	ssettag $0x2  }
0xc9: {  	s0 =	rddreg [dreg:$0x0];
	s2 =	stileid.u32  }
0xca: {  	s1 =	rddreg [dreg:$0x1];
	p0 =	sne.s32 s2, $0x0  }
0xcb: {  	s3 =	rddreg [dreg:$0x2];
	[bflag:$0x3] =	sbarrier.arrive $0xFFFF;
	s2 =	simm.s32 @!p0 $0x1C07  }
0xcc: {  	[timem:s3], [sflag:s2] =	dma.local @!p0 [hbm:s0], s1  }
0xcd: {  	s0 =	simm.s32 @!p0 $0x7  }
0xce: {  	_ =	swait.ge @!p0 [sflag:s0], s1  }
0xcf: {  	s1 =	ssub.s32 @!p0 $0x0, s1;
	[sflag:s0] =	ssyncset.done @!p0 $0x0  }
0xd0: {  	[sflag:s0] =	ssyncadd.s32 @!p0 s1  }
0xd1: {  	[bflag:$0x3] =	sbarrier.arrive $0xFFFF  }
0xd2: {  	_ =	shalt  }

// kernel: kernel.9.cloned.1.call-start
scs
__scs_entry_jumppad:
0x0: {  	(pc) =	sbr.rel $0x88, $3  }
0x1: {  	(tag) =	ssettag $0x0;
	lr =	simm.s32 $0x1  }
0x2: {  	[smem:$0x3F8E] =	sst lr;
	_ =	strace $0xD0000000  }
0x3: {  	_ = 	snop  }
0x4: {  	_ = 	snop  }
0x5: {  	_ = 	snop  }
0x6: {  	_ = 	snop  }
0x7: {  	_ = 	snop  }
__scs_overlays_trampoline_lowered:
0x8: {  	[smem:$0x3F9D] =	sst s0  }
0x9: {  	[smem:$0x3F9E] =	sst s1  }
0xa: {  	[smem:$0x3F9F] =	sst s2  }
0xb: {  	[smem:$0x3FA0] =	sst s3  }
0xc: {  	[smem:$0x3FA1] =	sst s4  }
0xd: {  	[smem:$0x3FA2] =	sst s5  }
0xe: {  	[smem:$0x3FA3] =	sst s6  }
0xf: {  	[smem:$0x3FA4] =	sst s7  }
0x10: {  	[smem:$0x3FA5] =	sst s8  }
0x11: {  	[smem:$0x3FA6] =	sst s9;
	s0 =	simm.s32 @!p0 $0x0  }
0x12: {  	s1 =	sld [smem:$0x3F8C];
	s0 =	simm.s32 @p0 $0x1  }
0x13: {  	[smem:$0x3FA7] =	sst s0;
	s0 =	simm.s32 @!p1 $0x0  }
0x14: {  	s2 =	sld [smem:$0x3F8B];
	s0 =	simm.s32 @p1 $0x1  }
0x15: {  	[smem:$0x3FA8] =	sst s0;
	s0 =	simm.s32 @!p2 $0x0  }
0x16: {  	s3 =	sld [smem:$0x3FDB];
	s0 =	simm.s32 @p2 $0x1  }
0x17: {  	s4 =	simm.s32 $0x1BF5;
	[smem:$0x3FAA] =	sst s0  }
0x18: {  	s0 =	sld [smem:$0x3F8D];
	_ =	swait.ge [sflag:s4], $0x0  }
0x19: {  	s7 =	sld [smem:$0x3F8E]  }
0x1a: {  	s8 =	sadd.s32 $0xFFFFE003, lr  }
0x1b: {  	s9 =	sadd.s32 $0xFFFFFEF7, lr;
	s5 =	simm.s32 $0xFFFFFFFF;
	p2 =	slt.u32 s8, $0xFFFFF086  }
0x1c: {  	p1 =	slt.u32 s9, $0xF7A;
	s5 =	simm.s32 @!p2 $0x0  }
0x1d: {  	s5 =	simm.s32 @p1 $0x1;
	p0 =	seq.s32 s7, s2  }
0x1e: {  	s7 =	smul.u32 @!p0 $0xF7A, s2;
	p2 =	seq.s32 @!p0 s5, $0x0  }
0x1f: {  	s9 =	smul.u32 $0xF7A, s1;
	s8 =	simm.s32 @!p0 $0x1BF5;
	p2 =	por !p2, p0  }
0x20: {  	[sflag:s8] =	ssyncset.s32 @!p0 $0xFFFFF086;
	s6 =	sadd.s32 @!p0 s3, s7;
	s7 =	simm.s32 @!p0 $0x108  }
0x21: {  	s3 =	sadd.s32 s3, s9;
	s6 =	sadd.s32 @!p0 $0x88, s6;
	s7 =	simm.s32 @p2 $0x1082  }
0x22: {  	[simem:s7], [sflag:s8] =	dma.local @!p0 [hbm:s6], $0xF7A  }
0x23: {  	s9 =	sor.u32 $0xD0000000, s2;
	s6 =	simm.s32 $0x108;
	_ =	swait.ge @!p0 [sflag:s8], $0x0  }
0x24: {  	s3 =	sadd.s32 $0x88, s3;
	s6 =	simm.s32 @!p1 $0x1082;
	[sflag:s4] =	ssyncset.s32 $0xFFFFF086  }
0x25: {  	[simem:s6], [sflag:s4] =	dma.local [hbm:s3], $0xF7A  }
0x26: {  	[smem:$0x3F8E] =	sst s1;
	(tag) =	ssettag s2;
	_ =	strace s9  }
0x27: {  	s1 =	sld [smem:$0x3F9E]  }
0x28: {  	s2 =	sld [smem:$0x3F9F]  }
0x29: {  	s4 =	sld [smem:$0x3FA1]  }
0x2a: {  	p0 =	seq.s32 s5, $0x0;
	s5 =	sld [smem:$0x3FA2]  }
0x2b: {  	s6 =	sld [smem:$0x3FA3]  }
0x2c: {  	s7 =	sld [smem:$0x3FA4]  }
0x2d: {  	s3 =	simm.s32 $0x108;
	s8 =	sld [smem:$0x3FA5]  }
0x2e: {  	s3 =	simm.s32 @!p0 $0x1082;
	s9 =	sld [smem:$0x3FA6]  }
0x2f: {  	lr =	sadd.s32 s0, s3;
	s0 =	sld [smem:$0x3F9D]  }
0x30: {  	s3 =	sld [smem:$0x3FA0]  }
0x31: {  	[smem:$0x3FA9] =	sst s10  }
0x32: {  	s10 =	sld [smem:$0x3FA7];
	_ =	sdelay $0x3  }
0x33: {  	p0 =	seq.s32 s10, $0x1;
	s10 =	sld [smem:$0x3FA9];
	_ =	sdelay $0x3  }
0x34: {  	[smem:$0x3FA9] =	sst s10  }
0x35: {  	s10 =	sld [smem:$0x3FA8];
	_ =	sdelay $0x3  }
0x36: {  	p1 =	seq.s32 s10, $0x1;
	s10 =	sld [smem:$0x3FA9];
	_ =	sdelay $0x3  }
0x37: {  	[smem:$0x3FA9] =	sst s10  }
0x38: {  	s10 =	sld [smem:$0x3FAA]  }
0x39: {  	_ = 	snop;
	(pc) =	sbr.ind lr, $3  }
0x3a: {  	_ = 	snop  }
0x3b: {  	_ = 	snop  }
0x3c: {  	p2 =	seq.s32 s10, $0x1;
	s10 =	sld [smem:$0x3FA9]  }
0x3d: {  	_ =	shalt  }
0x3e: {  	_ =	shalt  }
0x3f: {  	_ =	shalt  }
0x40: {  	_ =	shalt  }
0x41: {  	_ =	shalt  }
0x42: {  	_ =	shalt  }
0x43: {  	_ =	shalt  }
0x44: {  	_ =	shalt  }
0x45: {  	_ =	shalt  }
0x46: {  	_ =	shalt  }
0x47: {  	_ =	shalt  }
0x48: {  	_ =	shalt  }
0x49: {  	_ =	shalt  }
0x4a: {  	_ =	shalt  }
0x4b: {  	_ =	shalt  }
0x4c: {  	_ =	shalt  }
0x4d: {  	_ =	shalt  }
0x4e: {  	_ =	shalt  }
0x4f: {  	_ =	shalt  }
0x50: {  	_ =	shalt  }
0x51: {  	_ =	shalt  }
0x52: {  	_ =	shalt  }
0x53: {  	_ =	shalt  }
0x54: {  	_ =	shalt  }
0x55: {  	_ =	shalt  }
0x56: {  	_ =	shalt  }
0x57: {  	_ =	shalt  }
0x58: {  	_ =	shalt  }
0x59: {  	_ =	shalt  }
0x5a: {  	_ =	shalt  }
0x5b: {  	_ =	shalt  }
0x5c: {  	_ =	shalt  }
0x5d: {  	_ =	shalt  }
0x5e: {  	_ =	shalt  }
0x5f: {  	_ =	shalt  }
0x60: {  	_ =	shalt  }
0x61: {  	_ =	shalt  }
0x62: {  	_ =	shalt  }
0x63: {  	_ =	shalt  }
0x64: {  	_ =	shalt  }
0x65: {  	_ =	shalt  }
0x66: {  	_ =	shalt  }
0x67: {  	_ =	shalt  }
0x68: {  	_ =	shalt  }
0x69: {  	_ =	shalt  }
0x6a: {  	_ =	shalt  }
0x6b: {  	_ =	shalt  }
0x6c: {  	_ =	shalt  }
0x6d: {  	_ =	shalt  }
0x6e: {  	_ =	shalt  }
0x6f: {  	_ =	shalt  }
0x70: {  	_ =	shalt  }
0x71: {  	_ =	shalt  }
0x72: {  	_ =	shalt  }
0x73: {  	_ =	shalt  }
0x74: {  	_ =	shalt  }
0x75: {  	_ =	shalt  }
0x76: {  	_ =	shalt  }
0x77: {  	_ =	shalt  }
0x78: {  	_ =	shalt  }
0x79: {  	_ =	shalt  }
0x7a: {  	_ =	shalt  }
0x7b: {  	_ =	shalt  }
0x7c: {  	_ =	shalt  }
0x7d: {  	_ =	shalt  }
0x7e: {  	_ =	shalt  }
0x7f: {  	_ =	shalt  }
0x80: {  	_ =	shalt  }
0x81: {  	_ =	shalt  }
0x82: {  	_ =	shalt  }
0x83: {  	_ =	shalt  }
0x84: {  	_ =	shalt  }
0x85: {  	_ =	shalt  }
0x86: {  	_ =	shalt  }
0x87: {  	_ =	shalt  }
.Lfunc_end0:
.L_simem_size_0:
called_computation.1_lowered:
.L_overlay_start_0:
0x88: {  	s2 =	sld [smem:$0x3FD9]  }
0x89: {  	s3 =	sld [smem:$0x3FFE];
	_ =	sdelay $0x1  }
0x8a: {  	s1 =	srdreg.scid  }
0x8b: {  	s0 =	sand.u32 $0x1, s1  }
0x8c: {  	s16 =	sshll.u32 s0, $0xA;
	s2 =	sadd.s32 s3, s2  }
0x8d: {  	s2 =	sadd.s32 s2, s16  }
0x8e: {  	[smem:$0x3FB5] =	sst s2  }
0x8f: {  	_ = 	snop  }
0x90: {  	(tm) =	ssettm $0x1  }
0x91: {  	s17 =	sld [smem:$0x3FFB];
	_ =	sdelay $0x3  }
0x92: {  	_ =	strace s17  }
0x93: {  	s2 =	sld [smem:$0x3FFC];
	_ =	sdelay $0x3  }
0x94: {  	_ =	strace s2  }
0x95: {  	s2 =	sld [smem:$0x3FFD];
	_ =	sdelay $0x3  }
0x96: {  	_ =	strace s2  }
0x97: {  	_ =	strace $0x8FFFFFFF  }
0x98: {  	s18 =	sld [smem:$0x3FDB];
	_ =	sdelay $0x1  }
0x99: {  	s19 =	simm.s32 $_scs_section_size  }
0x9a: {  	s4 =	simm.s32 $_size__tile_overlayer_lowered;
	s5 =	simm.s32 $_tile_overlayer_lowered  }
0x9b: {  	s22 =	simm.s32 $0x1BFF;
	s21 =	sshll.u32 s5, $0x1;
	s2 =	sadd.s32 s19, s18  }
0x9c: {  	s6 =	simm.s32 $0x0;
	s20 =	sshll.u32 s4, $0x1;
	s4 =	sadd.s32 s21, s2  }
0x9d: {  	[timem:s6], [sflag:s22] =	dma.local [hbm:s4], s20  }
0x9e: {  	_ =	swait.ge [sflag:s22], s20  }
0x9f: {  	s3 =	ssub.s32 $0x0, s20;
	[sflag:s22] =	ssyncset.done $0x0  }
0xa0: {  	[sflag:s22] =	ssyncadd.s32 s3;
	_ =	sdelay $0x1  }
0xa1: {  	s23 =	simm.s32 $0x1B8B  }
0xa2: {  	_ =	swait.ge [sflag:s23], $0x1  }
0xa3: {  	[sflag:s23] =	ssyncset.done $0x0  }
0xa4: {  	s25 =	simm.s32 $0x1B8E;
	s24 =	sld [smem:$0x3FFE];
	[sflag:s23] =	ssyncadd.s32 $0xFFFFFFFF  }
0xa5: {  	s26 =	simm.s32 $execute0_lowered;
	[smem:$0x3FD2] =	sst s25  }
0xa6: {  	s4 =	sshll.u32 s26, $0x1;
	_ =	strace $0x80000049;
	[dreg:$0x1] =	wrdreg $0xFFFFFFFF  }
0xa7: {  	s28 =	simm.s32 $_size_execute0_lowered;
	s2 =	sadd.s32 s2, s4;
	[dreg:$0x0] =	wrdreg $0x0  }
0xa8: {  	s4 =	sshll.u32 s28, $0x1;
	[dreg:$0x2] =	wrdreg s2  }
0xa9: {  	[dreg:$0x3] =	wrdreg s4  }
0xaa: {  	[dreg:$0x4] =	wrdreg $0xC0  }
0xab: {  	_ =	task [dreg:s6], $0x5FFFF  }
0xac: {  	[dreg:$0x1] =	wrdreg $0xFFFFFFFF  }
0xad: {  	[dreg:$0x0] =	wrdreg $0x60  }
0xae: {  	[dreg:$0x2] =	wrdreg s24  }
0xaf: {  	[dreg:$0x3] =	wrdreg $0x82000  }
0xb0: {  	[dreg:$0x4] =	wrdreg $0x9  }
0xb1: {  	_ =	task.clear_ibuf [dreg:s6], $0x5FFFF;
	_ =	strace $0x90000049  }
0xb2: {  	s29 =	simm.s32 $0x9;
	_ =	strace $0x8000004B  }
0xb3: {  	_ =	swait.ge [sflag:s29], $0x1  }
0xb4: {  	[sflag:s29] =	ssyncadd.s32 $0xFFFFFFFF  }
0xb5: {  	_ =	strace $0x9000004B  }
0xb6: {  	_ =	sfence  }
0xb7: {  	s30 =	sld [smem:$0x0];
	_ =	sdelay $0x2  }
0xb8: {  	s31 =	sshll.u32 s1, $0xD;
	s1 =	sshrl.u32 s1, $0x2  }
0xb9: {  	s3 =	sand.u32 $0x4000, s31;
	s1 =	sadd.s32 s1, s30  }
0xba: {  	s0 =	sor.u32 s3, s0;
	s1 =	sshll.u32 s1, $0x11  }
0xbb: {  	s0 =	sor.u32 s1, s0  }
0xbc: {  	s0 =	sadd.s32 $0x8F2B, s0  }
0xbd: {  	[sflag:s0] =	ssyncadd.remote.s32 $0x1  }
0xbe: {  	_ =	sfence.sel $0xFFFF  }
0xbf: {  	[dreg:$0x0] =	wrdreg $0xFFFFFFFF;
	(pc) =	sbr.abs _section_cstart, $3  }
0xc0: {  	[dreg:$0x1] =	wrdreg $0xFFFFFFFF  }
0xc1: {  	_ =	task.clear_ibuf [dreg:s6], $0x2FFFF;
	_ =	strace $0x9FFFFFFF  }
0xc2: {  	(tm) =	ssettm $0x7FFFFFFF  }
0xc3: {  	_ =	shalt  }
tec
execute0_lowered:
.L_overlay_start_1:
0x0: {  	(tag) =	ssettag $0x1  }
0x1: {  	s0 =	rddreg [dreg:$0x0]  }
0x2: {  	s1 =	rddreg [dreg:$0x1];
	s2 =	simm.s32 $0x0  }
0x3: {  	s8 =	stileid.u32;
	s9 =	srdreg.scid;
	s28 =	simm.s32 $0x6  }
0x4: {  	s29 =	simm.s32 $0x4200;
	s30 =	simm.s32 $0x1;
	s31 =	simm.s32 $0x3  }
0x5: {  	[smem:$0x7FF] =	sst s2;
	s3 =	sadd.s32 $0x41800, s0;
	s5 =	sadd.s32 $0x17B800, s0  }
0x6: {  	s6 =	sadd.s32 $0x68A00, s0;
	s7 =	sadd.s32 $0xB8200, s0;
	s13 =	smul.u32 $0x2780, s8  }
0x7: {  	s4 =	sadd.s32 $0x6000, s0;
	s10 =	sadd.s32 $0x10000, s0;
	s12 =	smul.u32 $0x4F000, s8  }
0x8: {  	s9 =	sand.u32 $0x1, s9;
	s11 =	sadd.s32 $0x1CA200, s0;
	s14 =	smul.u32 $0xA00, s8  }
0x9: {  	s26 =	sshll.u32 s8, $0x6;
	_ =	strace $0x8000004A;
	[dreg:$0x4] =	wrdreg s11  }
0xa: {  	s20 =	ssub.s32 $0x2, s9;
	p0 =	seq.s32 s9, $0x1;
	s19 =	sor.u32 $0x1C07, s26  }
0xb: {  	s26 =	simm.s32 $0x180;
	s9 =	simm.s32 $0x0;
	[dreg:$0x3] =	wrdreg s13  }
0xc: {  	s17 =	sadd.s32 s13, s0;
	s0 =	sadd.s32 $0x219200, s0;
	s21 =	sshrl.u32 s20, $0x1  }
0xd: {  	s22 =	sshrl.u32 s12, $0x2;
	s12 =	sadd.s32 s10, s14;
	s13 =	sadd.s32 s4, s14  }
0xe: {  	s15 =	sor.u32 $0x10, s14;
	[dreg:$0x5] =	wrdreg s0;
	s0 =	ssub.s32 s20, s21  }
0xf: {  	s23 =	sadd.s32 s22, s1;
	s11 =	sadd.s32 $0x1A000, s17;
	s14 =	sadd.s32 s10, s15  }
.Ltmp0:
0x10: {  	s15 =	sadd.s32 s4, s15;
	s24 =	sadd.s32 $0x1A2A00, s17;
	(pc) =	sbr.rel .LBB2_1-.Ltmp0, $4  }
0x11: {  	s25 =	sadd.s32 $0x1F1A00, s17;
	s21 =	simm.s32 $0x7;
	[dreg:$0x6] =	wrdreg s24  }
0x12: {  	s22 =	simm.s32 $0x100;
	s4 =	simm.s32 $0x4;
	[dreg:$0x7] =	wrdreg s25  }
0x13: {  	s18 =	smax.u32 s0, $0x1;
	s20 =	sshrl.u32 s23, $0x3;
	s23 =	simm.s32 $0x5  }
0x14: {  	s24 =	simm.s32 $0x80;
	s25 =	simm.s32 $0x200;
	s0 =	simm.s32 $0x2  }
.LBB2_11:
0x15: {  	[tilespmem:s29], [sflag:$0x2] =	stream.indirect.gather [hbm4b:s7+s24], $0x80, s24, s24, $0xb8;
	[tilespmem:$0x1BE00] =	vst v63  }
0x16: {  	s10 =	rddreg [dreg:$0x5]  }
.LBB2_12:
0x17: {  	_ =	swait.ge [sflag:s30], $0x4000  }
0x18: {  	[sflag:s30] =	ssyncset.done $0x0  }
0x19: {  	[sflag:s30] =	ssyncadd.s32 $0xFFFFC000  }
0x1a: {  	[spmem:s1] =	stream.indirect.scatter.add.f32 [tilespmem:s25], [sflag:$0x3], $0x80, s22, s24, $0xb8;
	[tilespmem:$0x1BE00] =	vst v63  }
0x1b: {  	_ =	swait.ge [sflag:s31], $0x4000  }
0x1c: {  	[sflag:s31] =	ssyncset.done $0x0  }
0x1d: {  	[sflag:s31] =	ssyncadd.s32 $0xFFFFC000  }
0x1e: {  	_ =	swait.ge [sflag:s0], $0x4000  }
0x1f: {  	[sflag:s0] =	ssyncset.done $0x0  }
0x20: {  	[sflag:s0] =	ssyncadd.s32 $0xFFFFC000  }
0x21: {  	[spmem:s1] =	stream.indirect.scatter.add.f32 [tilespmem:s29], [sflag:$0x4], $0x80, s26, s24, $0xb8;
	[tilespmem:$0x1BE00] =	vst v63  }
0x22: {  	_ =	swait.ge [sflag:s4], $0x4000  }
0x23: {  	[sflag:s4] =	ssyncset.done $0x0  }
0x24: {  	s9 =	sadd.s32 $0x1, s9;
	s8 =	rddreg [dreg:$0x3];
	[sflag:s4] =	ssyncadd.s32 $0xFFFFC000  }
0x25: {  	p1 =	sne.s32 s9, s18;
	s8 =	sadd.s32 s10, s8;
	[bflag:$0x0] =	sbarrier.arrive $0xFFFF  }
0x26: {  	[hbm:s8], [sflag:s19] =	dma.local [spmem:s20], $0x2780  }
.Ltmp1:
0x27: {  	_ =	swait.ge [sflag:s21], $0x2780;
	(pc) =	sbr.rel @!p1 .LBB2_13-.Ltmp1, $3  }
0x28: {  	[sflag:s21] =	ssyncset.done $0x0  }
0x29: {  	[sflag:s21] =	ssyncadd.s32 $0xFFFFD880  }
0x2a: {  	[bflag:$0x0] =	sbarrier.arrive $0xFFFF;
	_ =	sdelay $0x1  }
.LBB2_1:
0x2b: {  	[spmem:s20], [sflag:s19] =	dma.local [hbm:s11], $0x2780  }
0x2c: {  	_ =	swait.ge [sflag:s21], $0x2780  }
0x2d: {  	[sflag:s21] =	ssyncset.done $0x0  }
0x2e: {  	[sflag:s21] =	ssyncadd.s32 $0xFFFFD880  }
0x2f: {  	[bflag:$0x0] =	sbarrier.arrive $0xFFFF  }
0x30: {  	[tilespmem:s22], [sflag:$0x5] =	stream.linear.gather [hbm4b:s12+s2], $0x80, $0x38;
	[tilespmem:$0x1BE00] =	vst v63  }
0x31: {  	_ = 	snop  }
0x32: {  	[tilespmem:s2], [sflag:$0x5] =	stream.linear.gather [hbm4b:s13+s2], $0x80, $0x38;
	[tilespmem:$0x1BE00] =	vst v63  }
0x33: {  	_ =	swait.ge [sflag:s23], $0x80  }
.Ltmp2:
0x34: {  	[sflag:s23] =	ssyncset.done $0x0;
	(pc) =	sbr.rel @!p0 .LBB2_2-.Ltmp2, $4  }
0x35: {  	[sflag:s23] =	ssyncadd.s32 $0xFFFFFF80  }
0x36: {  	_ =	swait.ge [sflag:s23], $0x80  }
0x37: {  	[sflag:s23] =	ssyncset.done $0x0  }
0x38: {  	[sflag:s23] =	ssyncadd.s32 $0xFFFFFF80  }
0x39: {  	[tilespmem:s25], [sflag:$0x1] =	stream.indirect.gather [hbm4b:s6+s24], $0x80, s2, s24, $0xb8;
	[tilespmem:$0x1BE00] =	vst v63  }
0x3a: {  	_ = 	snop  }
0x3b: {  	[tilespmem:s26], [sflag:$0x6] =	stream.linear.gather [hbm4b:s14+s2], $0x80, $0x38;
	[tilespmem:$0x1BE00] =	vst v63  }
0x3c: {  	_ = 	snop  }
0x3d: {  	[tilespmem:s24], [sflag:$0x6] =	stream.linear.gather [hbm4b:s15+s2], $0x80, $0x38;
	[tilespmem:$0x1BE00] =	vst v63  }
0x3e: {  	_ =	swait.ge [sflag:s28], $0x80  }
0x3f: {  	[sflag:s28] =	ssyncset.done $0x0  }
0x40: {  	[sflag:s28] =	ssyncadd.s32 $0xFFFFFF80  }
0x41: {  	_ =	swait.ge [sflag:s28], $0x80  }
0x42: {  	[sflag:s28] =	ssyncset.done $0x0  }
0x43: {  	[sflag:s28] =	ssyncadd.s32 $0xFFFFFF80  }
0x44: {  	[tilespmem:s29], [sflag:$0x2] =	stream.indirect.gather [hbm4b:s6+s24], $0x80, s24, s24, $0xb8;
	[tilespmem:$0x1BE00] =	vst v63  }
0x45: {  	_ =	swait.ge [sflag:s30], $0x4000  }
0x46: {  	[sflag:s30] =	ssyncset.done $0x0  }
0x47: {  	[sflag:s30] =	ssyncadd.s32 $0xFFFFC000  }
0x48: {  	[spmem:s1] =	stream.indirect.scatter.add.f32 [tilespmem:s25], [sflag:$0x3], $0x80, s22, s24, $0xb8;
	[tilespmem:$0x1BE00] =	vst v63  }
0x49: {  	_ =	swait.ge [sflag:s31], $0x4000  }
0x4a: {  	s8 =	sadd.s32 $0xFFFFF620, s12;
	[sflag:s31] =	ssyncset.done $0x0  }
0x4b: {  	s16 =	sadd.s32 $0xFFFFF620, s13;
	s10 =	sadd.s32 $0xA00, s8;
	[sflag:s31] =	ssyncadd.s32 $0xFFFFC000  }
0x4c: {  	[tilespmem:s22], [sflag:$0x5] =	stream.linear.gather [hbm4b:s10+s2], $0x80, $0x38;
	[tilespmem:$0x1BE00] =	vst v63  }
0x4d: {  	s17 =	sadd.s32 $0xA00, s16  }
0x4e: {  	[tilespmem:s2], [sflag:$0x5] =	stream.linear.gather [hbm4b:s17+s2], $0x80, $0x38;
	[tilespmem:$0x1BE00] =	vst v63  }
0x4f: {  	_ =	swait.ge [sflag:s23], $0x80  }
0x50: {  	[sflag:s23] =	ssyncset.done $0x0  }
0x51: {  	[sflag:s23] =	ssyncadd.s32 $0xFFFFFF80  }
0x52: {  	_ =	swait.ge [sflag:s23], $0x80  }
0x53: {  	[sflag:s23] =	ssyncset.done $0x0  }
0x54: {  	[sflag:s23] =	ssyncadd.s32 $0xFFFFFF80  }
0x55: {  	[tilespmem:s25], [sflag:$0x1] =	stream.indirect.gather [hbm4b:s6+s24], $0x80, s2, s24, $0xb8;
	[tilespmem:$0x1BE00] =	vst v63  }
0x56: {  	_ =	swait.ge [sflag:s0], $0x4000  }
0x57: {  	[sflag:s0] =	ssyncset.done $0x0  }
0x58: {  	[sflag:s0] =	ssyncadd.s32 $0xFFFFC000  }
0x59: {  	[spmem:s1] =	stream.indirect.scatter.add.f32 [tilespmem:s29], [sflag:$0x4], $0x80, s26, s24, $0xb8;
	[tilespmem:$0x1BE00] =	vst v63  }
0x5a: {  	_ =	swait.ge [sflag:s4], $0x4000  }
0x5b: {  	[sflag:s4] =	ssyncset.done $0x0  }
0x5c: {  	s8 =	sadd.s32 $0xA10, s8;
	[sflag:s4] =	ssyncadd.s32 $0xFFFFC000  }
0x5d: {  	[tilespmem:s26], [sflag:$0x6] =	stream.linear.gather [hbm4b:s8+s2], $0x80, $0x38;
	[tilespmem:$0x1BE00] =	vst v63  }
0x5e: {  	s17 =	sadd.s32 $0xA10, s16  }
0x5f: {  	[tilespmem:s24], [sflag:$0x6] =	stream.linear.gather [hbm4b:s17+s2], $0x80, $0x38;
	[tilespmem:$0x1BE00] =	vst v63  }
0x60: {  	_ =	swait.ge [sflag:s28], $0x80  }
0x61: {  	[sflag:s28] =	ssyncset.done $0x0  }
0x62: {  	[sflag:s28] =	ssyncadd.s32 $0xFFFFFF80  }
0x63: {  	_ =	swait.ge [sflag:s28], $0x80  }
0x64: {  	[sflag:s28] =	ssyncset.done $0x0  }
0x65: {  	s10 =	simm.s32 $0xFFFFF640;
	[sflag:s28] =	ssyncadd.s32 $0xFFFFFF80  }
.LBB2_8:
0x66: {  	[tilespmem:s29], [sflag:$0x2] =	stream.indirect.gather [hbm4b:s6+s24], $0x80, s24, s24, $0xb8;
	[tilespmem:$0x1BE00] =	vst v63  }
0x67: {  	s8 =	smov.u32 s10  }
0x68: {  	p1 =	sne.s32 s10, $0xFFFFFFE0;
	s10 =	sadd.s32 $0x20, s10;
	_ =	swait.ge [sflag:s30], $0x4000  }
0x69: {  	[sflag:s30] =	ssyncset.done $0x0  }
0x6a: {  	[sflag:s30] =	ssyncadd.s32 $0xFFFFC000  }
0x6b: {  	[spmem:s1] =	stream.indirect.scatter.add.f32 [tilespmem:s25], [sflag:$0x3], $0x80, s22, s24, $0xb8;
	[tilespmem:$0x1BE00] =	vst v63  }
0x6c: {  	_ =	swait.ge [sflag:s31], $0x4000  }
0x6d: {  	s16 =	sadd.s32 s8, s12;
	[sflag:s31] =	ssyncset.done $0x0  }
0x6e: {  	s8 =	sadd.s32 s8, s13;
	s17 =	sadd.s32 $0xA00, s16;
	[sflag:s31] =	ssyncadd.s32 $0xFFFFC000  }
0x6f: {  	[tilespmem:s22], [sflag:$0x5] =	stream.linear.gather [hbm4b:s17+s2], $0x80, $0x38;
	[tilespmem:$0x1BE00] =	vst v63  }
0x70: {  	s17 =	sadd.s32 $0xA00, s8  }
0x71: {  	[tilespmem:s2], [sflag:$0x5] =	stream.linear.gather [hbm4b:s17+s2], $0x80, $0x38;
	[tilespmem:$0x1BE00] =	vst v63  }
0x72: {  	_ =	swait.ge [sflag:s23], $0x80  }
0x73: {  	[sflag:s23] =	ssyncset.done $0x0  }
0x74: {  	[sflag:s23] =	ssyncadd.s32 $0xFFFFFF80  }
0x75: {  	_ =	swait.ge [sflag:s23], $0x80  }
0x76: {  	[sflag:s23] =	ssyncset.done $0x0  }
0x77: {  	[sflag:s23] =	ssyncadd.s32 $0xFFFFFF80  }
0x78: {  	[tilespmem:s25], [sflag:$0x1] =	stream.indirect.gather [hbm4b:s6+s24], $0x80, s2, s24, $0xb8;
	[tilespmem:$0x1BE00] =	vst v63  }
0x79: {  	_ =	swait.ge [sflag:s0], $0x4000  }
0x7a: {  	[sflag:s0] =	ssyncset.done $0x0  }
0x7b: {  	[sflag:s0] =	ssyncadd.s32 $0xFFFFC000  }
0x7c: {  	[spmem:s1] =	stream.indirect.scatter.add.f32 [tilespmem:s29], [sflag:$0x4], $0x80, s26, s24, $0xb8;
	[tilespmem:$0x1BE00] =	vst v63  }
0x7d: {  	_ =	swait.ge [sflag:s4], $0x4000  }
0x7e: {  	[sflag:s4] =	ssyncset.done $0x0  }
0x7f: {  	s16 =	sadd.s32 $0xA10, s16;
	[sflag:s4] =	ssyncadd.s32 $0xFFFFC000  }
0x80: {  	[tilespmem:s26], [sflag:$0x6] =	stream.linear.gather [hbm4b:s16+s2], $0x80, $0x38;
	[tilespmem:$0x1BE00] =	vst v63  }
0x81: {  	s8 =	sadd.s32 $0xA10, s8  }
0x82: {  	[tilespmem:s24], [sflag:$0x6] =	stream.linear.gather [hbm4b:s8+s2], $0x80, $0x38;
	[tilespmem:$0x1BE00] =	vst v63  }
0x83: {  	_ =	swait.ge [sflag:s28], $0x80  }
.Ltmp3:
0x84: {  	[sflag:s28] =	ssyncset.done $0x0;
	(pc) =	sbr.rel @p1 .LBB2_8-.Ltmp3, $4  }
0x85: {  	[sflag:s28] =	ssyncadd.s32 $0xFFFFFF80  }
0x86: {  	_ =	swait.ge [sflag:s28], $0x80  }
0x87: {  	[sflag:s28] =	ssyncset.done $0x0  }
0x88: {  	[sflag:s28] =	ssyncadd.s32 $0xFFFFFF80  }
0x89: {  	[tilespmem:s29], [sflag:$0x2] =	stream.indirect.gather [hbm4b:s6+s24], $0x80, s24, s24, $0xb8;
	[tilespmem:$0x1BE00] =	vst v63  }
0x8a: {  	_ =	swait.ge [sflag:s30], $0x4000  }
0x8b: {  	[sflag:s30] =	ssyncset.done $0x0  }
0x8c: {  	[sflag:s30] =	ssyncadd.s32 $0xFFFFC000  }
0x8d: {  	[spmem:s1] =	stream.indirect.scatter.add.f32 [tilespmem:s25], [sflag:$0x3], $0x80, s22, s24, $0xb8;
	[tilespmem:$0x1BE00] =	vst v63  }
0x8e: {  	_ =	swait.ge [sflag:s31], $0x4000  }
0x8f: {  	[sflag:s31] =	ssyncset.done $0x0  }
0x90: {  	[sflag:s31] =	ssyncadd.s32 $0xFFFFC000  }
0x91: {  	_ =	swait.ge [sflag:s0], $0x4000  }
0x92: {  	[sflag:s0] =	ssyncset.done $0x0  }
0x93: {  	[sflag:s0] =	ssyncadd.s32 $0xFFFFC000  }
0x94: {  	[spmem:s1] =	stream.indirect.scatter.add.f32 [tilespmem:s29], [sflag:$0x4], $0x80, s26, s24, $0xb8;
	[tilespmem:$0x1BE00] =	vst v63  }
0x95: {  	_ =	swait.ge [sflag:s4], $0x4000  }
0x96: {  	[sflag:s4] =	ssyncset.done $0x0  }
0x97: {  	[sflag:s4] =	ssyncadd.s32 $0xFFFFC000  }
0x98: {  	[bflag:$0x0] =	sbarrier.arrive $0xFFFF  }
0x99: {  	s8 =	rddreg [dreg:$0x7]  }
0x9a: {  	[hbm:s8], [sflag:s19] =	dma.local [spmem:s20], $0x2780  }
0x9b: {  	_ =	swait.ge [sflag:s21], $0x2780  }
0x9c: {  	[sflag:s21] =	ssyncset.done $0x0  }
0x9d: {  	[sflag:s21] =	ssyncadd.s32 $0xFFFFD880  }
0x9e: {  	[bflag:$0x0] =	sbarrier.arrive $0xFFFF  }
0x9f: {  	[spmem:s20], [sflag:s19] =	dma.local [hbm:s11], $0x2780  }
0xa0: {  	_ =	swait.ge [sflag:s21], $0x2780  }
0xa1: {  	[sflag:s21] =	ssyncset.done $0x0  }
0xa2: {  	[sflag:s21] =	ssyncadd.s32 $0xFFFFD880  }
0xa3: {  	[bflag:$0x0] =	sbarrier.arrive $0xFFFF  }
0xa4: {  	[tilespmem:s22], [sflag:$0x5] =	stream.linear.gather [hbm4b:s12+s2], $0x80, $0x38;
	[tilespmem:$0x1BE00] =	vst v63  }
0xa5: {  	_ = 	snop  }
0xa6: {  	[tilespmem:s2], [sflag:$0x5] =	stream.linear.gather [hbm4b:s13+s2], $0x80, $0x38;
	[tilespmem:$0x1BE00] =	vst v63  }
0xa7: {  	_ =	swait.ge [sflag:s23], $0x80  }
0xa8: {  	[sflag:s23] =	ssyncset.done $0x0  }
0xa9: {  	[sflag:s23] =	ssyncadd.s32 $0xFFFFFF80  }
0xaa: {  	_ =	swait.ge [sflag:s23], $0x80  }
0xab: {  	[sflag:s23] =	ssyncset.done $0x0  }
0xac: {  	[sflag:s23] =	ssyncadd.s32 $0xFFFFFF80  }
0xad: {  	[tilespmem:s25], [sflag:$0x1] =	stream.indirect.gather [hbm4b:s7+s24], $0x80, s2, s24, $0xb8;
	[tilespmem:$0x1BE00] =	vst v63  }
0xae: {  	_ = 	snop  }
0xaf: {  	[tilespmem:s26], [sflag:$0x6] =	stream.linear.gather [hbm4b:s14+s2], $0x80, $0x38;
	[tilespmem:$0x1BE00] =	vst v63  }
0xb0: {  	_ = 	snop  }
0xb1: {  	[tilespmem:s24], [sflag:$0x6] =	stream.linear.gather [hbm4b:s15+s2], $0x80, $0x38;
	[tilespmem:$0x1BE00] =	vst v63  }
0xb2: {  	_ =	swait.ge [sflag:s28], $0x80  }
0xb3: {  	[sflag:s28] =	ssyncset.done $0x0  }
0xb4: {  	[sflag:s28] =	ssyncadd.s32 $0xFFFFFF80  }
0xb5: {  	_ =	swait.ge [sflag:s28], $0x80  }
0xb6: {  	[sflag:s28] =	ssyncset.done $0x0  }
0xb7: {  	[sflag:s28] =	ssyncadd.s32 $0xFFFFFF80  }
0xb8: {  	[tilespmem:s29], [sflag:$0x2] =	stream.indirect.gather [hbm4b:s7+s24], $0x80, s24, s24, $0xb8;
	[tilespmem:$0x1BE00] =	vst v63  }
0xb9: {  	_ =	swait.ge [sflag:s30], $0x4000  }
0xba: {  	[sflag:s30] =	ssyncset.done $0x0  }
0xbb: {  	[sflag:s30] =	ssyncadd.s32 $0xFFFFC000  }
0xbc: {  	[spmem:s1] =	stream.indirect.scatter.add.f32 [tilespmem:s25], [sflag:$0x3], $0x80, s22, s24, $0xb8;
	[tilespmem:$0x1BE00] =	vst v63  }
0xbd: {  	_ =	swait.ge [sflag:s31], $0x4000  }
0xbe: {  	s8 =	sadd.s32 $0xFFFFF620, s12;
	[sflag:s31] =	ssyncset.done $0x0  }
0xbf: {  	s16 =	sadd.s32 $0xFFFFF620, s13;
	s10 =	sadd.s32 $0xA00, s8;
	[sflag:s31] =	ssyncadd.s32 $0xFFFFC000  }
0xc0: {  	[tilespmem:s22], [sflag:$0x5] =	stream.linear.gather [hbm4b:s10+s2], $0x80, $0x38;
	[tilespmem:$0x1BE00] =	vst v63  }
0xc1: {  	s17 =	sadd.s32 $0xA00, s16  }
0xc2: {  	[tilespmem:s2], [sflag:$0x5] =	stream.linear.gather [hbm4b:s17+s2], $0x80, $0x38;
	[tilespmem:$0x1BE00] =	vst v63  }
0xc3: {  	_ =	swait.ge [sflag:s23], $0x80  }
0xc4: {  	[sflag:s23] =	ssyncset.done $0x0  }
0xc5: {  	[sflag:s23] =	ssyncadd.s32 $0xFFFFFF80  }
0xc6: {  	_ =	swait.ge [sflag:s23], $0x80  }
0xc7: {  	[sflag:s23] =	ssyncset.done $0x0  }
0xc8: {  	[sflag:s23] =	ssyncadd.s32 $0xFFFFFF80  }
0xc9: {  	[tilespmem:s25], [sflag:$0x1] =	stream.indirect.gather [hbm4b:s7+s24], $0x80, s2, s24, $0xb8;
	[tilespmem:$0x1BE00] =	vst v63  }
0xca: {  	_ =	swait.ge [sflag:s0], $0x4000  }
0xcb: {  	[sflag:s0] =	ssyncset.done $0x0  }
0xcc: {  	[sflag:s0] =	ssyncadd.s32 $0xFFFFC000  }
0xcd: {  	[spmem:s1] =	stream.indirect.scatter.add.f32 [tilespmem:s29], [sflag:$0x4], $0x80, s26, s24, $0xb8;
	[tilespmem:$0x1BE00] =	vst v63  }
0xce: {  	_ =	swait.ge [sflag:s4], $0x4000  }
0xcf: {  	[sflag:s4] =	ssyncset.done $0x0  }
0xd0: {  	s8 =	sadd.s32 $0xA10, s8;
	[sflag:s4] =	ssyncadd.s32 $0xFFFFC000  }
0xd1: {  	[tilespmem:s26], [sflag:$0x6] =	stream.linear.gather [hbm4b:s8+s2], $0x80, $0x38;
	[tilespmem:$0x1BE00] =	vst v63  }
0xd2: {  	s17 =	sadd.s32 $0xA10, s16  }
0xd3: {  	[tilespmem:s24], [sflag:$0x6] =	stream.linear.gather [hbm4b:s17+s2], $0x80, $0x38;
	[tilespmem:$0x1BE00] =	vst v63  }
0xd4: {  	_ =	swait.ge [sflag:s28], $0x80  }
0xd5: {  	[sflag:s28] =	ssyncset.done $0x0  }
0xd6: {  	[sflag:s28] =	ssyncadd.s32 $0xFFFFFF80  }
0xd7: {  	_ =	swait.ge [sflag:s28], $0x80  }
0xd8: {  	[sflag:s28] =	ssyncset.done $0x0  }
0xd9: {  	s10 =	simm.s32 $0xFFFFF640;
	[sflag:s28] =	ssyncadd.s32 $0xFFFFFF80  }
.LBB2_10:
0xda: {  	[tilespmem:s29], [sflag:$0x2] =	stream.indirect.gather [hbm4b:s7+s24], $0x80, s24, s24, $0xb8;
	[tilespmem:$0x1BE00] =	vst v63  }
0xdb: {  	s8 =	smov.u32 s10  }
0xdc: {  	p1 =	sne.s32 s10, $0xFFFFFFE0;
	s10 =	sadd.s32 $0x20, s10;
	_ =	swait.ge [sflag:s30], $0x4000  }
0xdd: {  	[sflag:s30] =	ssyncset.done $0x0  }
0xde: {  	[sflag:s30] =	ssyncadd.s32 $0xFFFFC000  }
0xdf: {  	[spmem:s1] =	stream.indirect.scatter.add.f32 [tilespmem:s25], [sflag:$0x3], $0x80, s22, s24, $0xb8;
	[tilespmem:$0x1BE00] =	vst v63  }
0xe0: {  	_ =	swait.ge [sflag:s31], $0x4000  }
0xe1: {  	s16 =	sadd.s32 s8, s12;
	[sflag:s31] =	ssyncset.done $0x0  }
0xe2: {  	s8 =	sadd.s32 s8, s13;
	s17 =	sadd.s32 $0xA00, s16;
	[sflag:s31] =	ssyncadd.s32 $0xFFFFC000  }
0xe3: {  	[tilespmem:s22], [sflag:$0x5] =	stream.linear.gather [hbm4b:s17+s2], $0x80, $0x38;
	[tilespmem:$0x1BE00] =	vst v63  }
0xe4: {  	s17 =	sadd.s32 $0xA00, s8  }
0xe5: {  	[tilespmem:s2], [sflag:$0x5] =	stream.linear.gather [hbm4b:s17+s2], $0x80, $0x38;
	[tilespmem:$0x1BE00] =	vst v63  }
0xe6: {  	_ =	swait.ge [sflag:s23], $0x80  }
0xe7: {  	[sflag:s23] =	ssyncset.done $0x0  }
0xe8: {  	[sflag:s23] =	ssyncadd.s32 $0xFFFFFF80  }
0xe9: {  	_ =	swait.ge [sflag:s23], $0x80  }
0xea: {  	[sflag:s23] =	ssyncset.done $0x0  }
0xeb: {  	[sflag:s23] =	ssyncadd.s32 $0xFFFFFF80  }
0xec: {  	[tilespmem:s25], [sflag:$0x1] =	stream.indirect.gather [hbm4b:s7+s24], $0x80, s2, s24, $0xb8;
	[tilespmem:$0x1BE00] =	vst v63  }
0xed: {  	_ =	swait.ge [sflag:s0], $0x4000  }
0xee: {  	[sflag:s0] =	ssyncset.done $0x0  }
0xef: {  	[sflag:s0] =	ssyncadd.s32 $0xFFFFC000  }
0xf0: {  	[spmem:s1] =	stream.indirect.scatter.add.f32 [tilespmem:s29], [sflag:$0x4], $0x80, s26, s24, $0xb8;
	[tilespmem:$0x1BE00] =	vst v63  }
0xf1: {  	_ =	swait.ge [sflag:s4], $0x4000  }
0xf2: {  	[sflag:s4] =	ssyncset.done $0x0  }
0xf3: {  	s16 =	sadd.s32 $0xA10, s16;
	[sflag:s4] =	ssyncadd.s32 $0xFFFFC000  }
0xf4: {  	[tilespmem:s26], [sflag:$0x6] =	stream.linear.gather [hbm4b:s16+s2], $0x80, $0x38;
	[tilespmem:$0x1BE00] =	vst v63  }
0xf5: {  	s8 =	sadd.s32 $0xA10, s8  }
0xf6: {  	[tilespmem:s24], [sflag:$0x6] =	stream.linear.gather [hbm4b:s8+s2], $0x80, $0x38;
	[tilespmem:$0x1BE00] =	vst v63  }
0xf7: {  	_ =	swait.ge [sflag:s28], $0x80  }
.Ltmp4:
0xf8: {  	[sflag:s28] =	ssyncset.done $0x0;
	(pc) =	sbr.rel @p1 .LBB2_10-.Ltmp4, $4  }
0xf9: {  	[sflag:s28] =	ssyncadd.s32 $0xFFFFFF80  }
0xfa: {  	_ =	swait.ge [sflag:s28], $0x80  }
0xfb: {  	[sflag:s28] =	ssyncset.done $0x0  }
0xfc: {  	[sflag:s28] =	ssyncadd.s32 $0xFFFFFF80  }
.Ltmp5:
0xfd: {  	_ = 	snop;
	(pc) =	sbr.rel .LBB2_11-.Ltmp5, $1  }
0xfe: {  	_ =	sdelay $0x3  }
.LBB2_2:
0xff: {  	[tilespmem:s25], [sflag:$0x1] =	stream.indirect.gather [hbm4b:s3+s24], $0x80, s2, s24, $0xb8;
	[tilespmem:$0x1BE00] =	vst v63  }
0x100: {  	_ = 	snop  }
0x101: {  	[tilespmem:s26], [sflag:$0x6] =	stream.linear.gather [hbm4b:s14+s2], $0x80, $0x38;
	[tilespmem:$0x1BE00] =	vst v63  }
0x102: {  	_ = 	snop  }
0x103: {  	[tilespmem:s24], [sflag:$0x6] =	stream.linear.gather [hbm4b:s15+s2], $0x80, $0x38;
	[tilespmem:$0x1BE00] =	vst v63  }
0x104: {  	_ =	swait.ge [sflag:s28], $0x80  }
0x105: {  	[sflag:s28] =	ssyncset.done $0x0  }
0x106: {  	[sflag:s28] =	ssyncadd.s32 $0xFFFFFF80  }
0x107: {  	_ =	swait.ge [sflag:s28], $0x80  }
0x108: {  	[sflag:s28] =	ssyncset.done $0x0  }
0x109: {  	[sflag:s28] =	ssyncadd.s32 $0xFFFFFF80  }
0x10a: {  	[tilespmem:s29], [sflag:$0x2] =	stream.indirect.gather [hbm4b:s3+s24], $0x80, s24, s24, $0xb8;
	[tilespmem:$0x1BE00] =	vst v63  }
0x10b: {  	_ =	swait.ge [sflag:s30], $0x4000  }
0x10c: {  	[sflag:s30] =	ssyncset.done $0x0  }
0x10d: {  	[sflag:s30] =	ssyncadd.s32 $0xFFFFC000  }
0x10e: {  	[spmem:s1] =	stream.indirect.scatter.add.f32 [tilespmem:s25], [sflag:$0x3], $0x80, s22, s24, $0xb8;
	[tilespmem:$0x1BE00] =	vst v63  }
0x10f: {  	_ =	swait.ge [sflag:s31], $0x4000  }
0x110: {  	s10 =	sadd.s32 $0xFFFFF620, s12;
	[sflag:s31] =	ssyncset.done $0x0  }
0x111: {  	s17 =	sadd.s32 $0xFFFFF620, s13;
	s16 =	sadd.s32 $0xA00, s10;
	[sflag:s31] =	ssyncadd.s32 $0xFFFFC000  }
0x112: {  	[tilespmem:s22], [sflag:$0x5] =	stream.linear.gather [hbm4b:s16+s2], $0x80, $0x38;
	[tilespmem:$0x1BE00] =	vst v63  }
0x113: {  	s8 =	sadd.s32 $0xA00, s17  }
0x114: {  	[tilespmem:s2], [sflag:$0x5] =	stream.linear.gather [hbm4b:s8+s2], $0x80, $0x38;
	[tilespmem:$0x1BE00] =	vst v63  }
0x115: {  	_ =	swait.ge [sflag:s23], $0x80  }
0x116: {  	[sflag:s23] =	ssyncset.done $0x0  }
0x117: {  	[sflag:s23] =	ssyncadd.s32 $0xFFFFFF80  }
0x118: {  	_ =	swait.ge [sflag:s23], $0x80  }
0x119: {  	[sflag:s23] =	ssyncset.done $0x0  }
0x11a: {  	[sflag:s23] =	ssyncadd.s32 $0xFFFFFF80  }
0x11b: {  	[tilespmem:s25], [sflag:$0x1] =	stream.indirect.gather [hbm4b:s3+s24], $0x80, s2, s24, $0xb8;
	[tilespmem:$0x1BE00] =	vst v63  }
0x11c: {  	_ =	swait.ge [sflag:s0], $0x4000  }
0x11d: {  	[sflag:s0] =	ssyncset.done $0x0  }
0x11e: {  	[sflag:s0] =	ssyncadd.s32 $0xFFFFC000  }
0x11f: {  	[spmem:s1] =	stream.indirect.scatter.add.f32 [tilespmem:s29], [sflag:$0x4], $0x80, s26, s24, $0xb8;
	[tilespmem:$0x1BE00] =	vst v63  }
0x120: {  	_ =	swait.ge [sflag:s4], $0x4000  }
0x121: {  	[sflag:s4] =	ssyncset.done $0x0  }
0x122: {  	s10 =	sadd.s32 $0xA10, s10;
	[sflag:s4] =	ssyncadd.s32 $0xFFFFC000  }
0x123: {  	[tilespmem:s26], [sflag:$0x6] =	stream.linear.gather [hbm4b:s10+s2], $0x80, $0x38;
	[tilespmem:$0x1BE00] =	vst v63  }
0x124: {  	s17 =	sadd.s32 $0xA10, s17  }
0x125: {  	[tilespmem:s24], [sflag:$0x6] =	stream.linear.gather [hbm4b:s17+s2], $0x80, $0x38;
	[tilespmem:$0x1BE00] =	vst v63  }
0x126: {  	_ =	swait.ge [sflag:s28], $0x80  }
0x127: {  	[sflag:s28] =	ssyncset.done $0x0  }
0x128: {  	[sflag:s28] =	ssyncadd.s32 $0xFFFFFF80  }
0x129: {  	_ =	swait.ge [sflag:s28], $0x80  }
0x12a: {  	[sflag:s28] =	ssyncset.done $0x0  }
0x12b: {  	s10 =	simm.s32 $0xFFFFF640;
	[sflag:s28] =	ssyncadd.s32 $0xFFFFFF80  }
.LBB2_3:
0x12c: {  	[tilespmem:s29], [sflag:$0x2] =	stream.indirect.gather [hbm4b:s3+s24], $0x80, s24, s24, $0xb8;
	[tilespmem:$0x1BE00] =	vst v63  }
0x12d: {  	s16 =	smov.u32 s10  }
0x12e: {  	p1 =	sne.s32 s10, $0xFFFFFFE0;
	s10 =	sadd.s32 $0x20, s10;
	_ =	swait.ge [sflag:s30], $0x4000  }
0x12f: {  	[sflag:s30] =	ssyncset.done $0x0  }
0x130: {  	[sflag:s30] =	ssyncadd.s32 $0xFFFFC000  }
0x131: {  	[spmem:s1] =	stream.indirect.scatter.add.f32 [tilespmem:s25], [sflag:$0x3], $0x80, s22, s24, $0xb8;
	[tilespmem:$0x1BE00] =	vst v63  }
0x132: {  	_ =	swait.ge [sflag:s31], $0x4000  }
0x133: {  	s17 =	sadd.s32 s16, s12;
	[sflag:s31] =	ssyncset.done $0x0  }
0x134: {  	s16 =	sadd.s32 s16, s13;
	s8 =	sadd.s32 $0xA00, s17;
	[sflag:s31] =	ssyncadd.s32 $0xFFFFC000  }
0x135: {  	[tilespmem:s22], [sflag:$0x5] =	stream.linear.gather [hbm4b:s8+s2], $0x80, $0x38;
	[tilespmem:$0x1BE00] =	vst v63  }
0x136: {  	s8 =	sadd.s32 $0xA00, s16  }
0x137: {  	[tilespmem:s2], [sflag:$0x5] =	stream.linear.gather [hbm4b:s8+s2], $0x80, $0x38;
	[tilespmem:$0x1BE00] =	vst v63  }
0x138: {  	_ =	swait.ge [sflag:s23], $0x80  }
0x139: {  	[sflag:s23] =	ssyncset.done $0x0  }
0x13a: {  	[sflag:s23] =	ssyncadd.s32 $0xFFFFFF80  }
0x13b: {  	_ =	swait.ge [sflag:s23], $0x80  }
0x13c: {  	[sflag:s23] =	ssyncset.done $0x0  }
0x13d: {  	[sflag:s23] =	ssyncadd.s32 $0xFFFFFF80  }
0x13e: {  	[tilespmem:s25], [sflag:$0x1] =	stream.indirect.gather [hbm4b:s3+s24], $0x80, s2, s24, $0xb8;
	[tilespmem:$0x1BE00] =	vst v63  }
0x13f: {  	_ =	swait.ge [sflag:s0], $0x4000  }
0x140: {  	[sflag:s0] =	ssyncset.done $0x0  }
0x141: {  	[sflag:s0] =	ssyncadd.s32 $0xFFFFC000  }
0x142: {  	[spmem:s1] =	stream.indirect.scatter.add.f32 [tilespmem:s29], [sflag:$0x4], $0x80, s26, s24, $0xb8;
	[tilespmem:$0x1BE00] =	vst v63  }
0x143: {  	_ =	swait.ge [sflag:s4], $0x4000  }
0x144: {  	[sflag:s4] =	ssyncset.done $0x0  }
0x145: {  	s8 =	sadd.s32 $0xA10, s17;
	[sflag:s4] =	ssyncadd.s32 $0xFFFFC000  }
0x146: {  	[tilespmem:s26], [sflag:$0x6] =	stream.linear.gather [hbm4b:s8+s2], $0x80, $0x38;
	[tilespmem:$0x1BE00] =	vst v63  }
0x147: {  	s8 =	sadd.s32 $0xA10, s16  }
0x148: {  	[tilespmem:s24], [sflag:$0x6] =	stream.linear.gather [hbm4b:s8+s2], $0x80, $0x38;
	[tilespmem:$0x1BE00] =	vst v63  }
0x149: {  	_ =	swait.ge [sflag:s28], $0x80  }
.Ltmp6:
0x14a: {  	[sflag:s28] =	ssyncset.done $0x0;
	(pc) =	sbr.rel @p1 .LBB2_3-.Ltmp6, $4  }
0x14b: {  	[sflag:s28] =	ssyncadd.s32 $0xFFFFFF80  }
0x14c: {  	_ =	swait.ge [sflag:s28], $0x80  }
0x14d: {  	[sflag:s28] =	ssyncset.done $0x0  }
0x14e: {  	[sflag:s28] =	ssyncadd.s32 $0xFFFFFF80  }
0x14f: {  	[tilespmem:s29], [sflag:$0x2] =	stream.indirect.gather [hbm4b:s3+s24], $0x80, s24, s24, $0xb8;
	[tilespmem:$0x1BE00] =	vst v63  }
0x150: {  	_ =	swait.ge [sflag:s30], $0x4000  }
0x151: {  	[sflag:s30] =	ssyncset.done $0x0  }
0x152: {  	[sflag:s30] =	ssyncadd.s32 $0xFFFFC000  }
0x153: {  	[spmem:s1] =	stream.indirect.scatter.add.f32 [tilespmem:s25], [sflag:$0x3], $0x80, s22, s24, $0xb8;
	[tilespmem:$0x1BE00] =	vst v63  }
0x154: {  	_ =	swait.ge [sflag:s31], $0x4000  }
0x155: {  	[sflag:s31] =	ssyncset.done $0x0  }
0x156: {  	[sflag:s31] =	ssyncadd.s32 $0xFFFFC000  }
0x157: {  	_ =	swait.ge [sflag:s0], $0x4000  }
0x158: {  	[sflag:s0] =	ssyncset.done $0x0  }
0x159: {  	[sflag:s0] =	ssyncadd.s32 $0xFFFFC000  }
0x15a: {  	[spmem:s1] =	stream.indirect.scatter.add.f32 [tilespmem:s29], [sflag:$0x4], $0x80, s26, s24, $0xb8;
	[tilespmem:$0x1BE00] =	vst v63  }
0x15b: {  	_ =	swait.ge [sflag:s4], $0x4000  }
0x15c: {  	[sflag:s4] =	ssyncset.done $0x0  }
0x15d: {  	[sflag:s4] =	ssyncadd.s32 $0xFFFFC000  }
0x15e: {  	[bflag:$0x0] =	sbarrier.arrive $0xFFFF  }
0x15f: {  	s8 =	rddreg [dreg:$0x6]  }
0x160: {  	[hbm:s8], [sflag:s19] =	dma.local [spmem:s20], $0x2780  }
0x161: {  	_ =	swait.ge [sflag:s21], $0x2780  }
0x162: {  	[sflag:s21] =	ssyncset.done $0x0  }
0x163: {  	[sflag:s21] =	ssyncadd.s32 $0xFFFFD880  }
0x164: {  	[bflag:$0x0] =	sbarrier.arrive $0xFFFF  }
0x165: {  	[spmem:s20], [sflag:s19] =	dma.local [hbm:s11], $0x2780  }
0x166: {  	_ =	swait.ge [sflag:s21], $0x2780  }
0x167: {  	[sflag:s21] =	ssyncset.done $0x0  }
0x168: {  	[sflag:s21] =	ssyncadd.s32 $0xFFFFD880  }
0x169: {  	[bflag:$0x0] =	sbarrier.arrive $0xFFFF  }
0x16a: {  	[tilespmem:s22], [sflag:$0x5] =	stream.linear.gather [hbm4b:s12+s2], $0x80, $0x38;
	[tilespmem:$0x1BE00] =	vst v63  }
0x16b: {  	_ = 	snop  }
0x16c: {  	[tilespmem:s2], [sflag:$0x5] =	stream.linear.gather [hbm4b:s13+s2], $0x80, $0x38;
	[tilespmem:$0x1BE00] =	vst v63  }
0x16d: {  	_ =	swait.ge [sflag:s23], $0x80  }
0x16e: {  	[sflag:s23] =	ssyncset.done $0x0  }
0x16f: {  	[sflag:s23] =	ssyncadd.s32 $0xFFFFFF80  }
0x170: {  	_ =	swait.ge [sflag:s23], $0x80  }
0x171: {  	[sflag:s23] =	ssyncset.done $0x0  }
0x172: {  	[sflag:s23] =	ssyncadd.s32 $0xFFFFFF80  }
0x173: {  	[tilespmem:s25], [sflag:$0x1] =	stream.indirect.gather [hbm4b:s5+s24], $0x80, s2, s24, $0xb8;
	[tilespmem:$0x1BE00] =	vst v63  }
0x174: {  	_ = 	snop  }
0x175: {  	[tilespmem:s26], [sflag:$0x6] =	stream.linear.gather [hbm4b:s14+s2], $0x80, $0x38;
	[tilespmem:$0x1BE00] =	vst v63  }
0x176: {  	_ = 	snop  }
0x177: {  	[tilespmem:s24], [sflag:$0x6] =	stream.linear.gather [hbm4b:s15+s2], $0x80, $0x38;
	[tilespmem:$0x1BE00] =	vst v63  }
0x178: {  	_ =	swait.ge [sflag:s28], $0x80  }
0x179: {  	[sflag:s28] =	ssyncset.done $0x0  }
0x17a: {  	[sflag:s28] =	ssyncadd.s32 $0xFFFFFF80  }
0x17b: {  	_ =	swait.ge [sflag:s28], $0x80  }
0x17c: {  	[sflag:s28] =	ssyncset.done $0x0  }
0x17d: {  	[sflag:s28] =	ssyncadd.s32 $0xFFFFFF80  }
0x17e: {  	[tilespmem:s29], [sflag:$0x2] =	stream.indirect.gather [hbm4b:s5+s24], $0x80, s24, s24, $0xb8;
	[tilespmem:$0x1BE00] =	vst v63  }
0x17f: {  	_ =	swait.ge [sflag:s30], $0x4000  }
0x180: {  	[sflag:s30] =	ssyncset.done $0x0  }
0x181: {  	[sflag:s30] =	ssyncadd.s32 $0xFFFFC000  }
0x182: {  	[spmem:s1] =	stream.indirect.scatter.add.f32 [tilespmem:s25], [sflag:$0x3], $0x80, s22, s24, $0xb8;
	[tilespmem:$0x1BE00] =	vst v63  }
0x183: {  	_ =	swait.ge [sflag:s31], $0x4000  }
0x184: {  	s8 =	sadd.s32 $0xFFFFF620, s12;
	[sflag:s31] =	ssyncset.done $0x0  }
0x185: {  	s16 =	sadd.s32 $0xFFFFF620, s13;
	s10 =	sadd.s32 $0xA00, s8;
	[sflag:s31] =	ssyncadd.s32 $0xFFFFC000  }
0x186: {  	[tilespmem:s22], [sflag:$0x5] =	stream.linear.gather [hbm4b:s10+s2], $0x80, $0x38;
	[tilespmem:$0x1BE00] =	vst v63  }
0x187: {  	s17 =	sadd.s32 $0xA00, s16  }
0x188: {  	[tilespmem:s2], [sflag:$0x5] =	stream.linear.gather [hbm4b:s17+s2], $0x80, $0x38;
	[tilespmem:$0x1BE00] =	vst v63  }
0x189: {  	_ =	swait.ge [sflag:s23], $0x80  }
0x18a: {  	[sflag:s23] =	ssyncset.done $0x0  }
0x18b: {  	[sflag:s23] =	ssyncadd.s32 $0xFFFFFF80  }
0x18c: {  	_ =	swait.ge [sflag:s23], $0x80  }
0x18d: {  	[sflag:s23] =	ssyncset.done $0x0  }
0x18e: {  	[sflag:s23] =	ssyncadd.s32 $0xFFFFFF80  }
0x18f: {  	[tilespmem:s25], [sflag:$0x1] =	stream.indirect.gather [hbm4b:s5+s24], $0x80, s2, s24, $0xb8;
	[tilespmem:$0x1BE00] =	vst v63  }
0x190: {  	_ =	swait.ge [sflag:s0], $0x4000  }
0x191: {  	[sflag:s0] =	ssyncset.done $0x0  }
0x192: {  	[sflag:s0] =	ssyncadd.s32 $0xFFFFC000  }
0x193: {  	[spmem:s1] =	stream.indirect.scatter.add.f32 [tilespmem:s29], [sflag:$0x4], $0x80, s26, s24, $0xb8;
	[tilespmem:$0x1BE00] =	vst v63  }
0x194: {  	_ =	swait.ge [sflag:s4], $0x4000  }
0x195: {  	[sflag:s4] =	ssyncset.done $0x0  }
0x196: {  	s8 =	sadd.s32 $0xA10, s8;
	[sflag:s4] =	ssyncadd.s32 $0xFFFFC000  }
0x197: {  	[tilespmem:s26], [sflag:$0x6] =	stream.linear.gather [hbm4b:s8+s2], $0x80, $0x38;
	[tilespmem:$0x1BE00] =	vst v63  }
0x198: {  	s17 =	sadd.s32 $0xA10, s16  }
0x199: {  	[tilespmem:s24], [sflag:$0x6] =	stream.linear.gather [hbm4b:s17+s2], $0x80, $0x38;
	[tilespmem:$0x1BE00] =	vst v63  }
0x19a: {  	_ =	swait.ge [sflag:s28], $0x80  }
0x19b: {  	[sflag:s28] =	ssyncset.done $0x0  }
0x19c: {  	[sflag:s28] =	ssyncadd.s32 $0xFFFFFF80  }
0x19d: {  	_ =	swait.ge [sflag:s28], $0x80  }
0x19e: {  	[sflag:s28] =	ssyncset.done $0x0  }
0x19f: {  	s10 =	simm.s32 $0xFFFFF640;
	[sflag:s28] =	ssyncadd.s32 $0xFFFFFF80  }
.LBB2_5:
0x1a0: {  	[tilespmem:s29], [sflag:$0x2] =	stream.indirect.gather [hbm4b:s5+s24], $0x80, s24, s24, $0xb8;
	[tilespmem:$0x1BE00] =	vst v63  }
0x1a1: {  	s8 =	smov.u32 s10  }
0x1a2: {  	p1 =	seq.s32 s10, $0xFFFFFFE0;
	s10 =	sadd.s32 $0x20, s10;
	_ =	swait.ge [sflag:s30], $0x4000  }
0x1a3: {  	[sflag:s30] =	ssyncset.done $0x0  }
0x1a4: {  	[sflag:s30] =	ssyncadd.s32 $0xFFFFC000  }
0x1a5: {  	[spmem:s1] =	stream.indirect.scatter.add.f32 [tilespmem:s25], [sflag:$0x3], $0x80, s22, s24, $0xb8;
	[tilespmem:$0x1BE00] =	vst v63  }
0x1a6: {  	_ =	swait.ge [sflag:s31], $0x4000  }
0x1a7: {  	s16 =	sadd.s32 s8, s12;
	[sflag:s31] =	ssyncset.done $0x0  }
0x1a8: {  	s8 =	sadd.s32 s8, s13;
	s17 =	sadd.s32 $0xA00, s16;
	[sflag:s31] =	ssyncadd.s32 $0xFFFFC000  }
0x1a9: {  	[tilespmem:s22], [sflag:$0x5] =	stream.linear.gather [hbm4b:s17+s2], $0x80, $0x38;
	[tilespmem:$0x1BE00] =	vst v63  }
0x1aa: {  	s17 =	sadd.s32 $0xA00, s8  }
0x1ab: {  	[tilespmem:s2], [sflag:$0x5] =	stream.linear.gather [hbm4b:s17+s2], $0x80, $0x38;
	[tilespmem:$0x1BE00] =	vst v63  }
0x1ac: {  	_ =	swait.ge [sflag:s23], $0x80  }
0x1ad: {  	[sflag:s23] =	ssyncset.done $0x0  }
0x1ae: {  	[sflag:s23] =	ssyncadd.s32 $0xFFFFFF80  }
0x1af: {  	_ =	swait.ge [sflag:s23], $0x80  }
0x1b0: {  	[sflag:s23] =	ssyncset.done $0x0  }
0x1b1: {  	[sflag:s23] =	ssyncadd.s32 $0xFFFFFF80  }
0x1b2: {  	[tilespmem:s25], [sflag:$0x1] =	stream.indirect.gather [hbm4b:s5+s24], $0x80, s2, s24, $0xb8;
	[tilespmem:$0x1BE00] =	vst v63  }
0x1b3: {  	_ =	swait.ge [sflag:s0], $0x4000  }
0x1b4: {  	[sflag:s0] =	ssyncset.done $0x0  }
0x1b5: {  	[sflag:s0] =	ssyncadd.s32 $0xFFFFC000  }
0x1b6: {  	[spmem:s1] =	stream.indirect.scatter.add.f32 [tilespmem:s29], [sflag:$0x4], $0x80, s26, s24, $0xb8;
	[tilespmem:$0x1BE00] =	vst v63  }
0x1b7: {  	_ =	swait.ge [sflag:s4], $0x4000  }
0x1b8: {  	[sflag:s4] =	ssyncset.done $0x0  }
0x1b9: {  	s16 =	sadd.s32 $0xA10, s16;
	[sflag:s4] =	ssyncadd.s32 $0xFFFFC000  }
0x1ba: {  	[tilespmem:s26], [sflag:$0x6] =	stream.linear.gather [hbm4b:s16+s2], $0x80, $0x38;
	[tilespmem:$0x1BE00] =	vst v63  }
0x1bb: {  	s8 =	sadd.s32 $0xA10, s8  }
0x1bc: {  	[tilespmem:s24], [sflag:$0x6] =	stream.linear.gather [hbm4b:s8+s2], $0x80, $0x38;
	[tilespmem:$0x1BE00] =	vst v63  }
0x1bd: {  	_ =	swait.ge [sflag:s28], $0x80  }
.Ltmp7:
0x1be: {  	[sflag:s28] =	ssyncset.done $0x0;
	(pc) =	sbr.rel @!p1 .LBB2_5-.Ltmp7, $4  }
0x1bf: {  	[sflag:s28] =	ssyncadd.s32 $0xFFFFFF80  }
0x1c0: {  	_ =	swait.ge [sflag:s28], $0x80  }
0x1c1: {  	[sflag:s28] =	ssyncset.done $0x0  }
0x1c2: {  	[sflag:s28] =	ssyncadd.s32 $0xFFFFFF80  }
.Ltmp8:
0x1c3: {  	(pc) =	sbr.rel .LBB2_12-.Ltmp8, $3  }
0x1c4: {  	_ =	sdelay $0x1  }
0x1c5: {  	[tilespmem:s29], [sflag:$0x2] =	stream.indirect.gather [hbm4b:s5+s24], $0x80, s24, s24, $0xb8;
	[tilespmem:$0x1BE00] =	vst v63  }
0x1c6: {  	s10 =	rddreg [dreg:$0x4]  }
.LBB2_13:
0x1c7: {  	_ =	sfence.sel $0x180000  }
0x1c8: {  	[bflag:$0x0] =	sbarrier.arrive $0xFFFF  }
0x1c9: {  	_ =	strace $0x9000004A  }
0x1ca: {  	s0 =	stileid.u32;
	[bflag:$0x2] =	sbarrier.arrive $0xFFFF  }
0x1cb: {  	p0 =	sne.s32 s0, $0x0;
	s0 =	rddreg [dreg:$0x2]  }
0x1cc: {  	s0 =	sadd.s32 @!p0 $0x100000, s0  }
0x1cd: {  	[sflag:s0] =	ssyncadd.tile.s32 @!p0 $0x1;
	_ =	shalt  }
.Lfunc_end2:
_tile_overlayer_lowered:
.L_overlay_start_2:
0x1ce: {  	(tag) =	ssettag $0x2  }
0x1cf: {  	s0 =	rddreg [dreg:$0x0];
	s2 =	stileid.u32  }
0x1d0: {  	s1 =	rddreg [dreg:$0x1];
	p0 =	sne.s32 s2, $0x0  }
0x1d1: {  	s3 =	rddreg [dreg:$0x2];
	[bflag:$0x3] =	sbarrier.arrive $0xFFFF;
	s2 =	simm.s32 @!p0 $0x1C07  }
0x1d2: {  	[timem:s3], [sflag:s2] =	dma.local @!p0 [hbm:s0], s1  }
0x1d3: {  	s0 =	simm.s32 @!p0 $0x7  }
0x1d4: {  	_ =	swait.ge @!p0 [sflag:s0], s1  }
0x1d5: {  	s1 =	ssub.s32 @!p0 $0x0, s1;
	[sflag:s0] =	ssyncset.done @!p0 $0x0  }
0x1d6: {  	[sflag:s0] =	ssyncadd.s32 @!p0 s1  }
0x1d7: {  	[bflag:$0x3] =	sbarrier.arrive $0xFFFF  }
0x1d8: {  	_ =	shalt  }

</sc_bundles>
